<compile_context>
chip_gen: v7x
topology: tpu7x:2x2x1
jax: 0.10.2.dev20260603
libtpu: 0.0.44.dev20260713+nightly
codegen_flags: <defaults>
</compile_context>

<pallas_src>
import functools

import numpy as _np

import jax
import jax.numpy as jnp
from jax import lax
from jax.experimental import pallas as pl
from jax.experimental.pallas import tpu as pltpu
from jax.experimental.pallas import tpu_sc as plsc

N_OV = 10000
N_OF = 20000
N_SV = 600
N_SF = 1000
S = 8

P_OV = 10240
P_OF = 20480
P_Q = 1024
P_SAMP = 8192

NC = 2
NS = 16
NW = NC * NS
LANES = 16

WF_PER = P_OF // NW
QF_PER = P_Q // NW
QR_PER = P_SAMP // NW
WR_PER = P_OV // NW

BIG = 1e30


def _sc_pack(ov_flat, of_flat, sv_flat, sf_flat, a_flat, b_flat, c_flat):
    mesh = plsc.VectorSubcoreMesh(core_axis_name="c", subcore_axis_name="s")

    @functools.partial(
        pl.kernel,
        mesh=mesh,
        compiler_params=pltpu.CompilerParams(needs_layout_passes=False),
        out_type=[
            jax.ShapeDtypeStruct((8, P_OF), jnp.float32),
            jax.ShapeDtypeStruct((8, P_Q), jnp.float32),
            jax.ShapeDtypeStruct((8, P_SAMP), jnp.float32),
            jax.ShapeDtypeStruct((8, P_OV), jnp.float32),
            jax.ShapeDtypeStruct((P_OF,), jnp.float32),
            jax.ShapeDtypeStruct((P_Q,), jnp.float32),
            jax.ShapeDtypeStruct((P_SAMP,), jnp.float32),
            jax.ShapeDtypeStruct((P_OV,), jnp.float32),
        ],
        scratch_types=[
            pltpu.VMEM((30720,), jnp.float32),
            pltpu.VMEM((3 * WF_PER,), jnp.int32),
            pltpu.VMEM((2048,), jnp.float32),
            pltpu.VMEM((3072,), jnp.int32),
            pltpu.VMEM((QR_PER,), jnp.float32),
            pltpu.VMEM((QR_PER,), jnp.float32),
            pltpu.VMEM((QR_PER,), jnp.float32),
            pltpu.VMEM((8, WF_PER), jnp.float32),
            pltpu.VMEM((8, 128), jnp.float32),
            pltpu.VMEM((8, QR_PER), jnp.float32),
            pltpu.VMEM((8, 128), jnp.float32),
            pltpu.VMEM((WF_PER,), jnp.float32),
            pltpu.VMEM((128,), jnp.float32),
            pltpu.VMEM((QR_PER,), jnp.float32),
            pltpu.VMEM((128,), jnp.float32),
        ],
    )
    def body(ov_h, of_h, sv_h, sf_h, a_h, b_h, c_h,
             wf_h, qf_h, qr_h, wr_h, vnf_h, qnf_h, qnr_h, vnr_h,
             ov_v, of_v, sv_v, sf_v, a_v, b_v, c_v,
             wf_s, qf_s, qr_s, wr_s, vnf_s, qnf_s, qnr_s, vnr_s):
        wid = lax.axis_index("s") * NC + lax.axis_index("c")

        pltpu.sync_copy(ov_h, ov_v)
        pltpu.sync_copy(of_h.at[pl.ds(wid * 3 * WF_PER, 3 * WF_PER)], of_v)
        pltpu.sync_copy(sv_h, sv_v)
        pltpu.sync_copy(sf_h, sf_v)
        pltpu.sync_copy(a_h.at[pl.ds(wid * QR_PER, QR_PER)], a_v)
        pltpu.sync_copy(b_h.at[pl.ds(wid * QR_PER, QR_PER)], b_v)
        pltpu.sync_copy(c_h.at[pl.ds(wid * QR_PER, QR_PER)], c_v)

        iota = lax.iota(jnp.int32, LANES)
        ones = jnp.full((LANES,), 1.0, jnp.float32)
        zeros = jnp.zeros((LANES,), jnp.float32)

        def gat_f(ref, idx):
            return plsc.load_gather(ref, [idx])

        def tri_coords(faces_ref, fidx):
            g0 = plsc.load_gather(faces_ref, [fidx * 3])
            g1 = plsc.load_gather(faces_ref, [fidx * 3 + 1])
            g2 = plsc.load_gather(faces_ref, [fidx * 3 + 2])
            return g0, g1, g2

        def wf_body(i, carry):
            base = i * LANES
            col_l = base + iota
            g0, g1, g2 = tri_coords(of_v, col_l)
            third = jnp.full((LANES,), 1.0 / 3.0, jnp.float32)
            bx = (gat_f(ov_v, g0 * 3) + gat_f(ov_v, g1 * 3) + gat_f(ov_v, g2 * 3)) * third
            by = (gat_f(ov_v, g0 * 3 + 1) + gat_f(ov_v, g1 * 3 + 1) + gat_f(ov_v, g2 * 3 + 1)) * third
            bz = (gat_f(ov_v, g0 * 3 + 2) + gat_f(ov_v, g1 * 3 + 2) + gat_f(ov_v, g2 * 3 + 2)) * third
            col_g = col_l + wid * WF_PER
            nrm = bx * bx + by * by + bz * bz
            nrm = jnp.where(col_g < N_OF, nrm, BIG)
            sl = pl.ds(base, LANES)
            wf_s[0, sl] = -2.0 * bx
            wf_s[1, sl] = -2.0 * by
            wf_s[2, sl] = -2.0 * bz
            wf_s[3, sl] = zeros
            wf_s[4, sl] = zeros
            wf_s[5, sl] = zeros
            wf_s[6, sl] = zeros
            wf_s[7, sl] = zeros
            vnf_s[sl] = nrm
            return carry

        lax.fori_loop(0, WF_PER // LANES, wf_body, 0)

        @pl.when(wid < 8)
        def _qt_fwd():
            def qf_body(i, carry):
                base = i * LANES
                col_g = base + iota + wid * 128
                g0, g1, g2 = tri_coords(sf_v, col_g)
                third = jnp.full((LANES,), 1.0 / 3.0, jnp.float32)
                bx = (gat_f(sv_v, g0 * 3) + gat_f(sv_v, g1 * 3) + gat_f(sv_v, g2 * 3)) * third
                by = (gat_f(sv_v, g0 * 3 + 1) + gat_f(sv_v, g1 * 3 + 1) + gat_f(sv_v, g2 * 3 + 1)) * third
                bz = (gat_f(sv_v, g0 * 3 + 2) + gat_f(sv_v, g1 * 3 + 2) + gat_f(sv_v, g2 * 3 + 2)) * third
                sl = pl.ds(base, LANES)
                qf_s[0, sl] = bx
                qf_s[1, sl] = by
                qf_s[2, sl] = bz
                qf_s[3, sl] = zeros
                qf_s[4, sl] = zeros
                qf_s[5, sl] = zeros
                qf_s[6, sl] = zeros
                qf_s[7, sl] = zeros
                qnf_s[sl] = bx * bx + by * by + bz * bz
                return carry

            lax.fori_loop(0, 128 // LANES, qf_body, 0)
            pltpu.sync_copy(qf_s, qf_h.at[:, pl.ds(wid * 128, 128)])
            pltpu.sync_copy(qnf_s, qnf_h.at[pl.ds(wid * 128, 128)])

        def qr_body(i, carry):
            base = i * LANES
            col_l = base + iota
            col_g = col_l + wid * QR_PER
            f = lax.shift_right_logical(col_g, 3)
            g0, g1, g2 = tri_coords(sf_v, f)
            sl = pl.ds(base, LANES)
            av = a_v[sl]
            bv = b_v[sl]
            cv = c_v[sl]
            sx = av * gat_f(sv_v, g0 * 3) + bv * gat_f(sv_v, g1 * 3) + cv * gat_f(sv_v, g2 * 3)
            sy = av * gat_f(sv_v, g0 * 3 + 1) + bv * gat_f(sv_v, g1 * 3 + 1) + cv * gat_f(sv_v, g2 * 3 + 1)
            sz = av * gat_f(sv_v, g0 * 3 + 2) + bv * gat_f(sv_v, g1 * 3 + 2) + cv * gat_f(sv_v, g2 * 3 + 2)
            qr_s[0, sl] = sx
            qr_s[1, sl] = sy
            qr_s[2, sl] = sz
            qr_s[3, sl] = zeros
            qr_s[4, sl] = zeros
            qr_s[5, sl] = zeros
            qr_s[6, sl] = zeros
            qr_s[7, sl] = zeros
            qnr_s[sl] = sx * sx + sy * sy + sz * sz
            return carry

        lax.fori_loop(0, QR_PER // LANES, qr_body, 0)

        for k in range(3):
            chunk = wid + 32 * k

            @pl.when(chunk < 80)
            def _wr_chunk(chunk=chunk):
                def wr_body(i, carry):
                    base = i * LANES
                    col_g = base + iota + chunk * 128
                    vx = gat_f(ov_v, col_g * 3)
                    vy = gat_f(ov_v, col_g * 3 + 1)
                    vz = gat_f(ov_v, col_g * 3 + 2)
                    nrm = vx * vx + vy * vy + vz * vz
                    nrm = jnp.where(col_g < N_OV, nrm, BIG)
                    sl = pl.ds(base, LANES)
                    wr_s[0, sl] = -2.0 * vx
                    wr_s[1, sl] = -2.0 * vy
                    wr_s[2, sl] = -2.0 * vz
                    wr_s[3, sl] = zeros
                    wr_s[4, sl] = zeros
                    wr_s[5, sl] = zeros
                    wr_s[6, sl] = zeros
                    wr_s[7, sl] = zeros
                    vnr_s[sl] = nrm
                    return carry

                lax.fori_loop(0, 128 // LANES, wr_body, 0)
                pltpu.sync_copy(wr_s, wr_h.at[:, pl.ds(chunk * 128, 128)])
                pltpu.sync_copy(vnr_s, vnr_h.at[pl.ds(chunk * 128, 128)])

        pltpu.sync_copy(wf_s, wf_h.at[:, pl.ds(wid * WF_PER, WF_PER)])
        pltpu.sync_copy(qr_s, qr_h.at[:, pl.ds(wid * QR_PER, QR_PER)])
        pltpu.sync_copy(vnf_s, vnf_h.at[pl.ds(wid * WF_PER, WF_PER)])
        pltpu.sync_copy(qnr_s, qnr_h.at[pl.ds(wid * QR_PER, QR_PER)])

    return body(ov_flat, of_flat, sv_flat, sf_flat, a_flat, b_flat, c_flat)


def _stack3_in_kernel(x):
    xh = x.astype(jnp.bfloat16)
    xl = (x - xh.astype(jnp.float32)).astype(jnp.bfloat16)
    return xh, xl


def _fwd_tc(qt, w, vn, qn, p_pad):
    jblk = 4096
    njb = P_OF // jblk
    dn = (((0,), (0,)), ((), ()))

    def body(qt_ref, w_ref, vn_ref, qn_ref, p_ref, fwd_out, sump_out, acc):
        j = pl.program_id(0)
        qh, ql = _stack3_in_kernel(qt_ref[...])
        wh, wl = _stack3_in_kernel(w_ref[...])
        q3 = jnp.concatenate([qh, qh, ql], axis=0)
        w3 = jnp.concatenate([wh, wl, wh], axis=0)
        d = lax.dot_general(q3, w3, dn, preferred_element_type=jnp.float32)
        vnr = vn_ref[...]
        m = None
        for k in range(jblk // 128):
            sl = slice(k * 128, (k + 1) * 128)
            chunk = d[:, sl] + vnr[:, sl]
            m = chunk if m is None else jnp.minimum(m, chunk)
        acc[...] = jnp.where(j == 0, m, jnp.minimum(acc[...], m))

        @pl.when(j == njb - 1)
        def _():
            p = p_ref[...]
            sp = jnp.sum(p)
            row_min = jnp.min(acc[...], axis=1, keepdims=True) + qn_ref[...]
            fwd_out[...] = jnp.full((1, 1), jnp.sum(p * row_min) + 1e-4 * (float(N_SF) - sp), jnp.float32)
            sump_out[...] = jnp.full((1, 1), sp, jnp.float32)

    return pl.pallas_call(
        body,
        grid=(njb,),
        in_specs=[
            pl.BlockSpec((8, P_Q), lambda j: (0, 0)),
            pl.BlockSpec((8, jblk), lambda j: (0, j)),
            pl.BlockSpec((1, jblk), lambda j: (0, j)),
            pl.BlockSpec((P_Q, 1), lambda j: (0, 0)),
            pl.BlockSpec((P_Q, 1), lambda j: (0, 0)),
        ],
        out_specs=[
            pl.BlockSpec((1, 1), lambda j: (0, 0)),
            pl.BlockSpec((1, 1), lambda j: (0, 0)),
        ],
        out_shape=[
            jax.ShapeDtypeStruct((1, 1), jnp.float32),
            jax.ShapeDtypeStruct((1, 1), jnp.float32),
        ],
        scratch_shapes=[pltpu.VMEM((P_Q, 128), jnp.float32)],
    )(qt, w, vn, qn, p_pad)


def _rev_tc(qt, w, vn, qn, mask, fwd_term, sum_p):
    iblk = 1024
    jblk = 2560
    nib = P_SAMP // iblk
    njb = P_OV // jblk
    dn = (((0,), (0,)), ((), ()))

    def body(qt_ref, w_ref, vn_ref, qn_ref, mask_ref, fwd_ref, sp_ref, loss_out, acc, ssum, smax):
        i = pl.program_id(0)
        j = pl.program_id(1)
        qh, ql = _stack3_in_kernel(qt_ref[...])
        wh, wl = _stack3_in_kernel(w_ref[...])
        q3 = jnp.concatenate([qh, qh, ql], axis=0)
        w3 = jnp.concatenate([wh, wl, wh], axis=0)
        d = lax.dot_general(q3, w3, dn, preferred_element_type=jnp.float32)
        vnr = vn_ref[...]
        m = None
        for k in range(jblk // 128):
            sl = slice(k * 128, (k + 1) * 128)
            chunk = d[:, sl] + vnr[:, sl]
            m = chunk if m is None else jnp.minimum(m, chunk)
        acc[...] = jnp.where(j == 0, m, jnp.minimum(acc[...], m))

        @pl.when(j == njb - 1)
        def _():
            row_min = jnp.min(acc[...], axis=1, keepdims=True) + qn_ref[...]
            mm = mask_ref[...] * row_min
            s = jnp.sum(mm)
            mx = jnp.max(mm)
            ssum[0] = jnp.where(i == 0, s, ssum[0] + s)
            smax[0] = jnp.where(i == 0, mx, jnp.maximum(smax[0], mx))

            @pl.when(i == nib - 1)
            def __():
                rev_term = 0.1 * sp_ref[0, 0] * ssum[0] / smax[0]
                loss_out[...] = jnp.full((1, 1), fwd_ref[0, 0] + rev_term, jnp.float32)

    return pl.pallas_call(
        body,
        grid=(nib, njb),
        in_specs=[
            pl.BlockSpec((8, iblk), lambda i, j: (0, i)),
            pl.BlockSpec((8, jblk), lambda i, j: (0, j)),
            pl.BlockSpec((1, jblk), lambda i, j: (0, j)),
            pl.BlockSpec((iblk, 1), lambda i, j: (i, 0)),
            pl.BlockSpec((iblk, 1), lambda i, j: (i, 0)),
            pl.BlockSpec((1, 1), lambda i, j: (0, 0)),
            pl.BlockSpec((1, 1), lambda i, j: (0, 0)),
        ],
        out_specs=pl.BlockSpec((1, 1), lambda i, j: (0, 0)),
        out_shape=jax.ShapeDtypeStruct((1, 1), jnp.float32),
        scratch_shapes=[
            pltpu.VMEM((iblk, 128), jnp.float32),
            pltpu.SMEM((1,), jnp.float32),
            pltpu.SMEM((1,), jnp.float32),
        ],
    )(qt, w, vn, qn, mask, fwd_term, sum_p)


def _tf2x32(k1, k2, x0, x1):
    def rotl(x, d):
        return ((x << _np.uint32(d)) | (x >> _np.uint32(32 - d))).astype(_np.uint32)
    rot = [(13, 15, 26, 6), (17, 29, 16, 24)]
    ks = [_np.uint32(k1), _np.uint32(k2),
          _np.uint32(k1 ^ k2 ^ _np.uint32(0x1BD11BDA))]
    x = [(x0 + ks[0]).astype(_np.uint32), (x1 + ks[1]).astype(_np.uint32)]
    for i, (rs, ka, kb) in enumerate([(rot[0], 1, 2), (rot[1], 2, 0),
                                      (rot[0], 0, 1), (rot[1], 1, 2), (rot[0], 2, 0)]):
        for r in rs:
            x[0] = (x[0] + x[1]).astype(_np.uint32)
            x[1] = rotl(x[1], r)
            x[1] = (x[1] ^ x[0]).astype(_np.uint32)
        x[0] = (x[0] + ks[ka]).astype(_np.uint32)
        x[1] = (x[1] + ks[kb] + _np.uint32(i + 1)).astype(_np.uint32)
    return x[0], x[1]


def _tf_uniform(key, n):
    b1, b2 = _tf2x32(key[0], key[1], _np.zeros(n, _np.uint32),
                     _np.arange(n, dtype=_np.uint32))
    bits = b1 ^ b2
    flt = ((bits >> _np.uint32(9)) | _np.uint32(0x3F800000)).view(_np.float32)
    return _np.maximum(_np.float32(0.0), flt - _np.float32(1.0))


def _sample_consts():
    key = _np.array([0, 42], _np.uint32)
    b1, b2 = _tf2x32(key[0], key[1], _np.zeros(2, _np.uint32),
                     _np.arange(2, dtype=_np.uint32))
    k1, k2 = _np.stack([b1, b2], axis=1)
    r1 = _np.sqrt(_tf_uniform(k1, N_SF * S))
    r2 = _tf_uniform(k2, N_SF * S)
    pad = P_SAMP - N_SF * S
    a = _np.pad((_np.float32(1.0) - r1), (0, pad))
    b = _np.pad((r1 * (_np.float32(1.0) - r2)), (0, pad))
    c = _np.pad((r1 * r2), (0, pad))
    m = (_np.arange(P_SAMP) < N_SF * S).astype(_np.float32).reshape(P_SAMP, 1)
    return a, b, c, m


_A_CONST, _B_CONST, _C_CONST, _MASK_CONST = _sample_consts()


def kernel(original_vertices, original_faces, simplified_vertices,
           simplified_faces, face_probabilities):
    f32 = jnp.float32
    ov_flat = jnp.pad(original_vertices.reshape(-1).astype(f32), (0, 30720 - 3 * N_OV))
    of_flat = jnp.pad(original_faces.reshape(-1).astype(jnp.int32), (0, 3 * P_OF - 3 * N_OF))
    sv_flat = jnp.pad(simplified_vertices.reshape(-1).astype(f32), (0, 2048 - 3 * N_SV))
    sf_flat = jnp.pad(simplified_faces.reshape(-1).astype(jnp.int32), (0, 3072 - 3 * N_SF))

    a_flat, b_flat, c_flat = (jnp.asarray(_A_CONST), jnp.asarray(_B_CONST),
                              jnp.asarray(_C_CONST))

    (w_fwd, qt_fwd, qt_rev, w_rev,
     vn_fwd, qn_fwd, qn_rev, vn_rev) = _sc_pack(
        ov_flat, of_flat, sv_flat, sf_flat, a_flat, b_flat, c_flat)

    p_pad = jnp.pad(face_probabilities.astype(f32), (0, P_Q - N_SF)).reshape(P_Q, 1)
    mask = jnp.asarray(_MASK_CONST)

    fwd_term, sum_p = _fwd_tc(qt_fwd, w_fwd, vn_fwd.reshape(1, P_OF),
                              qn_fwd.reshape(P_Q, 1), p_pad)
    loss = _rev_tc(qt_rev, w_rev, vn_rev.reshape(1, P_OV),
                   qn_rev.reshape(P_SAMP, 1), mask, fwd_term, sum_p)
    return loss[0, 0]

# --- scband reference (transcript-rebuilt; emitter-appended) ---
"""Pipeline reference for scband-probabilistic-surface-distance-loss-7576322310561 (READ-ONLY COPY).

The authoritative reference and input builder live on the scoring server;
editing this copy changes nothing except your own understanding.
"""

import jax, jax.numpy as jnp
import numpy as np

K = 3
NUM_SAMPLES = 8
EPSILON = 1e-08


def setup_inputs(seed: int = 0) -> dict:
    key = jax.random.key(seed)
    k1, k2, k3, k4, k5 = jax.random.split(key, 5)
    original_vertices = jax.random.normal(k1, (10000, 3), dtype=jnp.float32)
    original_faces = jax.random.randint(k2, (20000, 3), 0, 10000)
    simplified_vertices = jax.random.normal(k3, (600, 3), dtype=jnp.float32)
    simplified_faces = jax.random.randint(k4, (1000, 3), 0, 600)
    face_probabilities = jax.random.uniform(k5, (1000,), dtype=jnp.float32)
    return {
        'original_vertices': original_vertices,
        'original_faces': original_faces,
        'simplified_vertices': simplified_vertices,
        'simplified_faces': simplified_faces,
        'face_probabilities': face_probabilities,
    }


def _barycenters(vertices, faces):
    return vertices[faces].mean(axis=1)


def _sq_dists(a, b):
    # [Na, Nb] pairwise squared distances
    return jnp.sum((a[:, None, :] - b[None, :, :]) ** 2, axis=2).astype(jnp.float32)


def reference(original_vertices, original_faces, simplified_vertices, simplified_faces, face_probabilities):
    # ---- forward term ----
    simp_bc = _barycenters(simplified_vertices, simplified_faces)
    orig_bc = _barycenters(original_vertices, original_faces)
    distances = _sq_dists(simp_bc, orig_bc)
    min_distances = distances.min(axis=1)
    forward_term = jnp.sum(face_probabilities * min_distances)
    forward_term = forward_term + 0.0001 * jnp.sum(1.0 - face_probabilities)
    # ---- reverse term ----
    # (original and simplified meshes differ in shape, so the torch.equal
    #  early-exit is always False here)
    num_faces = simplified_faces.shape[0]
    face_vertices = simplified_vertices[simplified_faces]  # [F, 3, 3]
    kr = jax.random.key(42)
    kr1, kr2 = jax.random.split(kr)
    r1 = jnp.sqrt(jax.random.uniform(kr1, (num_faces, NUM_SAMPLES, 1), dtype=jnp.float32))
    r2 = jax.random.uniform(kr2, (num_faces, NUM_SAMPLES, 1), dtype=jnp.float32)
    a = 1.0 - r1
    b = r1 * (1.0 - r2)
    c = r1 * r2
    samples = (a * face_vertices[:, None, 0]
               + b * face_vertices[:, None, 1]
               + c * face_vertices[:, None, 2])
    sampled_points = samples.reshape(-1, 3)  # [F*S, 3]
    # brute-force kNN (k=1): min squared distance to original vertices
    knn_d = _sq_dists(sampled_points, original_vertices)  # [F*S, N_o]
    min_d = knn_d.min(axis=1).reshape(-1).astype(jnp.float32)  # [F*S]
    normalized = min_d / min_d.max()
    scaled = normalized * 0.1
    # faithful quirk: [F,1] * [F*S] broadcasts to [F, F*S]
    weighted = face_probabilities.reshape(-1, 1) * scaled
    reverse_term = weighted.sum()
    return forward_term + reverse_term

if __name__ == "__main__":
    import jax
    _d = setup_inputs()
    print(jax.jit(kernel)(*tuple(_d.values())))

</pallas_src>

<mosaic_0001>
#map = affine_map<(d0, d1) -> (0)>
#map1 = affine_map<(d0, d1) -> (0, 0)>
module attributes {stable_mosaic.version = 14 : i64} {
  func.func @body(%arg0: i32, %arg1: i32, %arg2: memref<30720xf32, #tpu.memory_space<hbm>>, %arg3: memref<61440xi32, #tpu.memory_space<hbm>>, %arg4: memref<2048xf32, #tpu.memory_space<hbm>>, %arg5: memref<3072xi32, #tpu.memory_space<hbm>>, %arg6: memref<8192xf32, #tpu.memory_space<hbm>>, %arg7: memref<8192xf32, #tpu.memory_space<hbm>>, %arg8: memref<8192xf32, #tpu.memory_space<hbm>>, %arg9: memref<8x20480xf32, #tpu.memory_space<hbm>>, %arg10: memref<8x1024xf32, #tpu.memory_space<hbm>>, %arg11: memref<8x8192xf32, #tpu.memory_space<hbm>>, %arg12: memref<8x10240xf32, #tpu.memory_space<hbm>>, %arg13: memref<20480xf32, #tpu.memory_space<hbm>>, %arg14: memref<1024xf32, #tpu.memory_space<hbm>>, %arg15: memref<8192xf32, #tpu.memory_space<hbm>>, %arg16: memref<10240xf32, #tpu.memory_space<hbm>>, %arg17: memref<30720xf32, #tpu.memory_space<vmem>>, %arg18: memref<1920xi32, #tpu.memory_space<vmem>>, %arg19: memref<2048xf32, #tpu.memory_space<vmem>>, %arg20: memref<3072xi32, #tpu.memory_space<vmem>>, %arg21: memref<256xf32, #tpu.memory_space<vmem>>, %arg22: memref<256xf32, #tpu.memory_space<vmem>>, %arg23: memref<256xf32, #tpu.memory_space<vmem>>, %arg24: memref<8x640xf32, #tpu.memory_space<vmem>>, %arg25: memref<8x128xf32, #tpu.memory_space<vmem>>, %arg26: memref<8x256xf32, #tpu.memory_space<vmem>>, %arg27: memref<8x128xf32, #tpu.memory_space<vmem>>, %arg28: memref<640xf32, #tpu.memory_space<vmem>>, %arg29: memref<128xf32, #tpu.memory_space<vmem>>, %arg30: memref<256xf32, #tpu.memory_space<vmem>>, %arg31: memref<128xf32, #tpu.memory_space<vmem>>) attributes {dimension_semantics = [#tpu.dimension_semantics<core_parallel>, #tpu.dimension_semantics<subcore_parallel>], iteration_bounds = array<i64: 2, 16>, scalar_prefetch = 0 : i64, scratch_operands = 15 : i64, tpu.core_type = #tpu.core_type<sc_vector_subcore>, window_params = [{transform_indices = #map}, {transform_indices = #map}, {transform_indices = #map}, {transform_indices = #map}, {transform_indices = #map}, {transform_indices = #map}, {transform_indices = #map}, {transform_indices = #map1}, {transform_indices = #map1}, {transform_indices = #map1}, {transform_indices = #map1}, {transform_indices = #map}, {transform_indices = #map}, {transform_indices = #map}, {transform_indices = #map}]} {
    %mul3A = arith.constant 2 : i32
    %mul3A_0 = arith.muli %arg1, %mul3A : i32
    %add3A = arith.addi %mul3A_0, %arg0 : i32
    "tpu.region"() ({
      %run_scoped3A = tpu.sem_alloc : memref<!tpu.dma_semaphore, #tpu.memory_space<semaphore_mem>>
      tpu.enqueue_dma source(%arg2 : memref<30720xf32, #tpu.memory_space<hbm>>) target(%arg17 : memref<30720xf32, #tpu.memory_space<vmem>>) target_semaphore(%run_scoped3A : memref<!tpu.dma_semaphore, #tpu.memory_space<semaphore_mem>>)
      tpu.wait_dma2 semaphore(%run_scoped3A : memref<!tpu.dma_semaphore, #tpu.memory_space<semaphore_mem>>) src(%arg2 : memref<30720xf32, #tpu.memory_space<hbm>>) dst(%arg17 : memref<30720xf32, #tpu.memory_space<vmem>>)
      tpu.yield
    }) : () -> ()
    %mul3A_1 = arith.constant 3 : i32
    %mul3A_2 = arith.muli %add3A, %mul3A_1 : i32
    %mul3A_3 = arith.constant 640 : i32
    %mul3A_4 = arith.muli %mul3A_2, %mul3A_3 : i32
    "tpu.region"() ({
      %run_scoped3A = tpu.sem_alloc : memref<!tpu.dma_semaphore, #tpu.memory_space<semaphore_mem>>
      %dma_start3A = tpu.memref_slice %arg3[%mul3A_4] : memref<61440xi32, #tpu.memory_space<hbm>> -> memref<1920xi32, #tpu.memory_space<hbm>>
      %dma_start3A_56 = tpu.memref_slice %arg3[%mul3A_4] : memref<61440xi32, #tpu.memory_space<hbm>> -> memref<1920xi32, #tpu.memory_space<hbm>>
      tpu.enqueue_dma source(%dma_start3A_56 : memref<1920xi32, #tpu.memory_space<hbm>>) target(%arg18 : memref<1920xi32, #tpu.memory_space<vmem>>) target_semaphore(%run_scoped3A : memref<!tpu.dma_semaphore, #tpu.memory_space<semaphore_mem>>)
      %dma_wait3A = tpu.memref_slice %arg3[%mul3A_4] : memref<61440xi32, #tpu.memory_space<hbm>> -> memref<1920xi32, #tpu.memory_space<hbm>>
      %dma_wait3A_57 = tpu.memref_slice %arg3[%mul3A_4] : memref<61440xi32, #tpu.memory_space<hbm>> -> memref<1920xi32, #tpu.memory_space<hbm>>
      tpu.wait_dma2 semaphore(%run_scoped3A : memref<!tpu.dma_semaphore, #tpu.memory_space<semaphore_mem>>) src(%dma_wait3A_57 : memref<1920xi32, #tpu.memory_space<hbm>>) dst(%arg18 : memref<1920xi32, #tpu.memory_space<vmem>>)
      tpu.yield
    }) : () -> ()
    "tpu.region"() ({
      %run_scoped3A = tpu.sem_alloc : memref<!tpu.dma_semaphore, #tpu.memory_space<semaphore_mem>>
      tpu.enqueue_dma source(%arg4 : memref<2048xf32, #tpu.memory_space<hbm>>) target(%arg19 : memref<2048xf32, #tpu.memory_space<vmem>>) target_semaphore(%run_scoped3A : memref<!tpu.dma_semaphore, #tpu.memory_space<semaphore_mem>>)
      tpu.wait_dma2 semaphore(%run_scoped3A : memref<!tpu.dma_semaphore, #tpu.memory_space<semaphore_mem>>) src(%arg4 : memref<2048xf32, #tpu.memory_space<hbm>>) dst(%arg19 : memref<2048xf32, #tpu.memory_space<vmem>>)
      tpu.yield
    }) : () -> ()
    "tpu.region"() ({
      %run_scoped3A = tpu.sem_alloc : memref<!tpu.dma_semaphore, #tpu.memory_space<semaphore_mem>>
      tpu.enqueue_dma source(%arg5 : memref<3072xi32, #tpu.memory_space<hbm>>) target(%arg20 : memref<3072xi32, #tpu.memory_space<vmem>>) target_semaphore(%run_scoped3A : memref<!tpu.dma_semaphore, #tpu.memory_space<semaphore_mem>>)
      tpu.wait_dma2 semaphore(%run_scoped3A : memref<!tpu.dma_semaphore, #tpu.memory_space<semaphore_mem>>) src(%arg5 : memref<3072xi32, #tpu.memory_space<hbm>>) dst(%arg20 : memref<3072xi32, #tpu.memory_space<vmem>>)
      tpu.yield
    }) : () -> ()
    %mul3A_5 = arith.constant 256 : i32
    %mul3A_6 = arith.muli %add3A, %mul3A_5 : i32
    "tpu.region"() ({
      %run_scoped3A = tpu.sem_alloc : memref<!tpu.dma_semaphore, #tpu.memory_space<semaphore_mem>>
      %dma_start3A = tpu.memref_slice %arg6[%mul3A_6] : memref<8192xf32, #tpu.memory_space<hbm>> -> memref<256xf32, #tpu.memory_space<hbm>>
      %dma_start3A_56 = tpu.memref_slice %arg6[%mul3A_6] : memref<8192xf32, #tpu.memory_space<hbm>> -> memref<256xf32, #tpu.memory_space<hbm>>
      tpu.enqueue_dma source(%dma_start3A_56 : memref<256xf32, #tpu.memory_space<hbm>>) target(%arg21 : memref<256xf32, #tpu.memory_space<vmem>>) target_semaphore(%run_scoped3A : memref<!tpu.dma_semaphore, #tpu.memory_space<semaphore_mem>>)
      %dma_wait3A = tpu.memref_slice %arg6[%mul3A_6] : memref<8192xf32, #tpu.memory_space<hbm>> -> memref<256xf32, #tpu.memory_space<hbm>>
      %dma_wait3A_57 = tpu.memref_slice %arg6[%mul3A_6] : memref<8192xf32, #tpu.memory_space<hbm>> -> memref<256xf32, #tpu.memory_space<hbm>>
      tpu.wait_dma2 semaphore(%run_scoped3A : memref<!tpu.dma_semaphore, #tpu.memory_space<semaphore_mem>>) src(%dma_wait3A_57 : memref<256xf32, #tpu.memory_space<hbm>>) dst(%arg21 : memref<256xf32, #tpu.memory_space<vmem>>)
      tpu.yield
    }) : () -> ()
    %mul3A_7 = arith.constant 256 : i32
    %mul3A_8 = arith.muli %add3A, %mul3A_7 : i32
    "tpu.region"() ({
      %run_scoped3A = tpu.sem_alloc : memref<!tpu.dma_semaphore, #tpu.memory_space<semaphore_mem>>
      %dma_start3A = tpu.memref_slice %arg7[%mul3A_8] : memref<8192xf32, #tpu.memory_space<hbm>> -> memref<256xf32, #tpu.memory_space<hbm>>
      %dma_start3A_56 = tpu.memref_slice %arg7[%mul3A_8] : memref<8192xf32, #tpu.memory_space<hbm>> -> memref<256xf32, #tpu.memory_space<hbm>>
      tpu.enqueue_dma source(%dma_start3A_56 : memref<256xf32, #tpu.memory_space<hbm>>) target(%arg22 : memref<256xf32, #tpu.memory_space<vmem>>) target_semaphore(%run_scoped3A : memref<!tpu.dma_semaphore, #tpu.memory_space<semaphore_mem>>)
      %dma_wait3A = tpu.memref_slice %arg7[%mul3A_8] : memref<8192xf32, #tpu.memory_space<hbm>> -> memref<256xf32, #tpu.memory_space<hbm>>
      %dma_wait3A_57 = tpu.memref_slice %arg7[%mul3A_8] : memref<8192xf32, #tpu.memory_space<hbm>> -> memref<256xf32, #tpu.memory_space<hbm>>
      tpu.wait_dma2 semaphore(%run_scoped3A : memref<!tpu.dma_semaphore, #tpu.memory_space<semaphore_mem>>) src(%dma_wait3A_57 : memref<256xf32, #tpu.memory_space<hbm>>) dst(%arg22 : memref<256xf32, #tpu.memory_space<vmem>>)
      tpu.yield
    }) : () -> ()
    %mul3A_9 = arith.constant 256 : i32
    %mul3A_10 = arith.muli %add3A, %mul3A_9 : i32
    "tpu.region"() ({
      %run_scoped3A = tpu.sem_alloc : memref<!tpu.dma_semaphore, #tpu.memory_space<semaphore_mem>>
      %dma_start3A = tpu.memref_slice %arg8[%mul3A_10] : memref<8192xf32, #tpu.memory_space<hbm>> -> memref<256xf32, #tpu.memory_space<hbm>>
      %dma_start3A_56 = tpu.memref_slice %arg8[%mul3A_10] : memref<8192xf32, #tpu.memory_space<hbm>> -> memref<256xf32, #tpu.memory_space<hbm>>
      tpu.enqueue_dma source(%dma_start3A_56 : memref<256xf32, #tpu.memory_space<hbm>>) target(%arg23 : memref<256xf32, #tpu.memory_space<vmem>>) target_semaphore(%run_scoped3A : memref<!tpu.dma_semaphore, #tpu.memory_space<semaphore_mem>>)
      %dma_wait3A = tpu.memref_slice %arg8[%mul3A_10] : memref<8192xf32, #tpu.memory_space<hbm>> -> memref<256xf32, #tpu.memory_space<hbm>>
      %dma_wait3A_57 = tpu.memref_slice %arg8[%mul3A_10] : memref<8192xf32, #tpu.memory_space<hbm>> -> memref<256xf32, #tpu.memory_space<hbm>>
      tpu.wait_dma2 semaphore(%run_scoped3A : memref<!tpu.dma_semaphore, #tpu.memory_space<semaphore_mem>>) src(%dma_wait3A_57 : memref<256xf32, #tpu.memory_space<hbm>>) dst(%arg23 : memref<256xf32, #tpu.memory_space<vmem>>)
      tpu.yield
    }) : () -> ()
    %iota3A = tpu.iota {dimensions = array<i32: 0>} : vector<16xi32>
    %broadcast_in_dim3A = arith.constant 1.000000e+00 : f32
    %broadcast_in_dim3A_11 = vector.broadcast %broadcast_in_dim3A : f32 to vector<16xf32>
    %broadcast_in_dim3A_12 = arith.constant 0.000000e+00 : f32
    %broadcast_in_dim3A_13 = vector.broadcast %broadcast_in_dim3A_12 : f32 to vector<16xf32>
    %scan3A = arith.constant 0 : i32
    %scan3A_14 = arith.constant 0 : i32
    %scan3A_15 = arith.constant 40 : i32
    %scan3A_16 = arith.addi %scan3A_14, %scan3A_15 : i32
    %scan3A_17 = arith.constant 1 : i32
    scf.for %scan3A_56 = %scan3A_14 to %scan3A_16 step %scan3A_17  : i32 {
      %mul3A_57 = arith.constant 16 : i32
      %mul3A_58 = arith.muli %scan3A_56, %mul3A_57 : i32
      %add3A_59 = vector.broadcast %mul3A_58 : i32 to vector<16xi32>
      %add3A_60 = arith.addi %add3A_59, %iota3A : vector<16xi32>
      %mul3A_61 = arith.constant 3 : i32
      %mul3A_62 = vector.broadcast %mul3A_61 : i32 to vector<16xi32>
      %mul3A_63 = arith.muli %add3A_60, %mul3A_62 : vector<16xi32>
      %gather3A = tpu.vector_load_idx %arg18[%mul3A_63] : memref<1920xi32, #tpu.memory_space<vmem>>[vector<16xi32>], vector<16xi32>,
      %mul3A_64 = arith.constant 3 : i32
      %mul3A_65 = vector.broadcast %mul3A_64 : i32 to vector<16xi32>
      %mul3A_66 = arith.muli %add3A_60, %mul3A_65 : vector<16xi32>
      %add3A_67 = arith.constant 1 : i32
      %add3A_68 = vector.broadcast %add3A_67 : i32 to vector<16xi32>
      %add3A_69 = arith.addi %mul3A_66, %add3A_68 : vector<16xi32>
      %gather3A_70 = tpu.vector_load_idx %arg18[%add3A_69] : memref<1920xi32, #tpu.memory_space<vmem>>[vector<16xi32>], vector<16xi32>,
      %mul3A_71 = arith.constant 3 : i32
      %mul3A_72 = vector.broadcast %mul3A_71 : i32 to vector<16xi32>
      %mul3A_73 = arith.muli %add3A_60, %mul3A_72 : vector<16xi32>
      %add3A_74 = arith.constant 2 : i32
      %add3A_75 = vector.broadcast %add3A_74 : i32 to vector<16xi32>
      %add3A_76 = arith.addi %mul3A_73, %add3A_75 : vector<16xi32>
      %gather3A_77 = tpu.vector_load_idx %arg18[%add3A_76] : memref<1920xi32, #tpu.memory_space<vmem>>[vector<16xi32>], vector<16xi32>,
      %broadcast_in_dim3A_78 = arith.constant 0.333333343 : f32
      %broadcast_in_dim3A_79 = vector.broadcast %broadcast_in_dim3A_78 : f32 to vector<16xf32>
      %mul3A_80 = arith.constant 3 : i32
      %mul3A_81 = vector.broadcast %mul3A_80 : i32 to vector<16xi32>
      %mul3A_82 = arith.muli %gather3A, %mul3A_81 : vector<16xi32>
      %gather3A_83 = tpu.vector_load_idx %arg17[%mul3A_82] : memref<30720xf32, #tpu.memory_space<vmem>>[vector<16xi32>], vector<16xf32>,
      %mul3A_84 = arith.constant 3 : i32
      %mul3A_85 = vector.broadcast %mul3A_84 : i32 to vector<16xi32>
      %mul3A_86 = arith.muli %gather3A_70, %mul3A_85 : vector<16xi32>
      %gather3A_87 = tpu.vector_load_idx %arg17[%mul3A_86] : memref<30720xf32, #tpu.memory_space<vmem>>[vector<16xi32>], vector<16xf32>,
      %add3A_88 = arith.addf %gather3A_83, %gather3A_87 : vector<16xf32>
      %mul3A_89 = arith.constant 3 : i32
      %mul3A_90 = vector.broadcast %mul3A_89 : i32 to vector<16xi32>
      %mul3A_91 = arith.muli %gather3A_77, %mul3A_90 : vector<16xi32>
      %gather3A_92 = tpu.vector_load_idx %arg17[%mul3A_91] : memref<30720xf32, #tpu.memory_space<vmem>>[vector<16xi32>], vector<16xf32>,
      %add3A_93 = arith.addf %add3A_88, %gather3A_92 : vector<16xf32>
      %mul3A_94 = arith.mulf %add3A_93, %broadcast_in_dim3A_79 : vector<16xf32>
      %mul3A_95 = arith.constant 3 : i32
      %mul3A_96 = vector.broadcast %mul3A_95 : i32 to vector<16xi32>
      %mul3A_97 = arith.muli %gather3A, %mul3A_96 : vector<16xi32>
      %add3A_98 = arith.constant 1 : i32
      %add3A_99 = vector.broadcast %add3A_98 : i32 to vector<16xi32>
      %add3A_100 = arith.addi %mul3A_97, %add3A_99 : vector<16xi32>
      %gather3A_101 = tpu.vector_load_idx %arg17[%add3A_100] : memref<30720xf32, #tpu.memory_space<vmem>>[vector<16xi32>], vector<16xf32>,
      %mul3A_102 = arith.constant 3 : i32
      %mul3A_103 = vector.broadcast %mul3A_102 : i32 to vector<16xi32>
      %mul3A_104 = arith.muli %gather3A_70, %mul3A_103 : vector<16xi32>
      %add3A_105 = arith.constant 1 : i32
      %add3A_106 = vector.broadcast %add3A_105 : i32 to vector<16xi32>
      %add3A_107 = arith.addi %mul3A_104, %add3A_106 : vector<16xi32>
      %gather3A_108 = tpu.vector_load_idx %arg17[%add3A_107] : memref<30720xf32, #tpu.memory_space<vmem>>[vector<16xi32>], vector<16xf32>,
      %add3A_109 = arith.addf %gather3A_101, %gather3A_108 : vector<16xf32>
      %mul3A_110 = arith.constant 3 : i32
      %mul3A_111 = vector.broadcast %mul3A_110 : i32 to vector<16xi32>
      %mul3A_112 = arith.muli %gather3A_77, %mul3A_111 : vector<16xi32>
      %add3A_113 = arith.constant 1 : i32
      %add3A_114 = vector.broadcast %add3A_113 : i32 to vector<16xi32>
      %add3A_115 = arith.addi %mul3A_112, %add3A_114 : vector<16xi32>
      %gather3A_116 = tpu.vector_load_idx %arg17[%add3A_115] : memref<30720xf32, #tpu.memory_space<vmem>>[vector<16xi32>], vector<16xf32>,
      %add3A_117 = arith.addf %add3A_109, %gather3A_116 : vector<16xf32>
      %mul3A_118 = arith.mulf %add3A_117, %broadcast_in_dim3A_79 : vector<16xf32>
      %mul3A_119 = arith.constant 3 : i32
      %mul3A_120 = vector.broadcast %mul3A_119 : i32 to vector<16xi32>
      %mul3A_121 = arith.muli %gather3A, %mul3A_120 : vector<16xi32>
      %add3A_122 = arith.constant 2 : i32
      %add3A_123 = vector.broadcast %add3A_122 : i32 to vector<16xi32>
      %add3A_124 = arith.addi %mul3A_121, %add3A_123 : vector<16xi32>
      %gather3A_125 = tpu.vector_load_idx %arg17[%add3A_124] : memref<30720xf32, #tpu.memory_space<vmem>>[vector<16xi32>], vector<16xf32>,
      %mul3A_126 = arith.constant 3 : i32
      %mul3A_127 = vector.broadcast %mul3A_126 : i32 to vector<16xi32>
      %mul3A_128 = arith.muli %gather3A_70, %mul3A_127 : vector<16xi32>
      %add3A_129 = arith.constant 2 : i32
      %add3A_130 = vector.broadcast %add3A_129 : i32 to vector<16xi32>
      %add3A_131 = arith.addi %mul3A_128, %add3A_130 : vector<16xi32>
      %gather3A_132 = tpu.vector_load_idx %arg17[%add3A_131] : memref<30720xf32, #tpu.memory_space<vmem>>[vector<16xi32>], vector<16xf32>,
      %add3A_133 = arith.addf %gather3A_125, %gather3A_132 : vector<16xf32>
      %mul3A_134 = arith.constant 3 : i32
      %mul3A_135 = vector.broadcast %mul3A_134 : i32 to vector<16xi32>
      %mul3A_136 = arith.muli %gather3A_77, %mul3A_135 : vector<16xi32>
      %add3A_137 = arith.constant 2 : i32
      %add3A_138 = vector.broadcast %add3A_137 : i32 to vector<16xi32>
      %add3A_139 = arith.addi %mul3A_136, %add3A_138 : vector<16xi32>
      %gather3A_140 = tpu.vector_load_idx %arg17[%add3A_139] : memref<30720xf32, #tpu.memory_space<vmem>>[vector<16xi32>], vector<16xf32>,
      %add3A_141 = arith.addf %add3A_133, %gather3A_140 : vector<16xf32>
      %mul3A_142 = arith.mulf %add3A_141, %broadcast_in_dim3A_79 : vector<16xf32>
      %mul3A_143 = arith.constant 640 : i32
      %mul3A_144 = arith.muli %add3A, %mul3A_143 : i32
      %add3A_145 = vector.broadcast %mul3A_144 : i32 to vector<16xi32>
      %add3A_146 = arith.addi %add3A_60, %add3A_145 : vector<16xi32>
      %mul3A_147 = arith.mulf %mul3A_94, %mul3A_94 : vector<16xf32>
      %mul3A_148 = arith.mulf %mul3A_118, %mul3A_118 : vector<16xf32>
      %add3A_149 = arith.addf %mul3A_147, %mul3A_148 : vector<16xf32>
      %mul3A_150 = arith.mulf %mul3A_142, %mul3A_142 : vector<16xf32>
      %add3A_151 = arith.addf %add3A_149, %mul3A_150 : vector<16xf32>
      %lt3A_152 = arith.constant 20000 : i32
      %lt3A_153 = vector.broadcast %lt3A_152 : i32 to vector<16xi32>
      %lt3A_154 = arith.cmpi slt, %add3A_146, %lt3A_153 : vector<16xi32>
      %jit3A = arith.constant 1.000000e+30 : f32
      %broadcast_in_dim3A_155 = vector.broadcast %jit3A : f32 to vector<16xf32>
      %select_n3A = arith.select %lt3A_154, %add3A_151, %broadcast_in_dim3A_155 : vector<16xi1>, vector<16xf32>
      %mul3A_156 = arith.constant -2.000000e+00 : f32
      %mul3A_157 = vector.broadcast %mul3A_156 : f32 to vector<16xf32>
      %mul3A_158 = arith.mulf %mul3A_157, %mul3A_94 : vector<16xf32>
      %swap3A = arith.constant 0 : i32
      %swap3A_159 = arith.index_cast %swap3A : i32 to index
      %swap3A_160 = arith.index_cast %mul3A_58 : i32 to index
      %swap3A_161 = tpu.vector_load %arg24[%swap3A_159, %swap3A_160] {strides = array<i32>} : memref<8x640xf32, #tpu.memory_space<vmem>>, vector<16xf32>,
      tpu.vector_store %arg24[%swap3A_159, %swap3A_160], %mul3A_158 {strides = array<i32>} : memref<8x640xf32, #tpu.memory_space<vmem>>, vector<16xf32>,
      %mul3A_162 = arith.constant -2.000000e+00 : f32
      %mul3A_163 = vector.broadcast %mul3A_162 : f32 to vector<16xf32>
      %mul3A_164 = arith.mulf %mul3A_163, %mul3A_118 : vector<16xf32>
      %swap3A_165 = arith.constant 1 : i32
      %swap3A_166 = arith.index_cast %swap3A_165 : i32 to index
      %swap3A_167 = arith.index_cast %mul3A_58 : i32 to index
      %swap3A_168 = tpu.vector_load %arg24[%swap3A_166, %swap3A_167] {strides = array<i32>} : memref<8x640xf32, #tpu.memory_space<vmem>>, vector<16xf32>,
      tpu.vector_store %arg24[%swap3A_166, %swap3A_167], %mul3A_164 {strides = array<i32>} : memref<8x640xf32, #tpu.memory_space<vmem>>, vector<16xf32>,
      %mul3A_169 = arith.constant -2.000000e+00 : f32
      %mul3A_170 = vector.broadcast %mul3A_169 : f32 to vector<16xf32>
      %mul3A_171 = arith.mulf %mul3A_170, %mul3A_142 : vector<16xf32>
      %swap3A_172 = arith.constant 2 : i32
      %swap3A_173 = arith.index_cast %swap3A_172 : i32 to index
      %swap3A_174 = arith.index_cast %mul3A_58 : i32 to index
      %swap3A_175 = tpu.vector_load %arg24[%swap3A_173, %swap3A_174] {strides = array<i32>} : memref<8x640xf32, #tpu.memory_space<vmem>>, vector<16xf32>,
      tpu.vector_store %arg24[%swap3A_173, %swap3A_174], %mul3A_171 {strides = array<i32>} : memref<8x640xf32, #tpu.memory_space<vmem>>, vector<16xf32>,
      %swap3A_176 = arith.constant 3 : i32
      %swap3A_177 = arith.index_cast %swap3A_176 : i32 to index
      %swap3A_178 = arith.index_cast %mul3A_58 : i32 to index
      %swap3A_179 = tpu.vector_load %arg24[%swap3A_177, %swap3A_178] {strides = array<i32>} : memref<8x640xf32, #tpu.memory_space<vmem>>, vector<16xf32>,
      tpu.vector_store %arg24[%swap3A_177, %swap3A_178], %broadcast_in_dim3A_13 {strides = array<i32>} : memref<8x640xf32, #tpu.memory_space<vmem>>, vector<16xf32>,
      %swap3A_180 = arith.constant 4 : i32
      %swap3A_181 = arith.index_cast %swap3A_180 : i32 to index
      %swap3A_182 = arith.index_cast %mul3A_58 : i32 to index
      %swap3A_183 = tpu.vector_load %arg24[%swap3A_181, %swap3A_182] {strides = array<i32>} : memref<8x640xf32, #tpu.memory_space<vmem>>, vector<16xf32>,
      tpu.vector_store %arg24[%swap3A_181, %swap3A_182], %broadcast_in_dim3A_13 {strides = array<i32>} : memref<8x640xf32, #tpu.memory_space<vmem>>, vector<16xf32>,
      %swap3A_184 = arith.constant 5 : i32
      %swap3A_185 = arith.index_cast %swap3A_184 : i32 to index
      %swap3A_186 = arith.index_cast %mul3A_58 : i32 to index
      %swap3A_187 = tpu.vector_load %arg24[%swap3A_185, %swap3A_186] {strides = array<i32>} : memref<8x640xf32, #tpu.memory_space<vmem>>, vector<16xf32>,
      tpu.vector_store %arg24[%swap3A_185, %swap3A_186], %broadcast_in_dim3A_13 {strides = array<i32>} : memref<8x640xf32, #tpu.memory_space<vmem>>, vector<16xf32>,
      %swap3A_188 = arith.constant 6 : i32
      %swap3A_189 = arith.index_cast %swap3A_188 : i32 to index
      %swap3A_190 = arith.index_cast %mul3A_58 : i32 to index
      %swap3A_191 = tpu.vector_load %arg24[%swap3A_189, %swap3A_190] {strides = array<i32>} : memref<8x640xf32, #tpu.memory_space<vmem>>, vector<16xf32>,
      tpu.vector_store %arg24[%swap3A_189, %swap3A_190], %broadcast_in_dim3A_13 {strides = array<i32>} : memref<8x640xf32, #tpu.memory_space<vmem>>, vector<16xf32>,
      %swap3A_192 = arith.constant 7 : i32
      %swap3A_193 = arith.index_cast %swap3A_192 : i32 to index
      %swap3A_194 = arith.index_cast %mul3A_58 : i32 to index
      %swap3A_195 = tpu.vector_load %arg24[%swap3A_193, %swap3A_194] {strides = array<i32>} : memref<8x640xf32, #tpu.memory_space<vmem>>, vector<16xf32>,
      tpu.vector_store %arg24[%swap3A_193, %swap3A_194], %broadcast_in_dim3A_13 {strides = array<i32>} : memref<8x640xf32, #tpu.memory_space<vmem>>, vector<16xf32>,
      %swap3A_196 = arith.index_cast %mul3A_58 : i32 to index
      %swap3A_197 = tpu.vector_load %arg28[%swap3A_196] {strides = array<i32>} : memref<640xf32, #tpu.memory_space<vmem>>, vector<16xf32>,
      tpu.vector_store %arg28[%swap3A_196], %select_n3A {strides = array<i32>} : memref<640xf32, #tpu.memory_space<vmem>>, vector<16xf32>,
    }
    %scan3A_18 = arith.constant 40 : i32
    %lt3A = arith.constant 8 : i32
    %lt3A_19 = arith.cmpi slt, %add3A, %lt3A : i32
    %convert_element_type3A = arith.extui %lt3A_19 : i1 to i32
    %cond3A = arith.constant 0 : i32
    %cond3A_20 = arith.cmpi ne, %convert_element_type3A, %cond3A : i32
    scf.if %cond3A_20 {
      %scan3A_56 = arith.constant 0 : i32
      %scan3A_57 = arith.constant 0 : i32
      %scan3A_58 = arith.constant 8 : i32
      %scan3A_59 = arith.addi %scan3A_57, %scan3A_58 : i32
      %scan3A_60 = arith.constant 1 : i32
      scf.for %scan3A_66 = %scan3A_57 to %scan3A_59 step %scan3A_60  : i32 {
        %mul3A_67 = arith.constant 16 : i32
        %mul3A_68 = arith.muli %scan3A_66, %mul3A_67 : i32
        %add3A_69 = vector.broadcast %mul3A_68 : i32 to vector<16xi32>
        %add3A_70 = arith.addi %add3A_69, %iota3A : vector<16xi32>
        %mul3A_71 = arith.constant 128 : i32
        %mul3A_72 = arith.muli %add3A, %mul3A_71 : i32
        %add3A_73 = vector.broadcast %mul3A_72 : i32 to vector<16xi32>
        %add3A_74 = arith.addi %add3A_70, %add3A_73 : vector<16xi32>
        %mul3A_75 = arith.constant 3 : i32
        %mul3A_76 = vector.broadcast %mul3A_75 : i32 to vector<16xi32>
        %mul3A_77 = arith.muli %add3A_74, %mul3A_76 : vector<16xi32>
        %gather3A = tpu.vector_load_idx %arg20[%mul3A_77] : memref<3072xi32, #tpu.memory_space<vmem>>[vector<16xi32>], vector<16xi32>,
        %mul3A_78 = arith.constant 3 : i32
        %mul3A_79 = vector.broadcast %mul3A_78 : i32 to vector<16xi32>
        %mul3A_80 = arith.muli %add3A_74, %mul3A_79 : vector<16xi32>
        %add3A_81 = arith.constant 1 : i32
        %add3A_82 = vector.broadcast %add3A_81 : i32 to vector<16xi32>
        %add3A_83 = arith.addi %mul3A_80, %add3A_82 : vector<16xi32>
        %gather3A_84 = tpu.vector_load_idx %arg20[%add3A_83] : memref<3072xi32, #tpu.memory_space<vmem>>[vector<16xi32>], vector<16xi32>,
        %mul3A_85 = arith.constant 3 : i32
        %mul3A_86 = vector.broadcast %mul3A_85 : i32 to vector<16xi32>
        %mul3A_87 = arith.muli %add3A_74, %mul3A_86 : vector<16xi32>
        %add3A_88 = arith.constant 2 : i32
        %add3A_89 = vector.broadcast %add3A_88 : i32 to vector<16xi32>
        %add3A_90 = arith.addi %mul3A_87, %add3A_89 : vector<16xi32>
        %gather3A_91 = tpu.vector_load_idx %arg20[%add3A_90] : memref<3072xi32, #tpu.memory_space<vmem>>[vector<16xi32>], vector<16xi32>,
        %broadcast_in_dim3A_92 = arith.constant 0.333333343 : f32
        %broadcast_in_dim3A_93 = vector.broadcast %broadcast_in_dim3A_92 : f32 to vector<16xf32>
        %mul3A_94 = arith.constant 3 : i32
        %mul3A_95 = vector.broadcast %mul3A_94 : i32 to vector<16xi32>
        %mul3A_96 = arith.muli %gather3A, %mul3A_95 : vector<16xi32>
        %gather3A_97 = tpu.vector_load_idx %arg19[%mul3A_96] : memref<2048xf32, #tpu.memory_space<vmem>>[vector<16xi32>], vector<16xf32>,
        %mul3A_98 = arith.constant 3 : i32
        %mul3A_99 = vector.broadcast %mul3A_98 : i32 to vector<16xi32>
        %mul3A_100 = arith.muli %gather3A_84, %mul3A_99 : vector<16xi32>
        %gather3A_101 = tpu.vector_load_idx %arg19[%mul3A_100] : memref<2048xf32, #tpu.memory_space<vmem>>[vector<16xi32>], vector<16xf32>,
        %add3A_102 = arith.addf %gather3A_97, %gather3A_101 : vector<16xf32>
        %mul3A_103 = arith.constant 3 : i32
        %mul3A_104 = vector.broadcast %mul3A_103 : i32 to vector<16xi32>
        %mul3A_105 = arith.muli %gather3A_91, %mul3A_104 : vector<16xi32>
        %gather3A_106 = tpu.vector_load_idx %arg19[%mul3A_105] : memref<2048xf32, #tpu.memory_space<vmem>>[vector<16xi32>], vector<16xf32>,
        %add3A_107 = arith.addf %add3A_102, %gather3A_106 : vector<16xf32>
        %mul3A_108 = arith.mulf %add3A_107, %broadcast_in_dim3A_93 : vector<16xf32>
        %mul3A_109 = arith.constant 3 : i32
        %mul3A_110 = vector.broadcast %mul3A_109 : i32 to vector<16xi32>
        %mul3A_111 = arith.muli %gather3A, %mul3A_110 : vector<16xi32>
        %add3A_112 = arith.constant 1 : i32
        %add3A_113 = vector.broadcast %add3A_112 : i32 to vector<16xi32>
        %add3A_114 = arith.addi %mul3A_111, %add3A_113 : vector<16xi32>
        %gather3A_115 = tpu.vector_load_idx %arg19[%add3A_114] : memref<2048xf32, #tpu.memory_space<vmem>>[vector<16xi32>], vector<16xf32>,
        %mul3A_116 = arith.constant 3 : i32
        %mul3A_117 = vector.broadcast %mul3A_116 : i32 to vector<16xi32>
        %mul3A_118 = arith.muli %gather3A_84, %mul3A_117 : vector<16xi32>
        %add3A_119 = arith.constant 1 : i32
        %add3A_120 = vector.broadcast %add3A_119 : i32 to vector<16xi32>
        %add3A_121 = arith.addi %mul3A_118, %add3A_120 : vector<16xi32>
        %gather3A_122 = tpu.vector_load_idx %arg19[%add3A_121] : memref<2048xf32, #tpu.memory_space<vmem>>[vector<16xi32>], vector<16xf32>,
        %add3A_123 = arith.addf %gather3A_115, %gather3A_122 : vector<16xf32>
        %mul3A_124 = arith.constant 3 : i32
        %mul3A_125 = vector.broadcast %mul3A_124 : i32 to vector<16xi32>
        %mul3A_126 = arith.muli %gather3A_91, %mul3A_125 : vector<16xi32>
        %add3A_127 = arith.constant 1 : i32
        %add3A_128 = vector.broadcast %add3A_127 : i32 to vector<16xi32>
        %add3A_129 = arith.addi %mul3A_126, %add3A_128 : vector<16xi32>
        %gather3A_130 = tpu.vector_load_idx %arg19[%add3A_129] : memref<2048xf32, #tpu.memory_space<vmem>>[vector<16xi32>], vector<16xf32>,
        %add3A_131 = arith.addf %add3A_123, %gather3A_130 : vector<16xf32>
        %mul3A_132 = arith.mulf %add3A_131, %broadcast_in_dim3A_93 : vector<16xf32>
        %mul3A_133 = arith.constant 3 : i32
        %mul3A_134 = vector.broadcast %mul3A_133 : i32 to vector<16xi32>
        %mul3A_135 = arith.muli %gather3A, %mul3A_134 : vector<16xi32>
        %add3A_136 = arith.constant 2 : i32
        %add3A_137 = vector.broadcast %add3A_136 : i32 to vector<16xi32>
        %add3A_138 = arith.addi %mul3A_135, %add3A_137 : vector<16xi32>
        %gather3A_139 = tpu.vector_load_idx %arg19[%add3A_138] : memref<2048xf32, #tpu.memory_space<vmem>>[vector<16xi32>], vector<16xf32>,
        %mul3A_140 = arith.constant 3 : i32
        %mul3A_141 = vector.broadcast %mul3A_140 : i32 to vector<16xi32>
        %mul3A_142 = arith.muli %gather3A_84, %mul3A_141 : vector<16xi32>
        %add3A_143 = arith.constant 2 : i32
        %add3A_144 = vector.broadcast %add3A_143 : i32 to vector<16xi32>
        %add3A_145 = arith.addi %mul3A_142, %add3A_144 : vector<16xi32>
        %gather3A_146 = tpu.vector_load_idx %arg19[%add3A_145] : memref<2048xf32, #tpu.memory_space<vmem>>[vector<16xi32>], vector<16xf32>,
        %add3A_147 = arith.addf %gather3A_139, %gather3A_146 : vector<16xf32>
        %mul3A_148 = arith.constant 3 : i32
        %mul3A_149 = vector.broadcast %mul3A_148 : i32 to vector<16xi32>
        %mul3A_150 = arith.muli %gather3A_91, %mul3A_149 : vector<16xi32>
        %add3A_151 = arith.constant 2 : i32
        %add3A_152 = vector.broadcast %add3A_151 : i32 to vector<16xi32>
        %add3A_153 = arith.addi %mul3A_150, %add3A_152 : vector<16xi32>
        %gather3A_154 = tpu.vector_load_idx %arg19[%add3A_153] : memref<2048xf32, #tpu.memory_space<vmem>>[vector<16xi32>], vector<16xf32>,
        %add3A_155 = arith.addf %add3A_147, %gather3A_154 : vector<16xf32>
        %mul3A_156 = arith.mulf %add3A_155, %broadcast_in_dim3A_93 : vector<16xf32>
        %swap3A = arith.constant 0 : i32
        %swap3A_157 = arith.index_cast %swap3A : i32 to index
        %swap3A_158 = arith.index_cast %mul3A_68 : i32 to index
        %swap3A_159 = tpu.vector_load %arg25[%swap3A_157, %swap3A_158] {strides = array<i32>} : memref<8x128xf32, #tpu.memory_space<vmem>>, vector<16xf32>,
        tpu.vector_store %arg25[%swap3A_157, %swap3A_158], %mul3A_108 {strides = array<i32>} : memref<8x128xf32, #tpu.memory_space<vmem>>, vector<16xf32>,
        %swap3A_160 = arith.constant 1 : i32
        %swap3A_161 = arith.index_cast %swap3A_160 : i32 to index
        %swap3A_162 = arith.index_cast %mul3A_68 : i32 to index
        %swap3A_163 = tpu.vector_load %arg25[%swap3A_161, %swap3A_162] {strides = array<i32>} : memref<8x128xf32, #tpu.memory_space<vmem>>, vector<16xf32>,
        tpu.vector_store %arg25[%swap3A_161, %swap3A_162], %mul3A_132 {strides = array<i32>} : memref<8x128xf32, #tpu.memory_space<vmem>>, vector<16xf32>,
        %swap3A_164 = arith.constant 2 : i32
        %swap3A_165 = arith.index_cast %swap3A_164 : i32 to index
        %swap3A_166 = arith.index_cast %mul3A_68 : i32 to index
        %swap3A_167 = tpu.vector_load %arg25[%swap3A_165, %swap3A_166] {strides = array<i32>} : memref<8x128xf32, #tpu.memory_space<vmem>>, vector<16xf32>,
        tpu.vector_store %arg25[%swap3A_165, %swap3A_166], %mul3A_156 {strides = array<i32>} : memref<8x128xf32, #tpu.memory_space<vmem>>, vector<16xf32>,
        %swap3A_168 = arith.constant 3 : i32
        %swap3A_169 = arith.index_cast %swap3A_168 : i32 to index
        %swap3A_170 = arith.index_cast %mul3A_68 : i32 to index
        %swap3A_171 = tpu.vector_load %arg25[%swap3A_169, %swap3A_170] {strides = array<i32>} : memref<8x128xf32, #tpu.memory_space<vmem>>, vector<16xf32>,
        tpu.vector_store %arg25[%swap3A_169, %swap3A_170], %broadcast_in_dim3A_13 {strides = array<i32>} : memref<8x128xf32, #tpu.memory_space<vmem>>, vector<16xf32>,
        %swap3A_172 = arith.constant 4 : i32
        %swap3A_173 = arith.index_cast %swap3A_172 : i32 to index
        %swap3A_174 = arith.index_cast %mul3A_68 : i32 to index
        %swap3A_175 = tpu.vector_load %arg25[%swap3A_173, %swap3A_174] {strides = array<i32>} : memref<8x128xf32, #tpu.memory_space<vmem>>, vector<16xf32>,
        tpu.vector_store %arg25[%swap3A_173, %swap3A_174], %broadcast_in_dim3A_13 {strides = array<i32>} : memref<8x128xf32, #tpu.memory_space<vmem>>, vector<16xf32>,
        %swap3A_176 = arith.constant 5 : i32
        %swap3A_177 = arith.index_cast %swap3A_176 : i32 to index
        %swap3A_178 = arith.index_cast %mul3A_68 : i32 to index
        %swap3A_179 = tpu.vector_load %arg25[%swap3A_177, %swap3A_178] {strides = array<i32>} : memref<8x128xf32, #tpu.memory_space<vmem>>, vector<16xf32>,
        tpu.vector_store %arg25[%swap3A_177, %swap3A_178], %broadcast_in_dim3A_13 {strides = array<i32>} : memref<8x128xf32, #tpu.memory_space<vmem>>, vector<16xf32>,
        %swap3A_180 = arith.constant 6 : i32
        %swap3A_181 = arith.index_cast %swap3A_180 : i32 to index
        %swap3A_182 = arith.index_cast %mul3A_68 : i32 to index
        %swap3A_183 = tpu.vector_load %arg25[%swap3A_181, %swap3A_182] {strides = array<i32>} : memref<8x128xf32, #tpu.memory_space<vmem>>, vector<16xf32>,
        tpu.vector_store %arg25[%swap3A_181, %swap3A_182], %broadcast_in_dim3A_13 {strides = array<i32>} : memref<8x128xf32, #tpu.memory_space<vmem>>, vector<16xf32>,
        %swap3A_184 = arith.constant 7 : i32
        %swap3A_185 = arith.index_cast %swap3A_184 : i32 to index
        %swap3A_186 = arith.index_cast %mul3A_68 : i32 to index
        %swap3A_187 = tpu.vector_load %arg25[%swap3A_185, %swap3A_186] {strides = array<i32>} : memref<8x128xf32, #tpu.memory_space<vmem>>, vector<16xf32>,
        tpu.vector_store %arg25[%swap3A_185, %swap3A_186], %broadcast_in_dim3A_13 {strides = array<i32>} : memref<8x128xf32, #tpu.memory_space<vmem>>, vector<16xf32>,
        %mul3A_188 = arith.mulf %mul3A_108, %mul3A_108 : vector<16xf32>
        %mul3A_189 = arith.mulf %mul3A_132, %mul3A_132 : vector<16xf32>
        %add3A_190 = arith.addf %mul3A_188, %mul3A_189 : vector<16xf32>
        %mul3A_191 = arith.mulf %mul3A_156, %mul3A_156 : vector<16xf32>
        %add3A_192 = arith.addf %add3A_190, %mul3A_191 : vector<16xf32>
        %swap3A_193 = arith.index_cast %mul3A_68 : i32 to index
        %swap3A_194 = tpu.vector_load %arg29[%swap3A_193] {strides = array<i32>} : memref<128xf32, #tpu.memory_space<vmem>>, vector<16xf32>,
        tpu.vector_store %arg29[%swap3A_193], %add3A_192 {strides = array<i32>} : memref<128xf32, #tpu.memory_space<vmem>>, vector<16xf32>,
      }
      %scan3A_61 = arith.constant 8 : i32
      %mul3A_62 = arith.constant 128 : i32
      %mul3A_63 = arith.muli %add3A, %mul3A_62 : i32
      "tpu.region"() ({
        %run_scoped3A = tpu.sem_alloc : memref<!tpu.dma_semaphore, #tpu.memory_space<semaphore_mem>>
        %dma_start3A = arith.constant 0 : i32
        %dma_start3A_66 = tpu.memref_slice %arg10[%dma_start3A, %mul3A_63] : memref<8x1024xf32, #tpu.memory_space<hbm>> -> memref<8x128xf32, #tpu.memory_space<hbm>>
        %dma_start3A_67 = arith.constant 0 : i32
        %dma_start3A_68 = tpu.memref_slice %arg10[%dma_start3A_67, %mul3A_63] : memref<8x1024xf32, #tpu.memory_space<hbm>> -> memref<8x128xf32, #tpu.memory_space<hbm>>
        tpu.enqueue_dma source(%arg25 : memref<8x128xf32, #tpu.memory_space<vmem>>) target(%dma_start3A_68 : memref<8x128xf32, #tpu.memory_space<hbm>>) target_semaphore(%run_scoped3A : memref<!tpu.dma_semaphore, #tpu.memory_space<semaphore_mem>>)
        %dma_wait3A = arith.constant 0 : i32
        %dma_wait3A_69 = tpu.memref_slice %arg10[%dma_wait3A, %mul3A_63] : memref<8x1024xf32, #tpu.memory_space<hbm>> -> memref<8x128xf32, #tpu.memory_space<hbm>>
        %dma_wait3A_70 = arith.constant 0 : i32
        %dma_wait3A_71 = tpu.memref_slice %arg10[%dma_wait3A_70, %mul3A_63] : memref<8x1024xf32, #tpu.memory_space<hbm>> -> memref<8x128xf32, #tpu.memory_space<hbm>>
        tpu.wait_dma2 semaphore(%run_scoped3A : memref<!tpu.dma_semaphore, #tpu.memory_space<semaphore_mem>>) src(%arg25 : memref<8x128xf32, #tpu.memory_space<vmem>>) dst(%dma_wait3A_71 : memref<8x128xf32, #tpu.memory_space<hbm>>)
        tpu.yield
      }) : () -> ()
      %mul3A_64 = arith.constant 128 : i32
      %mul3A_65 = arith.muli %add3A, %mul3A_64 : i32
      "tpu.region"() ({
        %run_scoped3A = tpu.sem_alloc : memref<!tpu.dma_semaphore, #tpu.memory_space<semaphore_mem>>
        %dma_start3A = tpu.memref_slice %arg14[%mul3A_65] : memref<1024xf32, #tpu.memory_space<hbm>> -> memref<128xf32, #tpu.memory_space<hbm>>
        %dma_start3A_66 = tpu.memref_slice %arg14[%mul3A_65] : memref<1024xf32, #tpu.memory_space<hbm>> -> memref<128xf32, #tpu.memory_space<hbm>>
        tpu.enqueue_dma source(%arg29 : memref<128xf32, #tpu.memory_space<vmem>>) target(%dma_start3A_66 : memref<128xf32, #tpu.memory_space<hbm>>) target_semaphore(%run_scoped3A : memref<!tpu.dma_semaphore, #tpu.memory_space<semaphore_mem>>)
        %dma_wait3A = tpu.memref_slice %arg14[%mul3A_65] : memref<1024xf32, #tpu.memory_space<hbm>> -> memref<128xf32, #tpu.memory_space<hbm>>
        %dma_wait3A_67 = tpu.memref_slice %arg14[%mul3A_65] : memref<1024xf32, #tpu.memory_space<hbm>> -> memref<128xf32, #tpu.memory_space<hbm>>
        tpu.wait_dma2 semaphore(%run_scoped3A : memref<!tpu.dma_semaphore, #tpu.memory_space<semaphore_mem>>) src(%arg29 : memref<128xf32, #tpu.memory_space<vmem>>) dst(%dma_wait3A_67 : memref<128xf32, #tpu.memory_space<hbm>>)
        tpu.yield
      }) : () -> ()
    } else {
    }
    %scan3A_21 = arith.constant 0 : i32
    %scan3A_22 = arith.constant 0 : i32
    %scan3A_23 = arith.constant 16 : i32
    %scan3A_24 = arith.addi %scan3A_22, %scan3A_23 : i32
    %scan3A_25 = arith.constant 1 : i32
    scf.for %scan3A_56 = %scan3A_22 to %scan3A_24 step %scan3A_25  : i32 {
      %mul3A_57 = arith.constant 16 : i32
      %mul3A_58 = arith.muli %scan3A_56, %mul3A_57 : i32
      %add3A_59 = vector.broadcast %mul3A_58 : i32 to vector<16xi32>
      %add3A_60 = arith.addi %add3A_59, %iota3A : vector<16xi32>
      %mul3A_61 = arith.constant 256 : i32
      %mul3A_62 = arith.muli %add3A, %mul3A_61 : i32
      %add3A_63 = vector.broadcast %mul3A_62 : i32 to vector<16xi32>
      %add3A_64 = arith.addi %add3A_60, %add3A_63 : vector<16xi32>
      %shift_right_logical3A = arith.constant 3 : i32
      %shift_right_logical3A_65 = vector.broadcast %shift_right_logical3A : i32 to vector<16xi32>
      %shift_right_logical3A_66 = arith.shrui %add3A_64, %shift_right_logical3A_65 : vector<16xi32>
      %mul3A_67 = arith.constant 3 : i32
      %mul3A_68 = vector.broadcast %mul3A_67 : i32 to vector<16xi32>
      %mul3A_69 = arith.muli %shift_right_logical3A_66, %mul3A_68 : vector<16xi32>
      %gather3A = tpu.vector_load_idx %arg20[%mul3A_69] : memref<3072xi32, #tpu.memory_space<vmem>>[vector<16xi32>], vector<16xi32>,
      %mul3A_70 = arith.constant 3 : i32
      %mul3A_71 = vector.broadcast %mul3A_70 : i32 to vector<16xi32>
      %mul3A_72 = arith.muli %shift_right_logical3A_66, %mul3A_71 : vector<16xi32>
      %add3A_73 = arith.constant 1 : i32
      %add3A_74 = vector.broadcast %add3A_73 : i32 to vector<16xi32>
      %add3A_75 = arith.addi %mul3A_72, %add3A_74 : vector<16xi32>
      %gather3A_76 = tpu.vector_load_idx %arg20[%add3A_75] : memref<3072xi32, #tpu.memory_space<vmem>>[vector<16xi32>], vector<16xi32>,
      %mul3A_77 = arith.constant 3 : i32
      %mul3A_78 = vector.broadcast %mul3A_77 : i32 to vector<16xi32>
      %mul3A_79 = arith.muli %shift_right_logical3A_66, %mul3A_78 : vector<16xi32>
      %add3A_80 = arith.constant 2 : i32
      %add3A_81 = vector.broadcast %add3A_80 : i32 to vector<16xi32>
      %add3A_82 = arith.addi %mul3A_79, %add3A_81 : vector<16xi32>
      %gather3A_83 = tpu.vector_load_idx %arg20[%add3A_82] : memref<3072xi32, #tpu.memory_space<vmem>>[vector<16xi32>], vector<16xi32>,
      %get3A = arith.index_cast %mul3A_58 : i32 to index
      %get3A_84 = tpu.vector_load %arg21[%get3A] {strides = array<i32>} : memref<256xf32, #tpu.memory_space<vmem>>, vector<16xf32>,
      %get3A_85 = arith.index_cast %mul3A_58 : i32 to index
      %get3A_86 = tpu.vector_load %arg22[%get3A_85] {strides = array<i32>} : memref<256xf32, #tpu.memory_space<vmem>>, vector<16xf32>,
      %get3A_87 = arith.index_cast %mul3A_58 : i32 to index
      %get3A_88 = tpu.vector_load %arg23[%get3A_87] {strides = array<i32>} : memref<256xf32, #tpu.memory_space<vmem>>, vector<16xf32>,
      %mul3A_89 = arith.constant 3 : i32
      %mul3A_90 = vector.broadcast %mul3A_89 : i32 to vector<16xi32>
      %mul3A_91 = arith.muli %gather3A, %mul3A_90 : vector<16xi32>
      %gather3A_92 = tpu.vector_load_idx %arg19[%mul3A_91] : memref<2048xf32, #tpu.memory_space<vmem>>[vector<16xi32>], vector<16xf32>,
      %mul3A_93 = arith.mulf %get3A_84, %gather3A_92 : vector<16xf32>
      %mul3A_94 = arith.constant 3 : i32
      %mul3A_95 = vector.broadcast %mul3A_94 : i32 to vector<16xi32>
      %mul3A_96 = arith.muli %gather3A_76, %mul3A_95 : vector<16xi32>
      %gather3A_97 = tpu.vector_load_idx %arg19[%mul3A_96] : memref<2048xf32, #tpu.memory_space<vmem>>[vector<16xi32>], vector<16xf32>,
      %mul3A_98 = arith.mulf %get3A_86, %gather3A_97 : vector<16xf32>
      %add3A_99 = arith.addf %mul3A_93, %mul3A_98 : vector<16xf32>
      %mul3A_100 = arith.constant 3 : i32
      %mul3A_101 = vector.broadcast %mul3A_100 : i32 to vector<16xi32>
      %mul3A_102 = arith.muli %gather3A_83, %mul3A_101 : vector<16xi32>
      %gather3A_103 = tpu.vector_load_idx %arg19[%mul3A_102] : memref<2048xf32, #tpu.memory_space<vmem>>[vector<16xi32>], vector<16xf32>,
      %mul3A_104 = arith.mulf %get3A_88, %gather3A_103 : vector<16xf32>
      %add3A_105 = arith.addf %add3A_99, %mul3A_104 : vector<16xf32>
      %mul3A_106 = arith.constant 3 : i32
      %mul3A_107 = vector.broadcast %mul3A_106 : i32 to vector<16xi32>
      %mul3A_108 = arith.muli %gather3A, %mul3A_107 : vector<16xi32>
      %add3A_109 = arith.constant 1 : i32
      %add3A_110 = vector.broadcast %add3A_109 : i32 to vector<16xi32>
      %add3A_111 = arith.addi %mul3A_108, %add3A_110 : vector<16xi32>
      %gather3A_112 = tpu.vector_load_idx %arg19[%add3A_111] : memref<2048xf32, #tpu.memory_space<vmem>>[vector<16xi32>], vector<16xf32>,
      %mul3A_113 = arith.mulf %get3A_84, %gather3A_112 : vector<16xf32>
      %mul3A_114 = arith.constant 3 : i32
      %mul3A_115 = vector.broadcast %mul3A_114 : i32 to vector<16xi32>
      %mul3A_116 = arith.muli %gather3A_76, %mul3A_115 : vector<16xi32>
      %add3A_117 = arith.constant 1 : i32
      %add3A_118 = vector.broadcast %add3A_117 : i32 to vector<16xi32>
      %add3A_119 = arith.addi %mul3A_116, %add3A_118 : vector<16xi32>
      %gather3A_120 = tpu.vector_load_idx %arg19[%add3A_119] : memref<2048xf32, #tpu.memory_space<vmem>>[vector<16xi32>], vector<16xf32>,
      %mul3A_121 = arith.mulf %get3A_86, %gather3A_120 : vector<16xf32>
      %add3A_122 = arith.addf %mul3A_113, %mul3A_121 : vector<16xf32>
      %mul3A_123 = arith.constant 3 : i32
      %mul3A_124 = vector.broadcast %mul3A_123 : i32 to vector<16xi32>
      %mul3A_125 = arith.muli %gather3A_83, %mul3A_124 : vector<16xi32>
      %add3A_126 = arith.constant 1 : i32
      %add3A_127 = vector.broadcast %add3A_126 : i32 to vector<16xi32>
      %add3A_128 = arith.addi %mul3A_125, %add3A_127 : vector<16xi32>
      %gather3A_129 = tpu.vector_load_idx %arg19[%add3A_128] : memref<2048xf32, #tpu.memory_space<vmem>>[vector<16xi32>], vector<16xf32>,
      %mul3A_130 = arith.mulf %get3A_88, %gather3A_129 : vector<16xf32>
      %add3A_131 = arith.addf %add3A_122, %mul3A_130 : vector<16xf32>
      %mul3A_132 = arith.constant 3 : i32
      %mul3A_133 = vector.broadcast %mul3A_132 : i32 to vector<16xi32>
      %mul3A_134 = arith.muli %gather3A, %mul3A_133 : vector<16xi32>
      %add3A_135 = arith.constant 2 : i32
      %add3A_136 = vector.broadcast %add3A_135 : i32 to vector<16xi32>
      %add3A_137 = arith.addi %mul3A_134, %add3A_136 : vector<16xi32>
      %gather3A_138 = tpu.vector_load_idx %arg19[%add3A_137] : memref<2048xf32, #tpu.memory_space<vmem>>[vector<16xi32>], vector<16xf32>,
      %mul3A_139 = arith.mulf %get3A_84, %gather3A_138 : vector<16xf32>
      %mul3A_140 = arith.constant 3 : i32
      %mul3A_141 = vector.broadcast %mul3A_140 : i32 to vector<16xi32>
      %mul3A_142 = arith.muli %gather3A_76, %mul3A_141 : vector<16xi32>
      %add3A_143 = arith.constant 2 : i32
      %add3A_144 = vector.broadcast %add3A_143 : i32 to vector<16xi32>
      %add3A_145 = arith.addi %mul3A_142, %add3A_144 : vector<16xi32>
      %gather3A_146 = tpu.vector_load_idx %arg19[%add3A_145] : memref<2048xf32, #tpu.memory_space<vmem>>[vector<16xi32>], vector<16xf32>,
      %mul3A_147 = arith.mulf %get3A_86, %gather3A_146 : vector<16xf32>
      %add3A_148 = arith.addf %mul3A_139, %mul3A_147 : vector<16xf32>
      %mul3A_149 = arith.constant 3 : i32
      %mul3A_150 = vector.broadcast %mul3A_149 : i32 to vector<16xi32>
      %mul3A_151 = arith.muli %gather3A_83, %mul3A_150 : vector<16xi32>
      %add3A_152 = arith.constant 2 : i32
      %add3A_153 = vector.broadcast %add3A_152 : i32 to vector<16xi32>
      %add3A_154 = arith.addi %mul3A_151, %add3A_153 : vector<16xi32>
      %gather3A_155 = tpu.vector_load_idx %arg19[%add3A_154] : memref<2048xf32, #tpu.memory_space<vmem>>[vector<16xi32>], vector<16xf32>,
      %mul3A_156 = arith.mulf %get3A_88, %gather3A_155 : vector<16xf32>
      %add3A_157 = arith.addf %add3A_148, %mul3A_156 : vector<16xf32>
      %swap3A = arith.constant 0 : i32
      %swap3A_158 = arith.index_cast %swap3A : i32 to index
      %swap3A_159 = arith.index_cast %mul3A_58 : i32 to index
      %swap3A_160 = tpu.vector_load %arg26[%swap3A_158, %swap3A_159] {strides = array<i32>} : memref<8x256xf32, #tpu.memory_space<vmem>>, vector<16xf32>,
      tpu.vector_store %arg26[%swap3A_158, %swap3A_159], %add3A_105 {strides = array<i32>} : memref<8x256xf32, #tpu.memory_space<vmem>>, vector<16xf32>,
      %swap3A_161 = arith.constant 1 : i32
      %swap3A_162 = arith.index_cast %swap3A_161 : i32 to index
      %swap3A_163 = arith.index_cast %mul3A_58 : i32 to index
      %swap3A_164 = tpu.vector_load %arg26[%swap3A_162, %swap3A_163] {strides = array<i32>} : memref<8x256xf32, #tpu.memory_space<vmem>>, vector<16xf32>,
      tpu.vector_store %arg26[%swap3A_162, %swap3A_163], %add3A_131 {strides = array<i32>} : memref<8x256xf32, #tpu.memory_space<vmem>>, vector<16xf32>,
      %swap3A_165 = arith.constant 2 : i32
      %swap3A_166 = arith.index_cast %swap3A_165 : i32 to index
      %swap3A_167 = arith.index_cast %mul3A_58 : i32 to index
      %swap3A_168 = tpu.vector_load %arg26[%swap3A_166, %swap3A_167] {strides = array<i32>} : memref<8x256xf32, #tpu.memory_space<vmem>>, vector<16xf32>,
      tpu.vector_store %arg26[%swap3A_166, %swap3A_167], %add3A_157 {strides = array<i32>} : memref<8x256xf32, #tpu.memory_space<vmem>>, vector<16xf32>,
      %swap3A_169 = arith.constant 3 : i32
      %swap3A_170 = arith.index_cast %swap3A_169 : i32 to index
      %swap3A_171 = arith.index_cast %mul3A_58 : i32 to index
      %swap3A_172 = tpu.vector_load %arg26[%swap3A_170, %swap3A_171] {strides = array<i32>} : memref<8x256xf32, #tpu.memory_space<vmem>>, vector<16xf32>,
      tpu.vector_store %arg26[%swap3A_170, %swap3A_171], %broadcast_in_dim3A_13 {strides = array<i32>} : memref<8x256xf32, #tpu.memory_space<vmem>>, vector<16xf32>,
      %swap3A_173 = arith.constant 4 : i32
      %swap3A_174 = arith.index_cast %swap3A_173 : i32 to index
      %swap3A_175 = arith.index_cast %mul3A_58 : i32 to index
      %swap3A_176 = tpu.vector_load %arg26[%swap3A_174, %swap3A_175] {strides = array<i32>} : memref<8x256xf32, #tpu.memory_space<vmem>>, vector<16xf32>,
      tpu.vector_store %arg26[%swap3A_174, %swap3A_175], %broadcast_in_dim3A_13 {strides = array<i32>} : memref<8x256xf32, #tpu.memory_space<vmem>>, vector<16xf32>,
      %swap3A_177 = arith.constant 5 : i32
      %swap3A_178 = arith.index_cast %swap3A_177 : i32 to index
      %swap3A_179 = arith.index_cast %mul3A_58 : i32 to index
      %swap3A_180 = tpu.vector_load %arg26[%swap3A_178, %swap3A_179] {strides = array<i32>} : memref<8x256xf32, #tpu.memory_space<vmem>>, vector<16xf32>,
      tpu.vector_store %arg26[%swap3A_178, %swap3A_179], %broadcast_in_dim3A_13 {strides = array<i32>} : memref<8x256xf32, #tpu.memory_space<vmem>>, vector<16xf32>,
      %swap3A_181 = arith.constant 6 : i32
      %swap3A_182 = arith.index_cast %swap3A_181 : i32 to index
      %swap3A_183 = arith.index_cast %mul3A_58 : i32 to index
      %swap3A_184 = tpu.vector_load %arg26[%swap3A_182, %swap3A_183] {strides = array<i32>} : memref<8x256xf32, #tpu.memory_space<vmem>>, vector<16xf32>,
      tpu.vector_store %arg26[%swap3A_182, %swap3A_183], %broadcast_in_dim3A_13 {strides = array<i32>} : memref<8x256xf32, #tpu.memory_space<vmem>>, vector<16xf32>,
      %swap3A_185 = arith.constant 7 : i32
      %swap3A_186 = arith.index_cast %swap3A_185 : i32 to index
      %swap3A_187 = arith.index_cast %mul3A_58 : i32 to index
      %swap3A_188 = tpu.vector_load %arg26[%swap3A_186, %swap3A_187] {strides = array<i32>} : memref<8x256xf32, #tpu.memory_space<vmem>>, vector<16xf32>,
      tpu.vector_store %arg26[%swap3A_186, %swap3A_187], %broadcast_in_dim3A_13 {strides = array<i32>} : memref<8x256xf32, #tpu.memory_space<vmem>>, vector<16xf32>,
      %mul3A_189 = arith.mulf %add3A_105, %add3A_105 : vector<16xf32>
      %mul3A_190 = arith.mulf %add3A_131, %add3A_131 : vector<16xf32>
      %add3A_191 = arith.addf %mul3A_189, %mul3A_190 : vector<16xf32>
      %mul3A_192 = arith.mulf %add3A_157, %add3A_157 : vector<16xf32>
      %add3A_193 = arith.addf %add3A_191, %mul3A_192 : vector<16xf32>
      %swap3A_194 = arith.index_cast %mul3A_58 : i32 to index
      %swap3A_195 = tpu.vector_load %arg30[%swap3A_194] {strides = array<i32>} : memref<256xf32, #tpu.memory_space<vmem>>, vector<16xf32>,
      tpu.vector_store %arg30[%swap3A_194], %add3A_193 {strides = array<i32>} : memref<256xf32, #tpu.memory_space<vmem>>, vector<16xf32>,
    }
    %scan3A_26 = arith.constant 16 : i32
    %add3A_27 = arith.constant 0 : i32
    %add3A_28 = arith.addi %add3A, %add3A_27 : i32
    %lt3A_29 = arith.constant 80 : i32
    %lt3A_30 = arith.cmpi slt, %add3A_28, %lt3A_29 : i32
    %convert_element_type3A_31 = arith.extui %lt3A_30 : i1 to i32
    %cond3A_32 = arith.constant 0 : i32
    %cond3A_33 = arith.cmpi ne, %convert_element_type3A_31, %cond3A_32 : i32
    scf.if %cond3A_33 {
      %scan3A_56 = arith.constant 0 : i32
      %scan3A_57 = arith.constant 0 : i32
      %scan3A_58 = arith.constant 8 : i32
      %scan3A_59 = arith.addi %scan3A_57, %scan3A_58 : i32
      %scan3A_60 = arith.constant 1 : i32
      scf.for %scan3A_66 = %scan3A_57 to %scan3A_59 step %scan3A_60  : i32 {
        %mul3A_67 = arith.constant 16 : i32
        %mul3A_68 = arith.muli %scan3A_66, %mul3A_67 : i32
        %add3A_69 = vector.broadcast %mul3A_68 : i32 to vector<16xi32>
        %add3A_70 = arith.addi %add3A_69, %iota3A : vector<16xi32>
        %mul3A_71 = arith.constant 128 : i32
        %mul3A_72 = arith.muli %add3A_28, %mul3A_71 : i32
        %add3A_73 = vector.broadcast %mul3A_72 : i32 to vector<16xi32>
        %add3A_74 = arith.addi %add3A_70, %add3A_73 : vector<16xi32>
        %mul3A_75 = arith.constant 3 : i32
        %mul3A_76 = vector.broadcast %mul3A_75 : i32 to vector<16xi32>
        %mul3A_77 = arith.muli %add3A_74, %mul3A_76 : vector<16xi32>
        %gather3A = tpu.vector_load_idx %arg17[%mul3A_77] : memref<30720xf32, #tpu.memory_space<vmem>>[vector<16xi32>], vector<16xf32>,
        %mul3A_78 = arith.constant 3 : i32
        %mul3A_79 = vector.broadcast %mul3A_78 : i32 to vector<16xi32>
        %mul3A_80 = arith.muli %add3A_74, %mul3A_79 : vector<16xi32>
        %add3A_81 = arith.constant 1 : i32
        %add3A_82 = vector.broadcast %add3A_81 : i32 to vector<16xi32>
        %add3A_83 = arith.addi %mul3A_80, %add3A_82 : vector<16xi32>
        %gather3A_84 = tpu.vector_load_idx %arg17[%add3A_83] : memref<30720xf32, #tpu.memory_space<vmem>>[vector<16xi32>], vector<16xf32>,
        %mul3A_85 = arith.constant 3 : i32
        %mul3A_86 = vector.broadcast %mul3A_85 : i32 to vector<16xi32>
        %mul3A_87 = arith.muli %add3A_74, %mul3A_86 : vector<16xi32>
        %add3A_88 = arith.constant 2 : i32
        %add3A_89 = vector.broadcast %add3A_88 : i32 to vector<16xi32>
        %add3A_90 = arith.addi %mul3A_87, %add3A_89 : vector<16xi32>
        %gather3A_91 = tpu.vector_load_idx %arg17[%add3A_90] : memref<30720xf32, #tpu.memory_space<vmem>>[vector<16xi32>], vector<16xf32>,
        %mul3A_92 = arith.mulf %gather3A, %gather3A : vector<16xf32>
        %mul3A_93 = arith.mulf %gather3A_84, %gather3A_84 : vector<16xf32>
        %add3A_94 = arith.addf %mul3A_92, %mul3A_93 : vector<16xf32>
        %mul3A_95 = arith.mulf %gather3A_91, %gather3A_91 : vector<16xf32>
        %add3A_96 = arith.addf %add3A_94, %mul3A_95 : vector<16xf32>
        %lt3A_97 = arith.constant 10000 : i32
        %lt3A_98 = vector.broadcast %lt3A_97 : i32 to vector<16xi32>
        %lt3A_99 = arith.cmpi slt, %add3A_74, %lt3A_98 : vector<16xi32>
        %jit3A = arith.constant 1.000000e+30 : f32
        %broadcast_in_dim3A_100 = vector.broadcast %jit3A : f32 to vector<16xf32>
        %select_n3A = arith.select %lt3A_99, %add3A_96, %broadcast_in_dim3A_100 : vector<16xi1>, vector<16xf32>
        %mul3A_101 = arith.constant -2.000000e+00 : f32
        %mul3A_102 = vector.broadcast %mul3A_101 : f32 to vector<16xf32>
        %mul3A_103 = arith.mulf %mul3A_102, %gather3A : vector<16xf32>
        %swap3A = arith.constant 0 : i32
        %swap3A_104 = arith.index_cast %swap3A : i32 to index
        %swap3A_105 = arith.index_cast %mul3A_68 : i32 to index
        %swap3A_106 = tpu.vector_load %arg27[%swap3A_104, %swap3A_105] {strides = array<i32>} : memref<8x128xf32, #tpu.memory_space<vmem>>, vector<16xf32>,
        tpu.vector_store %arg27[%swap3A_104, %swap3A_105], %mul3A_103 {strides = array<i32>} : memref<8x128xf32, #tpu.memory_space<vmem>>, vector<16xf32>,
        %mul3A_107 = arith.constant -2.000000e+00 : f32
        %mul3A_108 = vector.broadcast %mul3A_107 : f32 to vector<16xf32>
        %mul3A_109 = arith.mulf %mul3A_108, %gather3A_84 : vector<16xf32>
        %swap3A_110 = arith.constant 1 : i32
        %swap3A_111 = arith.index_cast %swap3A_110 : i32 to index
        %swap3A_112 = arith.index_cast %mul3A_68 : i32 to index
        %swap3A_113 = tpu.vector_load %arg27[%swap3A_111, %swap3A_112] {strides = array<i32>} : memref<8x128xf32, #tpu.memory_space<vmem>>, vector<16xf32>,
        tpu.vector_store %arg27[%swap3A_111, %swap3A_112], %mul3A_109 {strides = array<i32>} : memref<8x128xf32, #tpu.memory_space<vmem>>, vector<16xf32>,
        %mul3A_114 = arith.constant -2.000000e+00 : f32
        %mul3A_115 = vector.broadcast %mul3A_114 : f32 to vector<16xf32>
        %mul3A_116 = arith.mulf %mul3A_115, %gather3A_91 : vector<16xf32>
        %swap3A_117 = arith.constant 2 : i32
        %swap3A_118 = arith.index_cast %swap3A_117 : i32 to index
        %swap3A_119 = arith.index_cast %mul3A_68 : i32 to index
        %swap3A_120 = tpu.vector_load %arg27[%swap3A_118, %swap3A_119] {strides = array<i32>} : memref<8x128xf32, #tpu.memory_space<vmem>>, vector<16xf32>,
        tpu.vector_store %arg27[%swap3A_118, %swap3A_119], %mul3A_116 {strides = array<i32>} : memref<8x128xf32, #tpu.memory_space<vmem>>, vector<16xf32>,
        %swap3A_121 = arith.constant 3 : i32
        %swap3A_122 = arith.index_cast %swap3A_121 : i32 to index
        %swap3A_123 = arith.index_cast %mul3A_68 : i32 to index
        %swap3A_124 = tpu.vector_load %arg27[%swap3A_122, %swap3A_123] {strides = array<i32>} : memref<8x128xf32, #tpu.memory_space<vmem>>, vector<16xf32>,
        tpu.vector_store %arg27[%swap3A_122, %swap3A_123], %broadcast_in_dim3A_13 {strides = array<i32>} : memref<8x128xf32, #tpu.memory_space<vmem>>, vector<16xf32>,
        %swap3A_125 = arith.constant 4 : i32
        %swap3A_126 = arith.index_cast %swap3A_125 : i32 to index
        %swap3A_127 = arith.index_cast %mul3A_68 : i32 to index
        %swap3A_128 = tpu.vector_load %arg27[%swap3A_126, %swap3A_127] {strides = array<i32>} : memref<8x128xf32, #tpu.memory_space<vmem>>, vector<16xf32>,
        tpu.vector_store %arg27[%swap3A_126, %swap3A_127], %broadcast_in_dim3A_13 {strides = array<i32>} : memref<8x128xf32, #tpu.memory_space<vmem>>, vector<16xf32>,
        %swap3A_129 = arith.constant 5 : i32
        %swap3A_130 = arith.index_cast %swap3A_129 : i32 to index
        %swap3A_131 = arith.index_cast %mul3A_68 : i32 to index
        %swap3A_132 = tpu.vector_load %arg27[%swap3A_130, %swap3A_131] {strides = array<i32>} : memref<8x128xf32, #tpu.memory_space<vmem>>, vector<16xf32>,
        tpu.vector_store %arg27[%swap3A_130, %swap3A_131], %broadcast_in_dim3A_13 {strides = array<i32>} : memref<8x128xf32, #tpu.memory_space<vmem>>, vector<16xf32>,
        %swap3A_133 = arith.constant 6 : i32
        %swap3A_134 = arith.index_cast %swap3A_133 : i32 to index
        %swap3A_135 = arith.index_cast %mul3A_68 : i32 to index
        %swap3A_136 = tpu.vector_load %arg27[%swap3A_134, %swap3A_135] {strides = array<i32>} : memref<8x128xf32, #tpu.memory_space<vmem>>, vector<16xf32>,
        tpu.vector_store %arg27[%swap3A_134, %swap3A_135], %broadcast_in_dim3A_13 {strides = array<i32>} : memref<8x128xf32, #tpu.memory_space<vmem>>, vector<16xf32>,
        %swap3A_137 = arith.constant 7 : i32
        %swap3A_138 = arith.index_cast %swap3A_137 : i32 to index
        %swap3A_139 = arith.index_cast %mul3A_68 : i32 to index
        %swap3A_140 = tpu.vector_load %arg27[%swap3A_138, %swap3A_139] {strides = array<i32>} : memref<8x128xf32, #tpu.memory_space<vmem>>, vector<16xf32>,
        tpu.vector_store %arg27[%swap3A_138, %swap3A_139], %broadcast_in_dim3A_13 {strides = array<i32>} : memref<8x128xf32, #tpu.memory_space<vmem>>, vector<16xf32>,
        %swap3A_141 = arith.index_cast %mul3A_68 : i32 to index
        %swap3A_142 = tpu.vector_load %arg31[%swap3A_141] {strides = array<i32>} : memref<128xf32, #tpu.memory_space<vmem>>, vector<16xf32>,
        tpu.vector_store %arg31[%swap3A_141], %select_n3A {strides = array<i32>} : memref<128xf32, #tpu.memory_space<vmem>>, vector<16xf32>,
      }
      %scan3A_61 = arith.constant 8 : i32
      %mul3A_62 = arith.constant 128 : i32
      %mul3A_63 = arith.muli %add3A_28, %mul3A_62 : i32
      "tpu.region"() ({
        %run_scoped3A = tpu.sem_alloc : memref<!tpu.dma_semaphore, #tpu.memory_space<semaphore_mem>>
        %dma_start3A = arith.constant 0 : i32
        %dma_start3A_66 = tpu.memref_slice %arg12[%dma_start3A, %mul3A_63] : memref<8x10240xf32, #tpu.memory_space<hbm>> -> memref<8x128xf32, #tpu.memory_space<hbm>>
        %dma_start3A_67 = arith.constant 0 : i32
        %dma_start3A_68 = tpu.memref_slice %arg12[%dma_start3A_67, %mul3A_63] : memref<8x10240xf32, #tpu.memory_space<hbm>> -> memref<8x128xf32, #tpu.memory_space<hbm>>
        tpu.enqueue_dma source(%arg27 : memref<8x128xf32, #tpu.memory_space<vmem>>) target(%dma_start3A_68 : memref<8x128xf32, #tpu.memory_space<hbm>>) target_semaphore(%run_scoped3A : memref<!tpu.dma_semaphore, #tpu.memory_space<semaphore_mem>>)
        %dma_wait3A = arith.constant 0 : i32
        %dma_wait3A_69 = tpu.memref_slice %arg12[%dma_wait3A, %mul3A_63] : memref<8x10240xf32, #tpu.memory_space<hbm>> -> memref<8x128xf32, #tpu.memory_space<hbm>>
        %dma_wait3A_70 = arith.constant 0 : i32
        %dma_wait3A_71 = tpu.memref_slice %arg12[%dma_wait3A_70, %mul3A_63] : memref<8x10240xf32, #tpu.memory_space<hbm>> -> memref<8x128xf32, #tpu.memory_space<hbm>>
        tpu.wait_dma2 semaphore(%run_scoped3A : memref<!tpu.dma_semaphore, #tpu.memory_space<semaphore_mem>>) src(%arg27 : memref<8x128xf32, #tpu.memory_space<vmem>>) dst(%dma_wait3A_71 : memref<8x128xf32, #tpu.memory_space<hbm>>)
        tpu.yield
      }) : () -> ()
      %mul3A_64 = arith.constant 128 : i32
      %mul3A_65 = arith.muli %add3A_28, %mul3A_64 : i32
      "tpu.region"() ({
        %run_scoped3A = tpu.sem_alloc : memref<!tpu.dma_semaphore, #tpu.memory_space<semaphore_mem>>
        %dma_start3A = tpu.memref_slice %arg16[%mul3A_65] : memref<10240xf32, #tpu.memory_space<hbm>> -> memref<128xf32, #tpu.memory_space<hbm>>
        %dma_start3A_66 = tpu.memref_slice %arg16[%mul3A_65] : memref<10240xf32, #tpu.memory_space<hbm>> -> memref<128xf32, #tpu.memory_space<hbm>>
        tpu.enqueue_dma source(%arg31 : memref<128xf32, #tpu.memory_space<vmem>>) target(%dma_start3A_66 : memref<128xf32, #tpu.memory_space<hbm>>) target_semaphore(%run_scoped3A : memref<!tpu.dma_semaphore, #tpu.memory_space<semaphore_mem>>)
        %dma_wait3A = tpu.memref_slice %arg16[%mul3A_65] : memref<10240xf32, #tpu.memory_space<hbm>> -> memref<128xf32, #tpu.memory_space<hbm>>
        %dma_wait3A_67 = tpu.memref_slice %arg16[%mul3A_65] : memref<10240xf32, #tpu.memory_space<hbm>> -> memref<128xf32, #tpu.memory_space<hbm>>
        tpu.wait_dma2 semaphore(%run_scoped3A : memref<!tpu.dma_semaphore, #tpu.memory_space<semaphore_mem>>) src(%arg31 : memref<128xf32, #tpu.memory_space<vmem>>) dst(%dma_wait3A_67 : memref<128xf32, #tpu.memory_space<hbm>>)
        tpu.yield
      }) : () -> ()
    } else {
    }
    %add3A_34 = arith.constant 32 : i32
    %add3A_35 = arith.addi %add3A, %add3A_34 : i32
    %lt3A_36 = arith.constant 80 : i32
    %lt3A_37 = arith.cmpi slt, %add3A_35, %lt3A_36 : i32
    %convert_element_type3A_38 = arith.extui %lt3A_37 : i1 to i32
    %cond3A_39 = arith.constant 0 : i32
    %cond3A_40 = arith.cmpi ne, %convert_element_type3A_38, %cond3A_39 : i32
    scf.if %cond3A_40 {
      %scan3A_56 = arith.constant 0 : i32
      %scan3A_57 = arith.constant 0 : i32
      %scan3A_58 = arith.constant 8 : i32
      %scan3A_59 = arith.addi %scan3A_57, %scan3A_58 : i32
      %scan3A_60 = arith.constant 1 : i32
      scf.for %scan3A_66 = %scan3A_57 to %scan3A_59 step %scan3A_60  : i32 {
        %mul3A_67 = arith.constant 16 : i32
        %mul3A_68 = arith.muli %scan3A_66, %mul3A_67 : i32
        %add3A_69 = vector.broadcast %mul3A_68 : i32 to vector<16xi32>
        %add3A_70 = arith.addi %add3A_69, %iota3A : vector<16xi32>
        %mul3A_71 = arith.constant 128 : i32
        %mul3A_72 = arith.muli %add3A_35, %mul3A_71 : i32
        %add3A_73 = vector.broadcast %mul3A_72 : i32 to vector<16xi32>
        %add3A_74 = arith.addi %add3A_70, %add3A_73 : vector<16xi32>
        %mul3A_75 = arith.constant 3 : i32
        %mul3A_76 = vector.broadcast %mul3A_75 : i32 to vector<16xi32>
        %mul3A_77 = arith.muli %add3A_74, %mul3A_76 : vector<16xi32>
        %gather3A = tpu.vector_load_idx %arg17[%mul3A_77] : memref<30720xf32, #tpu.memory_space<vmem>>[vector<16xi32>], vector<16xf32>,
        %mul3A_78 = arith.constant 3 : i32
        %mul3A_79 = vector.broadcast %mul3A_78 : i32 to vector<16xi32>
        %mul3A_80 = arith.muli %add3A_74, %mul3A_79 : vector<16xi32>
        %add3A_81 = arith.constant 1 : i32
        %add3A_82 = vector.broadcast %add3A_81 : i32 to vector<16xi32>
        %add3A_83 = arith.addi %mul3A_80, %add3A_82 : vector<16xi32>
        %gather3A_84 = tpu.vector_load_idx %arg17[%add3A_83] : memref<30720xf32, #tpu.memory_space<vmem>>[vector<16xi32>], vector<16xf32>,
        %mul3A_85 = arith.constant 3 : i32
        %mul3A_86 = vector.broadcast %mul3A_85 : i32 to vector<16xi32>
        %mul3A_87 = arith.muli %add3A_74, %mul3A_86 : vector<16xi32>
        %add3A_88 = arith.constant 2 : i32
        %add3A_89 = vector.broadcast %add3A_88 : i32 to vector<16xi32>
        %add3A_90 = arith.addi %mul3A_87, %add3A_89 : vector<16xi32>
        %gather3A_91 = tpu.vector_load_idx %arg17[%add3A_90] : memref<30720xf32, #tpu.memory_space<vmem>>[vector<16xi32>], vector<16xf32>,
        %mul3A_92 = arith.mulf %gather3A, %gather3A : vector<16xf32>
        %mul3A_93 = arith.mulf %gather3A_84, %gather3A_84 : vector<16xf32>
        %add3A_94 = arith.addf %mul3A_92, %mul3A_93 : vector<16xf32>
        %mul3A_95 = arith.mulf %gather3A_91, %gather3A_91 : vector<16xf32>
        %add3A_96 = arith.addf %add3A_94, %mul3A_95 : vector<16xf32>
        %lt3A_97 = arith.constant 10000 : i32
        %lt3A_98 = vector.broadcast %lt3A_97 : i32 to vector<16xi32>
        %lt3A_99 = arith.cmpi slt, %add3A_74, %lt3A_98 : vector<16xi32>
        %jit3A = arith.constant 1.000000e+30 : f32
        %broadcast_in_dim3A_100 = vector.broadcast %jit3A : f32 to vector<16xf32>
        %select_n3A = arith.select %lt3A_99, %add3A_96, %broadcast_in_dim3A_100 : vector<16xi1>, vector<16xf32>
        %mul3A_101 = arith.constant -2.000000e+00 : f32
        %mul3A_102 = vector.broadcast %mul3A_101 : f32 to vector<16xf32>
        %mul3A_103 = arith.mulf %mul3A_102, %gather3A : vector<16xf32>
        %swap3A = arith.constant 0 : i32
        %swap3A_104 = arith.index_cast %swap3A : i32 to index
        %swap3A_105 = arith.index_cast %mul3A_68 : i32 to index
        %swap3A_106 = tpu.vector_load %arg27[%swap3A_104, %swap3A_105] {strides = array<i32>} : memref<8x128xf32, #tpu.memory_space<vmem>>, vector<16xf32>,
        tpu.vector_store %arg27[%swap3A_104, %swap3A_105], %mul3A_103 {strides = array<i32>} : memref<8x128xf32, #tpu.memory_space<vmem>>, vector<16xf32>,
        %mul3A_107 = arith.constant -2.000000e+00 : f32
        %mul3A_108 = vector.broadcast %mul3A_107 : f32 to vector<16xf32>
        %mul3A_109 = arith.mulf %mul3A_108, %gather3A_84 : vector<16xf32>
        %swap3A_110 = arith.constant 1 : i32
        %swap3A_111 = arith.index_cast %swap3A_110 : i32 to index
        %swap3A_112 = arith.index_cast %mul3A_68 : i32 to index
        %swap3A_113 = tpu.vector_load %arg27[%swap3A_111, %swap3A_112] {strides = array<i32>} : memref<8x128xf32, #tpu.memory_space<vmem>>, vector<16xf32>,
        tpu.vector_store %arg27[%swap3A_111, %swap3A_112], %mul3A_109 {strides = array<i32>} : memref<8x128xf32, #tpu.memory_space<vmem>>, vector<16xf32>,
        %mul3A_114 = arith.constant -2.000000e+00 : f32
        %mul3A_115 = vector.broadcast %mul3A_114 : f32 to vector<16xf32>
        %mul3A_116 = arith.mulf %mul3A_115, %gather3A_91 : vector<16xf32>
        %swap3A_117 = arith.constant 2 : i32
        %swap3A_118 = arith.index_cast %swap3A_117 : i32 to index
        %swap3A_119 = arith.index_cast %mul3A_68 : i32 to index
        %swap3A_120 = tpu.vector_load %arg27[%swap3A_118, %swap3A_119] {strides = array<i32>} : memref<8x128xf32, #tpu.memory_space<vmem>>, vector<16xf32>,
        tpu.vector_store %arg27[%swap3A_118, %swap3A_119], %mul3A_116 {strides = array<i32>} : memref<8x128xf32, #tpu.memory_space<vmem>>, vector<16xf32>,
        %swap3A_121 = arith.constant 3 : i32
        %swap3A_122 = arith.index_cast %swap3A_121 : i32 to index
        %swap3A_123 = arith.index_cast %mul3A_68 : i32 to index
        %swap3A_124 = tpu.vector_load %arg27[%swap3A_122, %swap3A_123] {strides = array<i32>} : memref<8x128xf32, #tpu.memory_space<vmem>>, vector<16xf32>,
        tpu.vector_store %arg27[%swap3A_122, %swap3A_123], %broadcast_in_dim3A_13 {strides = array<i32>} : memref<8x128xf32, #tpu.memory_space<vmem>>, vector<16xf32>,
        %swap3A_125 = arith.constant 4 : i32
        %swap3A_126 = arith.index_cast %swap3A_125 : i32 to index
        %swap3A_127 = arith.index_cast %mul3A_68 : i32 to index
        %swap3A_128 = tpu.vector_load %arg27[%swap3A_126, %swap3A_127] {strides = array<i32>} : memref<8x128xf32, #tpu.memory_space<vmem>>, vector<16xf32>,
        tpu.vector_store %arg27[%swap3A_126, %swap3A_127], %broadcast_in_dim3A_13 {strides = array<i32>} : memref<8x128xf32, #tpu.memory_space<vmem>>, vector<16xf32>,
        %swap3A_129 = arith.constant 5 : i32
        %swap3A_130 = arith.index_cast %swap3A_129 : i32 to index
        %swap3A_131 = arith.index_cast %mul3A_68 : i32 to index
        %swap3A_132 = tpu.vector_load %arg27[%swap3A_130, %swap3A_131] {strides = array<i32>} : memref<8x128xf32, #tpu.memory_space<vmem>>, vector<16xf32>,
        tpu.vector_store %arg27[%swap3A_130, %swap3A_131], %broadcast_in_dim3A_13 {strides = array<i32>} : memref<8x128xf32, #tpu.memory_space<vmem>>, vector<16xf32>,
        %swap3A_133 = arith.constant 6 : i32
        %swap3A_134 = arith.index_cast %swap3A_133 : i32 to index
        %swap3A_135 = arith.index_cast %mul3A_68 : i32 to index
        %swap3A_136 = tpu.vector_load %arg27[%swap3A_134, %swap3A_135] {strides = array<i32>} : memref<8x128xf32, #tpu.memory_space<vmem>>, vector<16xf32>,
        tpu.vector_store %arg27[%swap3A_134, %swap3A_135], %broadcast_in_dim3A_13 {strides = array<i32>} : memref<8x128xf32, #tpu.memory_space<vmem>>, vector<16xf32>,
        %swap3A_137 = arith.constant 7 : i32
        %swap3A_138 = arith.index_cast %swap3A_137 : i32 to index
        %swap3A_139 = arith.index_cast %mul3A_68 : i32 to index
        %swap3A_140 = tpu.vector_load %arg27[%swap3A_138, %swap3A_139] {strides = array<i32>} : memref<8x128xf32, #tpu.memory_space<vmem>>, vector<16xf32>,
        tpu.vector_store %arg27[%swap3A_138, %swap3A_139], %broadcast_in_dim3A_13 {strides = array<i32>} : memref<8x128xf32, #tpu.memory_space<vmem>>, vector<16xf32>,
        %swap3A_141 = arith.index_cast %mul3A_68 : i32 to index
        %swap3A_142 = tpu.vector_load %arg31[%swap3A_141] {strides = array<i32>} : memref<128xf32, #tpu.memory_space<vmem>>, vector<16xf32>,
        tpu.vector_store %arg31[%swap3A_141], %select_n3A {strides = array<i32>} : memref<128xf32, #tpu.memory_space<vmem>>, vector<16xf32>,
      }
      %scan3A_61 = arith.constant 8 : i32
      %mul3A_62 = arith.constant 128 : i32
      %mul3A_63 = arith.muli %add3A_35, %mul3A_62 : i32
      "tpu.region"() ({
        %run_scoped3A = tpu.sem_alloc : memref<!tpu.dma_semaphore, #tpu.memory_space<semaphore_mem>>
        %dma_start3A = arith.constant 0 : i32
        %dma_start3A_66 = tpu.memref_slice %arg12[%dma_start3A, %mul3A_63] : memref<8x10240xf32, #tpu.memory_space<hbm>> -> memref<8x128xf32, #tpu.memory_space<hbm>>
        %dma_start3A_67 = arith.constant 0 : i32
        %dma_start3A_68 = tpu.memref_slice %arg12[%dma_start3A_67, %mul3A_63] : memref<8x10240xf32, #tpu.memory_space<hbm>> -> memref<8x128xf32, #tpu.memory_space<hbm>>
        tpu.enqueue_dma source(%arg27 : memref<8x128xf32, #tpu.memory_space<vmem>>) target(%dma_start3A_68 : memref<8x128xf32, #tpu.memory_space<hbm>>) target_semaphore(%run_scoped3A : memref<!tpu.dma_semaphore, #tpu.memory_space<semaphore_mem>>)
        %dma_wait3A = arith.constant 0 : i32
        %dma_wait3A_69 = tpu.memref_slice %arg12[%dma_wait3A, %mul3A_63] : memref<8x10240xf32, #tpu.memory_space<hbm>> -> memref<8x128xf32, #tpu.memory_space<hbm>>
        %dma_wait3A_70 = arith.constant 0 : i32
        %dma_wait3A_71 = tpu.memref_slice %arg12[%dma_wait3A_70, %mul3A_63] : memref<8x10240xf32, #tpu.memory_space<hbm>> -> memref<8x128xf32, #tpu.memory_space<hbm>>
        tpu.wait_dma2 semaphore(%run_scoped3A : memref<!tpu.dma_semaphore, #tpu.memory_space<semaphore_mem>>) src(%arg27 : memref<8x128xf32, #tpu.memory_space<vmem>>) dst(%dma_wait3A_71 : memref<8x128xf32, #tpu.memory_space<hbm>>)
        tpu.yield
      }) : () -> ()
      %mul3A_64 = arith.constant 128 : i32
      %mul3A_65 = arith.muli %add3A_35, %mul3A_64 : i32
      "tpu.region"() ({
        %run_scoped3A = tpu.sem_alloc : memref<!tpu.dma_semaphore, #tpu.memory_space<semaphore_mem>>
        %dma_start3A = tpu.memref_slice %arg16[%mul3A_65] : memref<10240xf32, #tpu.memory_space<hbm>> -> memref<128xf32, #tpu.memory_space<hbm>>
        %dma_start3A_66 = tpu.memref_slice %arg16[%mul3A_65] : memref<10240xf32, #tpu.memory_space<hbm>> -> memref<128xf32, #tpu.memory_space<hbm>>
        tpu.enqueue_dma source(%arg31 : memref<128xf32, #tpu.memory_space<vmem>>) target(%dma_start3A_66 : memref<128xf32, #tpu.memory_space<hbm>>) target_semaphore(%run_scoped3A : memref<!tpu.dma_semaphore, #tpu.memory_space<semaphore_mem>>)
        %dma_wait3A = tpu.memref_slice %arg16[%mul3A_65] : memref<10240xf32, #tpu.memory_space<hbm>> -> memref<128xf32, #tpu.memory_space<hbm>>
        %dma_wait3A_67 = tpu.memref_slice %arg16[%mul3A_65] : memref<10240xf32, #tpu.memory_space<hbm>> -> memref<128xf32, #tpu.memory_space<hbm>>
        tpu.wait_dma2 semaphore(%run_scoped3A : memref<!tpu.dma_semaphore, #tpu.memory_space<semaphore_mem>>) src(%arg31 : memref<128xf32, #tpu.memory_space<vmem>>) dst(%dma_wait3A_67 : memref<128xf32, #tpu.memory_space<hbm>>)
        tpu.yield
      }) : () -> ()
    } else {
    }
    %add3A_41 = arith.constant 64 : i32
    %add3A_42 = arith.addi %add3A, %add3A_41 : i32
    %lt3A_43 = arith.constant 80 : i32
    %lt3A_44 = arith.cmpi slt, %add3A_42, %lt3A_43 : i32
    %convert_element_type3A_45 = arith.extui %lt3A_44 : i1 to i32
    %cond3A_46 = arith.constant 0 : i32
    %cond3A_47 = arith.cmpi ne, %convert_element_type3A_45, %cond3A_46 : i32
    scf.if %cond3A_47 {
      %scan3A_56 = arith.constant 0 : i32
      %scan3A_57 = arith.constant 0 : i32
      %scan3A_58 = arith.constant 8 : i32
      %scan3A_59 = arith.addi %scan3A_57, %scan3A_58 : i32
      %scan3A_60 = arith.constant 1 : i32
      scf.for %scan3A_66 = %scan3A_57 to %scan3A_59 step %scan3A_60  : i32 {
        %mul3A_67 = arith.constant 16 : i32
        %mul3A_68 = arith.muli %scan3A_66, %mul3A_67 : i32
        %add3A_69 = vector.broadcast %mul3A_68 : i32 to vector<16xi32>
        %add3A_70 = arith.addi %add3A_69, %iota3A : vector<16xi32>
        %mul3A_71 = arith.constant 128 : i32
        %mul3A_72 = arith.muli %add3A_42, %mul3A_71 : i32
        %add3A_73 = vector.broadcast %mul3A_72 : i32 to vector<16xi32>
        %add3A_74 = arith.addi %add3A_70, %add3A_73 : vector<16xi32>
        %mul3A_75 = arith.constant 3 : i32
        %mul3A_76 = vector.broadcast %mul3A_75 : i32 to vector<16xi32>
        %mul3A_77 = arith.muli %add3A_74, %mul3A_76 : vector<16xi32>
        %gather3A = tpu.vector_load_idx %arg17[%mul3A_77] : memref<30720xf32, #tpu.memory_space<vmem>>[vector<16xi32>], vector<16xf32>,
        %mul3A_78 = arith.constant 3 : i32
        %mul3A_79 = vector.broadcast %mul3A_78 : i32 to vector<16xi32>
        %mul3A_80 = arith.muli %add3A_74, %mul3A_79 : vector<16xi32>
        %add3A_81 = arith.constant 1 : i32
        %add3A_82 = vector.broadcast %add3A_81 : i32 to vector<16xi32>
        %add3A_83 = arith.addi %mul3A_80, %add3A_82 : vector<16xi32>
        %gather3A_84 = tpu.vector_load_idx %arg17[%add3A_83] : memref<30720xf32, #tpu.memory_space<vmem>>[vector<16xi32>], vector<16xf32>,
        %mul3A_85 = arith.constant 3 : i32
        %mul3A_86 = vector.broadcast %mul3A_85 : i32 to vector<16xi32>
        %mul3A_87 = arith.muli %add3A_74, %mul3A_86 : vector<16xi32>
        %add3A_88 = arith.constant 2 : i32
        %add3A_89 = vector.broadcast %add3A_88 : i32 to vector<16xi32>
        %add3A_90 = arith.addi %mul3A_87, %add3A_89 : vector<16xi32>
        %gather3A_91 = tpu.vector_load_idx %arg17[%add3A_90] : memref<30720xf32, #tpu.memory_space<vmem>>[vector<16xi32>], vector<16xf32>,
        %mul3A_92 = arith.mulf %gather3A, %gather3A : vector<16xf32>
        %mul3A_93 = arith.mulf %gather3A_84, %gather3A_84 : vector<16xf32>
        %add3A_94 = arith.addf %mul3A_92, %mul3A_93 : vector<16xf32>
        %mul3A_95 = arith.mulf %gather3A_91, %gather3A_91 : vector<16xf32>
        %add3A_96 = arith.addf %add3A_94, %mul3A_95 : vector<16xf32>
        %lt3A_97 = arith.constant 10000 : i32
        %lt3A_98 = vector.broadcast %lt3A_97 : i32 to vector<16xi32>
        %lt3A_99 = arith.cmpi slt, %add3A_74, %lt3A_98 : vector<16xi32>
        %jit3A = arith.constant 1.000000e+30 : f32
        %broadcast_in_dim3A_100 = vector.broadcast %jit3A : f32 to vector<16xf32>
        %select_n3A = arith.select %lt3A_99, %add3A_96, %broadcast_in_dim3A_100 : vector<16xi1>, vector<16xf32>
        %mul3A_101 = arith.constant -2.000000e+00 : f32
        %mul3A_102 = vector.broadcast %mul3A_101 : f32 to vector<16xf32>
        %mul3A_103 = arith.mulf %mul3A_102, %gather3A : vector<16xf32>
        %swap3A = arith.constant 0 : i32
        %swap3A_104 = arith.index_cast %swap3A : i32 to index
        %swap3A_105 = arith.index_cast %mul3A_68 : i32 to index
        %swap3A_106 = tpu.vector_load %arg27[%swap3A_104, %swap3A_105] {strides = array<i32>} : memref<8x128xf32, #tpu.memory_space<vmem>>, vector<16xf32>,
        tpu.vector_store %arg27[%swap3A_104, %swap3A_105], %mul3A_103 {strides = array<i32>} : memref<8x128xf32, #tpu.memory_space<vmem>>, vector<16xf32>,
        %mul3A_107 = arith.constant -2.000000e+00 : f32
        %mul3A_108 = vector.broadcast %mul3A_107 : f32 to vector<16xf32>
        %mul3A_109 = arith.mulf %mul3A_108, %gather3A_84 : vector<16xf32>
        %swap3A_110 = arith.constant 1 : i32
        %swap3A_111 = arith.index_cast %swap3A_110 : i32 to index
        %swap3A_112 = arith.index_cast %mul3A_68 : i32 to index
        %swap3A_113 = tpu.vector_load %arg27[%swap3A_111, %swap3A_112] {strides = array<i32>} : memref<8x128xf32, #tpu.memory_space<vmem>>, vector<16xf32>,
        tpu.vector_store %arg27[%swap3A_111, %swap3A_112], %mul3A_109 {strides = array<i32>} : memref<8x128xf32, #tpu.memory_space<vmem>>, vector<16xf32>,
        %mul3A_114 = arith.constant -2.000000e+00 : f32
        %mul3A_115 = vector.broadcast %mul3A_114 : f32 to vector<16xf32>
        %mul3A_116 = arith.mulf %mul3A_115, %gather3A_91 : vector<16xf32>
        %swap3A_117 = arith.constant 2 : i32
        %swap3A_118 = arith.index_cast %swap3A_117 : i32 to index
        %swap3A_119 = arith.index_cast %mul3A_68 : i32 to index
        %swap3A_120 = tpu.vector_load %arg27[%swap3A_118, %swap3A_119] {strides = array<i32>} : memref<8x128xf32, #tpu.memory_space<vmem>>, vector<16xf32>,
        tpu.vector_store %arg27[%swap3A_118, %swap3A_119], %mul3A_116 {strides = array<i32>} : memref<8x128xf32, #tpu.memory_space<vmem>>, vector<16xf32>,
        %swap3A_121 = arith.constant 3 : i32
        %swap3A_122 = arith.index_cast %swap3A_121 : i32 to index
        %swap3A_123 = arith.index_cast %mul3A_68 : i32 to index
        %swap3A_124 = tpu.vector_load %arg27[%swap3A_122, %swap3A_123] {strides = array<i32>} : memref<8x128xf32, #tpu.memory_space<vmem>>, vector<16xf32>,
        tpu.vector_store %arg27[%swap3A_122, %swap3A_123], %broadcast_in_dim3A_13 {strides = array<i32>} : memref<8x128xf32, #tpu.memory_space<vmem>>, vector<16xf32>,
        %swap3A_125 = arith.constant 4 : i32
        %swap3A_126 = arith.index_cast %swap3A_125 : i32 to index
        %swap3A_127 = arith.index_cast %mul3A_68 : i32 to index
        %swap3A_128 = tpu.vector_load %arg27[%swap3A_126, %swap3A_127] {strides = array<i32>} : memref<8x128xf32, #tpu.memory_space<vmem>>, vector<16xf32>,
        tpu.vector_store %arg27[%swap3A_126, %swap3A_127], %broadcast_in_dim3A_13 {strides = array<i32>} : memref<8x128xf32, #tpu.memory_space<vmem>>, vector<16xf32>,
        %swap3A_129 = arith.constant 5 : i32
        %swap3A_130 = arith.index_cast %swap3A_129 : i32 to index
        %swap3A_131 = arith.index_cast %mul3A_68 : i32 to index
        %swap3A_132 = tpu.vector_load %arg27[%swap3A_130, %swap3A_131] {strides = array<i32>} : memref<8x128xf32, #tpu.memory_space<vmem>>, vector<16xf32>,
        tpu.vector_store %arg27[%swap3A_130, %swap3A_131], %broadcast_in_dim3A_13 {strides = array<i32>} : memref<8x128xf32, #tpu.memory_space<vmem>>, vector<16xf32>,
        %swap3A_133 = arith.constant 6 : i32
        %swap3A_134 = arith.index_cast %swap3A_133 : i32 to index
        %swap3A_135 = arith.index_cast %mul3A_68 : i32 to index
        %swap3A_136 = tpu.vector_load %arg27[%swap3A_134, %swap3A_135] {strides = array<i32>} : memref<8x128xf32, #tpu.memory_space<vmem>>, vector<16xf32>,
        tpu.vector_store %arg27[%swap3A_134, %swap3A_135], %broadcast_in_dim3A_13 {strides = array<i32>} : memref<8x128xf32, #tpu.memory_space<vmem>>, vector<16xf32>,
        %swap3A_137 = arith.constant 7 : i32
        %swap3A_138 = arith.index_cast %swap3A_137 : i32 to index
        %swap3A_139 = arith.index_cast %mul3A_68 : i32 to index
        %swap3A_140 = tpu.vector_load %arg27[%swap3A_138, %swap3A_139] {strides = array<i32>} : memref<8x128xf32, #tpu.memory_space<vmem>>, vector<16xf32>,
        tpu.vector_store %arg27[%swap3A_138, %swap3A_139], %broadcast_in_dim3A_13 {strides = array<i32>} : memref<8x128xf32, #tpu.memory_space<vmem>>, vector<16xf32>,
        %swap3A_141 = arith.index_cast %mul3A_68 : i32 to index
        %swap3A_142 = tpu.vector_load %arg31[%swap3A_141] {strides = array<i32>} : memref<128xf32, #tpu.memory_space<vmem>>, vector<16xf32>,
        tpu.vector_store %arg31[%swap3A_141], %select_n3A {strides = array<i32>} : memref<128xf32, #tpu.memory_space<vmem>>, vector<16xf32>,
      }
      %scan3A_61 = arith.constant 8 : i32
      %mul3A_62 = arith.constant 128 : i32
      %mul3A_63 = arith.muli %add3A_42, %mul3A_62 : i32
      "tpu.region"() ({
        %run_scoped3A = tpu.sem_alloc : memref<!tpu.dma_semaphore, #tpu.memory_space<semaphore_mem>>
        %dma_start3A = arith.constant 0 : i32
        %dma_start3A_66 = tpu.memref_slice %arg12[%dma_start3A, %mul3A_63] : memref<8x10240xf32, #tpu.memory_space<hbm>> -> memref<8x128xf32, #tpu.memory_space<hbm>>
        %dma_start3A_67 = arith.constant 0 : i32
        %dma_start3A_68 = tpu.memref_slice %arg12[%dma_start3A_67, %mul3A_63] : memref<8x10240xf32, #tpu.memory_space<hbm>> -> memref<8x128xf32, #tpu.memory_space<hbm>>
        tpu.enqueue_dma source(%arg27 : memref<8x128xf32, #tpu.memory_space<vmem>>) target(%dma_start3A_68 : memref<8x128xf32, #tpu.memory_space<hbm>>) target_semaphore(%run_scoped3A : memref<!tpu.dma_semaphore, #tpu.memory_space<semaphore_mem>>)
        %dma_wait3A = arith.constant 0 : i32
        %dma_wait3A_69 = tpu.memref_slice %arg12[%dma_wait3A, %mul3A_63] : memref<8x10240xf32, #tpu.memory_space<hbm>> -> memref<8x128xf32, #tpu.memory_space<hbm>>
        %dma_wait3A_70 = arith.constant 0 : i32
        %dma_wait3A_71 = tpu.memref_slice %arg12[%dma_wait3A_70, %mul3A_63] : memref<8x10240xf32, #tpu.memory_space<hbm>> -> memref<8x128xf32, #tpu.memory_space<hbm>>
        tpu.wait_dma2 semaphore(%run_scoped3A : memref<!tpu.dma_semaphore, #tpu.memory_space<semaphore_mem>>) src(%arg27 : memref<8x128xf32, #tpu.memory_space<vmem>>) dst(%dma_wait3A_71 : memref<8x128xf32, #tpu.memory_space<hbm>>)
        tpu.yield
      }) : () -> ()
      %mul3A_64 = arith.constant 128 : i32
      %mul3A_65 = arith.muli %add3A_42, %mul3A_64 : i32
      "tpu.region"() ({
        %run_scoped3A = tpu.sem_alloc : memref<!tpu.dma_semaphore, #tpu.memory_space<semaphore_mem>>
        %dma_start3A = tpu.memref_slice %arg16[%mul3A_65] : memref<10240xf32, #tpu.memory_space<hbm>> -> memref<128xf32, #tpu.memory_space<hbm>>
        %dma_start3A_66 = tpu.memref_slice %arg16[%mul3A_65] : memref<10240xf32, #tpu.memory_space<hbm>> -> memref<128xf32, #tpu.memory_space<hbm>>
        tpu.enqueue_dma source(%arg31 : memref<128xf32, #tpu.memory_space<vmem>>) target(%dma_start3A_66 : memref<128xf32, #tpu.memory_space<hbm>>) target_semaphore(%run_scoped3A : memref<!tpu.dma_semaphore, #tpu.memory_space<semaphore_mem>>)
        %dma_wait3A = tpu.memref_slice %arg16[%mul3A_65] : memref<10240xf32, #tpu.memory_space<hbm>> -> memref<128xf32, #tpu.memory_space<hbm>>
        %dma_wait3A_67 = tpu.memref_slice %arg16[%mul3A_65] : memref<10240xf32, #tpu.memory_space<hbm>> -> memref<128xf32, #tpu.memory_space<hbm>>
        tpu.wait_dma2 semaphore(%run_scoped3A : memref<!tpu.dma_semaphore, #tpu.memory_space<semaphore_mem>>) src(%arg31 : memref<128xf32, #tpu.memory_space<vmem>>) dst(%dma_wait3A_67 : memref<128xf32, #tpu.memory_space<hbm>>)
        tpu.yield
      }) : () -> ()
    } else {
    }
    %mul3A_48 = arith.constant 640 : i32
    %mul3A_49 = arith.muli %add3A, %mul3A_48 : i32
    "tpu.region"() ({
      %run_scoped3A = tpu.sem_alloc : memref<!tpu.dma_semaphore, #tpu.memory_space<semaphore_mem>>
      %dma_start3A = arith.constant 0 : i32
      %dma_start3A_56 = tpu.memref_slice %arg9[%dma_start3A, %mul3A_49] : memref<8x20480xf32, #tpu.memory_space<hbm>> -> memref<8x640xf32, #tpu.memory_space<hbm>>
      %dma_start3A_57 = arith.constant 0 : i32
      %dma_start3A_58 = tpu.memref_slice %arg9[%dma_start3A_57, %mul3A_49] : memref<8x20480xf32, #tpu.memory_space<hbm>> -> memref<8x640xf32, #tpu.memory_space<hbm>>
      tpu.enqueue_dma source(%arg24 : memref<8x640xf32, #tpu.memory_space<vmem>>) target(%dma_start3A_58 : memref<8x640xf32, #tpu.memory_space<hbm>>) target_semaphore(%run_scoped3A : memref<!tpu.dma_semaphore, #tpu.memory_space<semaphore_mem>>)
      %dma_wait3A = arith.constant 0 : i32
      %dma_wait3A_59 = tpu.memref_slice %arg9[%dma_wait3A, %mul3A_49] : memref<8x20480xf32, #tpu.memory_space<hbm>> -> memref<8x640xf32, #tpu.memory_space<hbm>>
      %dma_wait3A_60 = arith.constant 0 : i32
      %dma_wait3A_61 = tpu.memref_slice %arg9[%dma_wait3A_60, %mul3A_49] : memref<8x20480xf32, #tpu.memory_space<hbm>> -> memref<8x640xf32, #tpu.memory_space<hbm>>
      tpu.wait_dma2 semaphore(%run_scoped3A : memref<!tpu.dma_semaphore, #tpu.memory_space<semaphore_mem>>) src(%arg24 : memref<8x640xf32, #tpu.memory_space<vmem>>) dst(%dma_wait3A_61 : memref<8x640xf32, #tpu.memory_space<hbm>>)
      tpu.yield
    }) : () -> ()
    %mul3A_50 = arith.constant 256 : i32
    %mul3A_51 = arith.muli %add3A, %mul3A_50 : i32
    "tpu.region"() ({
      %run_scoped3A = tpu.sem_alloc : memref<!tpu.dma_semaphore, #tpu.memory_space<semaphore_mem>>
      %dma_start3A = arith.constant 0 : i32
      %dma_start3A_56 = tpu.memref_slice %arg11[%dma_start3A, %mul3A_51] : memref<8x8192xf32, #tpu.memory_space<hbm>> -> memref<8x256xf32, #tpu.memory_space<hbm>>
      %dma_start3A_57 = arith.constant 0 : i32
      %dma_start3A_58 = tpu.memref_slice %arg11[%dma_start3A_57, %mul3A_51] : memref<8x8192xf32, #tpu.memory_space<hbm>> -> memref<8x256xf32, #tpu.memory_space<hbm>>
      tpu.enqueue_dma source(%arg26 : memref<8x256xf32, #tpu.memory_space<vmem>>) target(%dma_start3A_58 : memref<8x256xf32, #tpu.memory_space<hbm>>) target_semaphore(%run_scoped3A : memref<!tpu.dma_semaphore, #tpu.memory_space<semaphore_mem>>)
      %dma_wait3A = arith.constant 0 : i32
      %dma_wait3A_59 = tpu.memref_slice %arg11[%dma_wait3A, %mul3A_51] : memref<8x8192xf32, #tpu.memory_space<hbm>> -> memref<8x256xf32, #tpu.memory_space<hbm>>
      %dma_wait3A_60 = arith.constant 0 : i32
      %dma_wait3A_61 = tpu.memref_slice %arg11[%dma_wait3A_60, %mul3A_51] : memref<8x8192xf32, #tpu.memory_space<hbm>> -> memref<8x256xf32, #tpu.memory_space<hbm>>
      tpu.wait_dma2 semaphore(%run_scoped3A : memref<!tpu.dma_semaphore, #tpu.memory_space<semaphore_mem>>) src(%arg26 : memref<8x256xf32, #tpu.memory_space<vmem>>) dst(%dma_wait3A_61 : memref<8x256xf32, #tpu.memory_space<hbm>>)
      tpu.yield
    }) : () -> ()
    %mul3A_52 = arith.constant 640 : i32
    %mul3A_53 = arith.muli %add3A, %mul3A_52 : i32
    "tpu.region"() ({
      %run_scoped3A = tpu.sem_alloc : memref<!tpu.dma_semaphore, #tpu.memory_space<semaphore_mem>>
      %dma_start3A = tpu.memref_slice %arg13[%mul3A_53] : memref<20480xf32, #tpu.memory_space<hbm>> -> memref<640xf32, #tpu.memory_space<hbm>>
      %dma_start3A_56 = tpu.memref_slice %arg13[%mul3A_53] : memref<20480xf32, #tpu.memory_space<hbm>> -> memref<640xf32, #tpu.memory_space<hbm>>
      tpu.enqueue_dma source(%arg28 : memref<640xf32, #tpu.memory_space<vmem>>) target(%dma_start3A_56 : memref<640xf32, #tpu.memory_space<hbm>>) target_semaphore(%run_scoped3A : memref<!tpu.dma_semaphore, #tpu.memory_space<semaphore_mem>>)
      %dma_wait3A = tpu.memref_slice %arg13[%mul3A_53] : memref<20480xf32, #tpu.memory_space<hbm>> -> memref<640xf32, #tpu.memory_space<hbm>>
      %dma_wait3A_57 = tpu.memref_slice %arg13[%mul3A_53] : memref<20480xf32, #tpu.memory_space<hbm>> -> memref<640xf32, #tpu.memory_space<hbm>>
      tpu.wait_dma2 semaphore(%run_scoped3A : memref<!tpu.dma_semaphore, #tpu.memory_space<semaphore_mem>>) src(%arg28 : memref<640xf32, #tpu.memory_space<vmem>>) dst(%dma_wait3A_57 : memref<640xf32, #tpu.memory_space<hbm>>)
      tpu.yield
    }) : () -> ()
    %mul3A_54 = arith.constant 256 : i32
    %mul3A_55 = arith.muli %add3A, %mul3A_54 : i32
    "tpu.region"() ({
      %run_scoped3A = tpu.sem_alloc : memref<!tpu.dma_semaphore, #tpu.memory_space<semaphore_mem>>
      %dma_start3A = tpu.memref_slice %arg15[%mul3A_55] : memref<8192xf32, #tpu.memory_space<hbm>> -> memref<256xf32, #tpu.memory_space<hbm>>
      %dma_start3A_56 = tpu.memref_slice %arg15[%mul3A_55] : memref<8192xf32, #tpu.memory_space<hbm>> -> memref<256xf32, #tpu.memory_space<hbm>>
      tpu.enqueue_dma source(%arg30 : memref<256xf32, #tpu.memory_space<vmem>>) target(%dma_start3A_56 : memref<256xf32, #tpu.memory_space<hbm>>) target_semaphore(%run_scoped3A : memref<!tpu.dma_semaphore, #tpu.memory_space<semaphore_mem>>)
      %dma_wait3A = tpu.memref_slice %arg15[%mul3A_55] : memref<8192xf32, #tpu.memory_space<hbm>> -> memref<256xf32, #tpu.memory_space<hbm>>
      %dma_wait3A_57 = tpu.memref_slice %arg15[%mul3A_55] : memref<8192xf32, #tpu.memory_space<hbm>> -> memref<256xf32, #tpu.memory_space<hbm>>
      tpu.wait_dma2 semaphore(%run_scoped3A : memref<!tpu.dma_semaphore, #tpu.memory_space<semaphore_mem>>) src(%arg30 : memref<256xf32, #tpu.memory_space<vmem>>) dst(%dma_wait3A_57 : memref<256xf32, #tpu.memory_space<hbm>>)
      tpu.yield
    }) : () -> ()
    return
  }
}

module attributes {stable_mosaic.version = 14 : i64} {
  func.func @body(%arg0: i32, %arg1: memref<8x1024xf32, #tpu.memory_space<vmem>>, %arg2: memref<8x4096xf32, #tpu.memory_space<vmem>>, %arg3: memref<1x4096xf32, #tpu.memory_space<vmem>>, %arg4: memref<1024x1xf32, #tpu.memory_space<vmem>>, %arg5: memref<1024x1xf32, #tpu.memory_space<vmem>>, %arg6: memref<1x1xf32, #tpu.memory_space<vmem>>, %arg7: memref<1x1xf32, #tpu.memory_space<vmem>>, %arg8: memref<1024x128xf32, #tpu.memory_space<vmem>>) attributes {dimension_semantics = [#tpu.dimension_semantics<arbitrary>], iteration_bounds = array<i64: 5>, scalar_prefetch = 0 : i64, scratch_operands = 1 : i64, tpu.core_type = #tpu.core_type<tc>, window_params = [{pipeline_mode = #tpu.pipeline_mode<synchronous>, transform_indices = @transform_0, window_bounds = array<i64: 8, 1024>}, {transform_indices = @transform_1, window_bounds = array<i64: 8, 4096>}, {transform_indices = @transform_2, window_bounds = array<i64: 1, 4096>}, {pipeline_mode = #tpu.pipeline_mode<synchronous>, transform_indices = @transform_3, window_bounds = array<i64: 1024, 1>}, {pipeline_mode = #tpu.pipeline_mode<synchronous>, transform_indices = @transform_4, window_bounds = array<i64: 1024, 1>}, {pipeline_mode = #tpu.pipeline_mode<synchronous>, transform_indices = @transform_5, window_bounds = array<i64: 1, 1>}, {pipeline_mode = #tpu.pipeline_mode<synchronous>, transform_indices = @transform_6, window_bounds = array<i64: 1, 1>}]} {
    %get3A = arith.constant 0 : index
    %get3A_0 = arith.constant 0 : index
    %get3A_1 = vector.load %arg1[%get3A, %get3A_0] : memref<8x1024xf32, #tpu.memory_space<vmem>>, vector<8x1024xf32>
    %convert_element_type3A = arith.truncf %get3A_1 : vector<8x1024xf32> to vector<8x1024xbf16>
    %convert_element_type3A_2 = arith.extf %convert_element_type3A : vector<8x1024xbf16> to vector<8x1024xf32>
    %sub3A = arith.subf %get3A_1, %convert_element_type3A_2 : vector<8x1024xf32>
    %convert_element_type3A_3 = arith.truncf %sub3A : vector<8x1024xf32> to vector<8x1024xbf16>
    %get3A_4 = arith.constant 0 : index
    %get3A_5 = arith.constant 0 : index
    %get3A_6 = vector.load %arg2[%get3A_4, %get3A_5] : memref<8x4096xf32, #tpu.memory_space<vmem>>, vector<8x4096xf32>
    %convert_element_type3A_7 = arith.truncf %get3A_6 : vector<8x4096xf32> to vector<8x4096xbf16>
    %convert_element_type3A_8 = arith.extf %convert_element_type3A_7 : vector<8x4096xbf16> to vector<8x4096xf32>
    %sub3A_9 = arith.subf %get3A_6, %convert_element_type3A_8 : vector<8x4096xf32>
    %convert_element_type3A_10 = arith.truncf %sub3A_9 : vector<8x4096xf32> to vector<8x4096xbf16>
    %concatenate3A = tpu.concatenate %convert_element_type3A, %convert_element_type3A, %convert_element_type3A_3 in 0 : vector<8x1024xbf16>, vector<8x1024xbf16>, vector<8x1024xbf16> -> vector<24x1024xbf16>
    %concatenate3A_11 = tpu.concatenate %convert_element_type3A_7, %convert_element_type3A_10, %convert_element_type3A_7 in 0 : vector<8x4096xbf16>, vector<8x4096xbf16>, vector<8x4096xbf16> -> vector<24x4096xbf16>
    %dot_general3A = arith.constant dense<0.000000e+00> : vector<1024x4096xf32>
    %dot_general3A_12 = tpu.matmul %concatenate3A, %concatenate3A_11, %dot_general3A {dimension_numbers = #tpu.dot_dimension_numbers<[0], [0], [1], [1], [0, 1, 1, 1], [], []>, transpose_lhs_hint = false} : vector<24x1024xbf16>, vector<24x4096xbf16>, vector<1024x4096xf32> -> vector<1024x4096xf32>
    %get3A_13 = arith.constant 0 : index
    %get3A_14 = arith.constant 0 : index
    %get3A_15 = vector.load %arg3[%get3A_13, %get3A_14] : memref<1x4096xf32, #tpu.memory_space<vmem>>, vector<1x4096xf32>
    %slice3A = vector.extract_strided_slice %dot_general3A_12 {offsets = [0, 0], sizes = [1024, 128], strides = [1, 1]} : vector<1024x4096xf32> to vector<1024x128xf32>
    %slice3A_16 = vector.extract_strided_slice %get3A_15 {offsets = [0, 0], sizes = [1, 128], strides = [1, 1]} : vector<1x4096xf32> to vector<1x128xf32>
    %add3A = vector.broadcast %slice3A_16 : vector<1x128xf32> to vector<1024x128xf32>
    %add3A_17 = arith.addf %slice3A, %add3A : vector<1024x128xf32>
    %slice3A_18 = vector.extract_strided_slice %dot_general3A_12 {offsets = [0, 128], sizes = [1024, 128], strides = [1, 1]} : vector<1024x4096xf32> to vector<1024x128xf32>
    %slice3A_19 = vector.extract_strided_slice %get3A_15 {offsets = [0, 128], sizes = [1, 128], strides = [1, 1]} : vector<1x4096xf32> to vector<1x128xf32>
    %add3A_20 = vector.broadcast %slice3A_19 : vector<1x128xf32> to vector<1024x128xf32>
    %add3A_21 = arith.addf %slice3A_18, %add3A_20 : vector<1024x128xf32>
    %min3A = arith.minimumf %add3A_17, %add3A_21 : vector<1024x128xf32>
    %slice3A_22 = vector.extract_strided_slice %dot_general3A_12 {offsets = [0, 256], sizes = [1024, 128], strides = [1, 1]} : vector<1024x4096xf32> to vector<1024x128xf32>
    %slice3A_23 = vector.extract_strided_slice %get3A_15 {offsets = [0, 256], sizes = [1, 128], strides = [1, 1]} : vector<1x4096xf32> to vector<1x128xf32>
    %add3A_24 = vector.broadcast %slice3A_23 : vector<1x128xf32> to vector<1024x128xf32>
    %add3A_25 = arith.addf %slice3A_22, %add3A_24 : vector<1024x128xf32>
    %min3A_26 = arith.minimumf %min3A, %add3A_25 : vector<1024x128xf32>
    %slice3A_27 = vector.extract_strided_slice %dot_general3A_12 {offsets = [0, 384], sizes = [1024, 128], strides = [1, 1]} : vector<1024x4096xf32> to vector<1024x128xf32>
    %slice3A_28 = vector.extract_strided_slice %get3A_15 {offsets = [0, 384], sizes = [1, 128], strides = [1, 1]} : vector<1x4096xf32> to vector<1x128xf32>
    %add3A_29 = vector.broadcast %slice3A_28 : vector<1x128xf32> to vector<1024x128xf32>
    %add3A_30 = arith.addf %slice3A_27, %add3A_29 : vector<1024x128xf32>
    %min3A_31 = arith.minimumf %min3A_26, %add3A_30 : vector<1024x128xf32>
    %slice3A_32 = vector.extract_strided_slice %dot_general3A_12 {offsets = [0, 512], sizes = [1024, 128], strides = [1, 1]} : vector<1024x4096xf32> to vector<1024x128xf32>
    %slice3A_33 = vector.extract_strided_slice %get3A_15 {offsets = [0, 512], sizes = [1, 128], strides = [1, 1]} : vector<1x4096xf32> to vector<1x128xf32>
    %add3A_34 = vector.broadcast %slice3A_33 : vector<1x128xf32> to vector<1024x128xf32>
    %add3A_35 = arith.addf %slice3A_32, %add3A_34 : vector<1024x128xf32>
    %min3A_36 = arith.minimumf %min3A_31, %add3A_35 : vector<1024x128xf32>
    %slice3A_37 = vector.extract_strided_slice %dot_general3A_12 {offsets = [0, 640], sizes = [1024, 128], strides = [1, 1]} : vector<1024x4096xf32> to vector<1024x128xf32>
    %slice3A_38 = vector.extract_strided_slice %get3A_15 {offsets = [0, 640], sizes = [1, 128], strides = [1, 1]} : vector<1x4096xf32> to vector<1x128xf32>
    %add3A_39 = vector.broadcast %slice3A_38 : vector<1x128xf32> to vector<1024x128xf32>
    %add3A_40 = arith.addf %slice3A_37, %add3A_39 : vector<1024x128xf32>
    %min3A_41 = arith.minimumf %min3A_36, %add3A_40 : vector<1024x128xf32>
    %slice3A_42 = vector.extract_strided_slice %dot_general3A_12 {offsets = [0, 768], sizes = [1024, 128], strides = [1, 1]} : vector<1024x4096xf32> to vector<1024x128xf32>
    %slice3A_43 = vector.extract_strided_slice %get3A_15 {offsets = [0, 768], sizes = [1, 128], strides = [1, 1]} : vector<1x4096xf32> to vector<1x128xf32>
    %add3A_44 = vector.broadcast %slice3A_43 : vector<1x128xf32> to vector<1024x128xf32>
    %add3A_45 = arith.addf %slice3A_42, %add3A_44 : vector<1024x128xf32>
    %min3A_46 = arith.minimumf %min3A_41, %add3A_45 : vector<1024x128xf32>
    %slice3A_47 = vector.extract_strided_slice %dot_general3A_12 {offsets = [0, 896], sizes = [1024, 128], strides = [1, 1]} : vector<1024x4096xf32> to vector<1024x128xf32>
    %slice3A_48 = vector.extract_strided_slice %get3A_15 {offsets = [0, 896], sizes = [1, 128], strides = [1, 1]} : vector<1x4096xf32> to vector<1x128xf32>
    %add3A_49 = vector.broadcast %slice3A_48 : vector<1x128xf32> to vector<1024x128xf32>
    %add3A_50 = arith.addf %slice3A_47, %add3A_49 : vector<1024x128xf32>
    %min3A_51 = arith.minimumf %min3A_46, %add3A_50 : vector<1024x128xf32>
    %slice3A_52 = vector.extract_strided_slice %dot_general3A_12 {offsets = [0, 1024], sizes = [1024, 128], strides = [1, 1]} : vector<1024x4096xf32> to vector<1024x128xf32>
    %slice3A_53 = vector.extract_strided_slice %get3A_15 {offsets = [0, 1024], sizes = [1, 128], strides = [1, 1]} : vector<1x4096xf32> to vector<1x128xf32>
    %add3A_54 = vector.broadcast %slice3A_53 : vector<1x128xf32> to vector<1024x128xf32>
    %add3A_55 = arith.addf %slice3A_52, %add3A_54 : vector<1024x128xf32>
    %min3A_56 = arith.minimumf %min3A_51, %add3A_55 : vector<1024x128xf32>
    %slice3A_57 = vector.extract_strided_slice %dot_general3A_12 {offsets = [0, 1152], sizes = [1024, 128], strides = [1, 1]} : vector<1024x4096xf32> to vector<1024x128xf32>
    %slice3A_58 = vector.extract_strided_slice %get3A_15 {offsets = [0, 1152], sizes = [1, 128], strides = [1, 1]} : vector<1x4096xf32> to vector<1x128xf32>
    %add3A_59 = vector.broadcast %slice3A_58 : vector<1x128xf32> to vector<1024x128xf32>
    %add3A_60 = arith.addf %slice3A_57, %add3A_59 : vector<1024x128xf32>
    %min3A_61 = arith.minimumf %min3A_56, %add3A_60 : vector<1024x128xf32>
    %slice3A_62 = vector.extract_strided_slice %dot_general3A_12 {offsets = [0, 1280], sizes = [1024, 128], strides = [1, 1]} : vector<1024x4096xf32> to vector<1024x128xf32>
    %slice3A_63 = vector.extract_strided_slice %get3A_15 {offsets = [0, 1280], sizes = [1, 128], strides = [1, 1]} : vector<1x4096xf32> to vector<1x128xf32>
    %add3A_64 = vector.broadcast %slice3A_63 : vector<1x128xf32> to vector<1024x128xf32>
    %add3A_65 = arith.addf %slice3A_62, %add3A_64 : vector<1024x128xf32>
    %min3A_66 = arith.minimumf %min3A_61, %add3A_65 : vector<1024x128xf32>
    %slice3A_67 = vector.extract_strided_slice %dot_general3A_12 {offsets = [0, 1408], sizes = [1024, 128], strides = [1, 1]} : vector<1024x4096xf32> to vector<1024x128xf32>
    %slice3A_68 = vector.extract_strided_slice %get3A_15 {offsets = [0, 1408], sizes = [1, 128], strides = [1, 1]} : vector<1x4096xf32> to vector<1x128xf32>
    %add3A_69 = vector.broadcast %slice3A_68 : vector<1x128xf32> to vector<1024x128xf32>
    %add3A_70 = arith.addf %slice3A_67, %add3A_69 : vector<1024x128xf32>
    %min3A_71 = arith.minimumf %min3A_66, %add3A_70 : vector<1024x128xf32>
    %slice3A_72 = vector.extract_strided_slice %dot_general3A_12 {offsets = [0, 1536], sizes = [1024, 128], strides = [1, 1]} : vector<1024x4096xf32> to vector<1024x128xf32>
    %slice3A_73 = vector.extract_strided_slice %get3A_15 {offsets = [0, 1536], sizes = [1, 128], strides = [1, 1]} : vector<1x4096xf32> to vector<1x128xf32>
    %add3A_74 = vector.broadcast %slice3A_73 : vector<1x128xf32> to vector<1024x128xf32>
    %add3A_75 = arith.addf %slice3A_72, %add3A_74 : vector<1024x128xf32>
    %min3A_76 = arith.minimumf %min3A_71, %add3A_75 : vector<1024x128xf32>
    %slice3A_77 = vector.extract_strided_slice %dot_general3A_12 {offsets = [0, 1664], sizes = [1024, 128], strides = [1, 1]} : vector<1024x4096xf32> to vector<1024x128xf32>
    %slice3A_78 = vector.extract_strided_slice %get3A_15 {offsets = [0, 1664], sizes = [1, 128], strides = [1, 1]} : vector<1x4096xf32> to vector<1x128xf32>
    %add3A_79 = vector.broadcast %slice3A_78 : vector<1x128xf32> to vector<1024x128xf32>
    %add3A_80 = arith.addf %slice3A_77, %add3A_79 : vector<1024x128xf32>
    %min3A_81 = arith.minimumf %min3A_76, %add3A_80 : vector<1024x128xf32>
    %slice3A_82 = vector.extract_strided_slice %dot_general3A_12 {offsets = [0, 1792], sizes = [1024, 128], strides = [1, 1]} : vector<1024x4096xf32> to vector<1024x128xf32>
    %slice3A_83 = vector.extract_strided_slice %get3A_15 {offsets = [0, 1792], sizes = [1, 128], strides = [1, 1]} : vector<1x4096xf32> to vector<1x128xf32>
    %add3A_84 = vector.broadcast %slice3A_83 : vector<1x128xf32> to vector<1024x128xf32>
    %add3A_85 = arith.addf %slice3A_82, %add3A_84 : vector<1024x128xf32>
    %min3A_86 = arith.minimumf %min3A_81, %add3A_85 : vector<1024x128xf32>
    %slice3A_87 = vector.extract_strided_slice %dot_general3A_12 {offsets = [0, 1920], sizes = [1024, 128], strides = [1, 1]} : vector<1024x4096xf32> to vector<1024x128xf32>
    %slice3A_88 = vector.extract_strided_slice %get3A_15 {offsets = [0, 1920], sizes = [1, 128], strides = [1, 1]} : vector<1x4096xf32> to vector<1x128xf32>
    %add3A_89 = vector.broadcast %slice3A_88 : vector<1x128xf32> to vector<1024x128xf32>
    %add3A_90 = arith.addf %slice3A_87, %add3A_89 : vector<1024x128xf32>
    %min3A_91 = arith.minimumf %min3A_86, %add3A_90 : vector<1024x128xf32>
    %slice3A_92 = vector.extract_strided_slice %dot_general3A_12 {offsets = [0, 2048], sizes = [1024, 128], strides = [1, 1]} : vector<1024x4096xf32> to vector<1024x128xf32>
    %slice3A_93 = vector.extract_strided_slice %get3A_15 {offsets = [0, 2048], sizes = [1, 128], strides = [1, 1]} : vector<1x4096xf32> to vector<1x128xf32>
    %add3A_94 = vector.broadcast %slice3A_93 : vector<1x128xf32> to vector<1024x128xf32>
    %add3A_95 = arith.addf %slice3A_92, %add3A_94 : vector<1024x128xf32>
    %min3A_96 = arith.minimumf %min3A_91, %add3A_95 : vector<1024x128xf32>
    %slice3A_97 = vector.extract_strided_slice %dot_general3A_12 {offsets = [0, 2176], sizes = [1024, 128], strides = [1, 1]} : vector<1024x4096xf32> to vector<1024x128xf32>
    %slice3A_98 = vector.extract_strided_slice %get3A_15 {offsets = [0, 2176], sizes = [1, 128], strides = [1, 1]} : vector<1x4096xf32> to vector<1x128xf32>
    %add3A_99 = vector.broadcast %slice3A_98 : vector<1x128xf32> to vector<1024x128xf32>
    %add3A_100 = arith.addf %slice3A_97, %add3A_99 : vector<1024x128xf32>
    %min3A_101 = arith.minimumf %min3A_96, %add3A_100 : vector<1024x128xf32>
    %slice3A_102 = vector.extract_strided_slice %dot_general3A_12 {offsets = [0, 2304], sizes = [1024, 128], strides = [1, 1]} : vector<1024x4096xf32> to vector<1024x128xf32>
    %slice3A_103 = vector.extract_strided_slice %get3A_15 {offsets = [0, 2304], sizes = [1, 128], strides = [1, 1]} : vector<1x4096xf32> to vector<1x128xf32>
    %add3A_104 = vector.broadcast %slice3A_103 : vector<1x128xf32> to vector<1024x128xf32>
    %add3A_105 = arith.addf %slice3A_102, %add3A_104 : vector<1024x128xf32>
    %min3A_106 = arith.minimumf %min3A_101, %add3A_105 : vector<1024x128xf32>
    %slice3A_107 = vector.extract_strided_slice %dot_general3A_12 {offsets = [0, 2432], sizes = [1024, 128], strides = [1, 1]} : vector<1024x4096xf32> to vector<1024x128xf32>
    %slice3A_108 = vector.extract_strided_slice %get3A_15 {offsets = [0, 2432], sizes = [1, 128], strides = [1, 1]} : vector<1x4096xf32> to vector<1x128xf32>
    %add3A_109 = vector.broadcast %slice3A_108 : vector<1x128xf32> to vector<1024x128xf32>
    %add3A_110 = arith.addf %slice3A_107, %add3A_109 : vector<1024x128xf32>
    %min3A_111 = arith.minimumf %min3A_106, %add3A_110 : vector<1024x128xf32>
    %slice3A_112 = vector.extract_strided_slice %dot_general3A_12 {offsets = [0, 2560], sizes = [1024, 128], strides = [1, 1]} : vector<1024x4096xf32> to vector<1024x128xf32>
    %slice3A_113 = vector.extract_strided_slice %get3A_15 {offsets = [0, 2560], sizes = [1, 128], strides = [1, 1]} : vector<1x4096xf32> to vector<1x128xf32>
    %add3A_114 = vector.broadcast %slice3A_113 : vector<1x128xf32> to vector<1024x128xf32>
    %add3A_115 = arith.addf %slice3A_112, %add3A_114 : vector<1024x128xf32>
    %min3A_116 = arith.minimumf %min3A_111, %add3A_115 : vector<1024x128xf32>
    %slice3A_117 = vector.extract_strided_slice %dot_general3A_12 {offsets = [0, 2688], sizes = [1024, 128], strides = [1, 1]} : vector<1024x4096xf32> to vector<1024x128xf32>
    %slice3A_118 = vector.extract_strided_slice %get3A_15 {offsets = [0, 2688], sizes = [1, 128], strides = [1, 1]} : vector<1x4096xf32> to vector<1x128xf32>
    %add3A_119 = vector.broadcast %slice3A_118 : vector<1x128xf32> to vector<1024x128xf32>
    %add3A_120 = arith.addf %slice3A_117, %add3A_119 : vector<1024x128xf32>
    %min3A_121 = arith.minimumf %min3A_116, %add3A_120 : vector<1024x128xf32>
    %slice3A_122 = vector.extract_strided_slice %dot_general3A_12 {offsets = [0, 2816], sizes = [1024, 128], strides = [1, 1]} : vector<1024x4096xf32> to vector<1024x128xf32>
    %slice3A_123 = vector.extract_strided_slice %get3A_15 {offsets = [0, 2816], sizes = [1, 128], strides = [1, 1]} : vector<1x4096xf32> to vector<1x128xf32>
    %add3A_124 = vector.broadcast %slice3A_123 : vector<1x128xf32> to vector<1024x128xf32>
    %add3A_125 = arith.addf %slice3A_122, %add3A_124 : vector<1024x128xf32>
    %min3A_126 = arith.minimumf %min3A_121, %add3A_125 : vector<1024x128xf32>
    %slice3A_127 = vector.extract_strided_slice %dot_general3A_12 {offsets = [0, 2944], sizes = [1024, 128], strides = [1, 1]} : vector<1024x4096xf32> to vector<1024x128xf32>
    %slice3A_128 = vector.extract_strided_slice %get3A_15 {offsets = [0, 2944], sizes = [1, 128], strides = [1, 1]} : vector<1x4096xf32> to vector<1x128xf32>
    %add3A_129 = vector.broadcast %slice3A_128 : vector<1x128xf32> to vector<1024x128xf32>
    %add3A_130 = arith.addf %slice3A_127, %add3A_129 : vector<1024x128xf32>
    %min3A_131 = arith.minimumf %min3A_126, %add3A_130 : vector<1024x128xf32>
    %slice3A_132 = vector.extract_strided_slice %dot_general3A_12 {offsets = [0, 3072], sizes = [1024, 128], strides = [1, 1]} : vector<1024x4096xf32> to vector<1024x128xf32>
    %slice3A_133 = vector.extract_strided_slice %get3A_15 {offsets = [0, 3072], sizes = [1, 128], strides = [1, 1]} : vector<1x4096xf32> to vector<1x128xf32>
    %add3A_134 = vector.broadcast %slice3A_133 : vector<1x128xf32> to vector<1024x128xf32>
    %add3A_135 = arith.addf %slice3A_132, %add3A_134 : vector<1024x128xf32>
    %min3A_136 = arith.minimumf %min3A_131, %add3A_135 : vector<1024x128xf32>
    %slice3A_137 = vector.extract_strided_slice %dot_general3A_12 {offsets = [0, 3200], sizes = [1024, 128], strides = [1, 1]} : vector<1024x4096xf32> to vector<1024x128xf32>
    %slice3A_138 = vector.extract_strided_slice %get3A_15 {offsets = [0, 3200], sizes = [1, 128], strides = [1, 1]} : vector<1x4096xf32> to vector<1x128xf32>
    %add3A_139 = vector.broadcast %slice3A_138 : vector<1x128xf32> to vector<1024x128xf32>
    %add3A_140 = arith.addf %slice3A_137, %add3A_139 : vector<1024x128xf32>
    %min3A_141 = arith.minimumf %min3A_136, %add3A_140 : vector<1024x128xf32>
    %slice3A_142 = vector.extract_strided_slice %dot_general3A_12 {offsets = [0, 3328], sizes = [1024, 128], strides = [1, 1]} : vector<1024x4096xf32> to vector<1024x128xf32>
    %slice3A_143 = vector.extract_strided_slice %get3A_15 {offsets = [0, 3328], sizes = [1, 128], strides = [1, 1]} : vector<1x4096xf32> to vector<1x128xf32>
    %add3A_144 = vector.broadcast %slice3A_143 : vector<1x128xf32> to vector<1024x128xf32>
    %add3A_145 = arith.addf %slice3A_142, %add3A_144 : vector<1024x128xf32>
    %min3A_146 = arith.minimumf %min3A_141, %add3A_145 : vector<1024x128xf32>
    %slice3A_147 = vector.extract_strided_slice %dot_general3A_12 {offsets = [0, 3456], sizes = [1024, 128], strides = [1, 1]} : vector<1024x4096xf32> to vector<1024x128xf32>
    %slice3A_148 = vector.extract_strided_slice %get3A_15 {offsets = [0, 3456], sizes = [1, 128], strides = [1, 1]} : vector<1x4096xf32> to vector<1x128xf32>
    %add3A_149 = vector.broadcast %slice3A_148 : vector<1x128xf32> to vector<1024x128xf32>
    %add3A_150 = arith.addf %slice3A_147, %add3A_149 : vector<1024x128xf32>
    %min3A_151 = arith.minimumf %min3A_146, %add3A_150 : vector<1024x128xf32>
    %slice3A_152 = vector.extract_strided_slice %dot_general3A_12 {offsets = [0, 3584], sizes = [1024, 128], strides = [1, 1]} : vector<1024x4096xf32> to vector<1024x128xf32>
    %slice3A_153 = vector.extract_strided_slice %get3A_15 {offsets = [0, 3584], sizes = [1, 128], strides = [1, 1]} : vector<1x4096xf32> to vector<1x128xf32>
    %add3A_154 = vector.broadcast %slice3A_153 : vector<1x128xf32> to vector<1024x128xf32>
    %add3A_155 = arith.addf %slice3A_152, %add3A_154 : vector<1024x128xf32>
    %min3A_156 = arith.minimumf %min3A_151, %add3A_155 : vector<1024x128xf32>
    %slice3A_157 = vector.extract_strided_slice %dot_general3A_12 {offsets = [0, 3712], sizes = [1024, 128], strides = [1, 1]} : vector<1024x4096xf32> to vector<1024x128xf32>
    %slice3A_158 = vector.extract_strided_slice %get3A_15 {offsets = [0, 3712], sizes = [1, 128], strides = [1, 1]} : vector<1x4096xf32> to vector<1x128xf32>
    %add3A_159 = vector.broadcast %slice3A_158 : vector<1x128xf32> to vector<1024x128xf32>
    %add3A_160 = arith.addf %slice3A_157, %add3A_159 : vector<1024x128xf32>
    %min3A_161 = arith.minimumf %min3A_156, %add3A_160 : vector<1024x128xf32>
    %slice3A_162 = vector.extract_strided_slice %dot_general3A_12 {offsets = [0, 3840], sizes = [1024, 128], strides = [1, 1]} : vector<1024x4096xf32> to vector<1024x128xf32>
    %slice3A_163 = vector.extract_strided_slice %get3A_15 {offsets = [0, 3840], sizes = [1, 128], strides = [1, 1]} : vector<1x4096xf32> to vector<1x128xf32>
    %add3A_164 = vector.broadcast %slice3A_163 : vector<1x128xf32> to vector<1024x128xf32>
    %add3A_165 = arith.addf %slice3A_162, %add3A_164 : vector<1024x128xf32>
    %min3A_166 = arith.minimumf %min3A_161, %add3A_165 : vector<1024x128xf32>
    %slice3A_167 = vector.extract_strided_slice %dot_general3A_12 {offsets = [0, 3968], sizes = [1024, 128], strides = [1, 1]} : vector<1024x4096xf32> to vector<1024x128xf32>
    %slice3A_168 = vector.extract_strided_slice %get3A_15 {offsets = [0, 3968], sizes = [1, 128], strides = [1, 1]} : vector<1x4096xf32> to vector<1x128xf32>
    %add3A_169 = vector.broadcast %slice3A_168 : vector<1x128xf32> to vector<1024x128xf32>
    %add3A_170 = arith.addf %slice3A_167, %add3A_169 : vector<1024x128xf32>
    %min3A_171 = arith.minimumf %min3A_166, %add3A_170 : vector<1024x128xf32>
    %eq3A = arith.constant 0 : i32
    %eq3A_172 = arith.cmpi eq, %arg0, %eq3A : i32
    %get3A_173 = arith.constant 0 : index
    %get3A_174 = arith.constant 0 : index
    %get3A_175 = vector.load %arg8[%get3A_173, %get3A_174] : memref<1024x128xf32, #tpu.memory_space<vmem>>, vector<1024x128xf32>
    %min3A_176 = arith.minimumf %get3A_175, %min3A_171 : vector<1024x128xf32>
    %select_n3A = arith.select %eq3A_172, %min3A_171, %min3A_176 : vector<1024x128xf32>
    %swap3A = arith.constant 0 : index
    %swap3A_177 = arith.constant 0 : index
    %swap3A_178 = vector.load %arg8[%swap3A, %swap3A_177] : memref<1024x128xf32, #tpu.memory_space<vmem>>, vector<1024x128xf32>
    tpu.vector_store %arg8[%swap3A, %swap3A_177], %select_n3A {strides = array<i32>} : memref<1024x128xf32, #tpu.memory_space<vmem>>, vector<1024x128xf32>,
    %eq3A_179 = arith.constant 4 : i32
    %eq3A_180 = arith.cmpi eq, %arg0, %eq3A_179 : i32
    %convert_element_type3A_181 = arith.extui %eq3A_180 : i1 to i32
    %cond3A = arith.constant 0 : i32
    %cond3A_182 = arith.cmpi ne, %convert_element_type3A_181, %cond3A : i32
    scf.if %cond3A_182 {
      %get3A_183 = arith.constant 0 : index
      %get3A_184 = arith.constant 0 : index
      %get3A_185 = vector.load %arg5[%get3A_183, %get3A_184] : memref<1024x1xf32, #tpu.memory_space<vmem>>, vector<1024x1xf32>
      %reduce_sum3A = vector.shape_cast %get3A_185 : vector<1024x1xf32> to vector<1x1024x1xf32>
      %reduce_sum3A_186 = arith.constant dense<0.000000e+00> : vector<1xf32>
      %reduce_sum3A_187 = vector.multi_reduction <add>, %reduce_sum3A, %reduce_sum3A_186 [1, 2] : vector<1x1024x1xf32> to vector<1xf32>
      %reduce_sum3A_188 = vector.shape_cast %reduce_sum3A_187 : vector<1xf32> to vector<1x1x1xf32>
      %reduce_sum3A_189 = vector.extract %reduce_sum3A_188[0, 0, 0] : f32 from vector<1x1x1xf32>
      %get3A_190 = arith.constant 0 : index
      %get3A_191 = arith.constant 0 : index
      %get3A_192 = vector.load %arg8[%get3A_190, %get3A_191] : memref<1024x128xf32, #tpu.memory_space<vmem>>, vector<1024x128xf32>
      %reduce_min3A = arith.constant dense<0x7F800000> : vector<1024xf32>
      %reduce_min3A_193 = vector.multi_reduction <minimumf>, %get3A_192, %reduce_min3A [1] : vector<1024x128xf32> to vector<1024xf32>
      %broadcast_in_dim3A = vector.shape_cast %reduce_min3A_193 : vector<1024xf32> to vector<1024x1xf32>
      %get3A_194 = arith.constant 0 : index
      %get3A_195 = arith.constant 0 : index
      %get3A_196 = vector.load %arg4[%get3A_194, %get3A_195] : memref<1024x1xf32, #tpu.memory_space<vmem>>, vector<1024x1xf32>
      %add3A_197 = arith.addf %broadcast_in_dim3A, %get3A_196 : vector<1024x1xf32>
      %mul3A = arith.mulf %get3A_185, %add3A_197 : vector<1024x1xf32>
      %reduce_sum3A_198 = vector.shape_cast %mul3A : vector<1024x1xf32> to vector<1x1024x1xf32>
      %reduce_sum3A_199 = arith.constant dense<0.000000e+00> : vector<1xf32>
      %reduce_sum3A_200 = vector.multi_reduction <add>, %reduce_sum3A_198, %reduce_sum3A_199 [1, 2] : vector<1x1024x1xf32> to vector<1xf32>
      %reduce_sum3A_201 = vector.shape_cast %reduce_sum3A_200 : vector<1xf32> to vector<1x1x1xf32>
      %reduce_sum3A_202 = vector.extract %reduce_sum3A_201[0, 0, 0] : f32 from vector<1x1x1xf32>
      %sub3A_203 = arith.constant 1.000000e+03 : f32
      %sub3A_204 = arith.subf %sub3A_203, %reduce_sum3A_189 : f32
      %mul3A_205 = arith.constant 9.99999974E-5 : f32
      %mul3A_206 = arith.mulf %mul3A_205, %sub3A_204 : f32
      %add3A_207 = arith.addf %reduce_sum3A_202, %mul3A_206 : f32
      %broadcast_in_dim3A_208 = vector.broadcast %add3A_207 : f32 to vector<1x1xf32>
      %swap3A_209 = arith.constant 0 : index
      %swap3A_210 = arith.constant 0 : index
      %swap3A_211 = vector.load %arg6[%swap3A_209, %swap3A_210] : memref<1x1xf32, #tpu.memory_space<vmem>>, vector<1x1xf32>
      tpu.vector_store %arg6[%swap3A_209, %swap3A_210], %broadcast_in_dim3A_208 {strides = array<i32>} : memref<1x1xf32, #tpu.memory_space<vmem>>, vector<1x1xf32>,
      %broadcast_in_dim3A_212 = vector.broadcast %reduce_sum3A_189 : f32 to vector<1x1xf32>
      %swap3A_213 = arith.constant 0 : index
      %swap3A_214 = arith.constant 0 : index
      %swap3A_215 = vector.load %arg7[%swap3A_213, %swap3A_214] : memref<1x1xf32, #tpu.memory_space<vmem>>, vector<1x1xf32>
      tpu.vector_store %arg7[%swap3A_213, %swap3A_214], %broadcast_in_dim3A_212 {strides = array<i32>} : memref<1x1xf32, #tpu.memory_space<vmem>>, vector<1x1xf32>,
    } else {
    }
    return
  }
  func.func @transform_0(%arg0: i32) -> (i32, i32) {
    %c0_i32 = arith.constant 0 : i32
    %c0_i32_0 = arith.constant 0 : i32
    %c0_i32_1 = arith.constant 0 : i32
    return %c0_i32, %c0_i32_0 : i32, i32
  }
  func.func @transform_1(%arg0: i32) -> (i32, i32) {
    %c0_i32 = arith.constant 0 : i32
    %c0_i32_0 = arith.constant 0 : i32
    return %c0_i32, %arg0 : i32, i32
  }
  func.func @transform_2(%arg0: i32) -> (i32, i32) {
    %c0_i32 = arith.constant 0 : i32
    %c0_i32_0 = arith.constant 0 : i32
    return %c0_i32, %arg0 : i32, i32
  }
  func.func @transform_3(%arg0: i32) -> (i32, i32) {
    %c0_i32 = arith.constant 0 : i32
    %c0_i32_0 = arith.constant 0 : i32
    %c0_i32_1 = arith.constant 0 : i32
    return %c0_i32, %c0_i32_0 : i32, i32
  }
  func.func @transform_4(%arg0: i32) -> (i32, i32) {
    %c0_i32 = arith.constant 0 : i32
    %c0_i32_0 = arith.constant 0 : i32
    %c0_i32_1 = arith.constant 0 : i32
    return %c0_i32, %c0_i32_0 : i32, i32
  }
  func.func @transform_5(%arg0: i32) -> (i32, i32) {
    %c0_i32 = arith.constant 0 : i32
    %c0_i32_0 = arith.constant 0 : i32
    %c0_i32_1 = arith.constant 0 : i32
    return %c0_i32, %c0_i32_0 : i32, i32
  }
  func.func @transform_6(%arg0: i32) -> (i32, i32) {
    %c0_i32 = arith.constant 0 : i32
    %c0_i32_0 = arith.constant 0 : i32
    %c0_i32_1 = arith.constant 0 : i32
    return %c0_i32, %c0_i32_0 : i32, i32
  }
}

module attributes {stable_mosaic.version = 14 : i64} {
  func.func @body(%arg0: i32, %arg1: i32, %arg2: memref<8x1024xf32, #tpu.memory_space<vmem>>, %arg3: memref<8x2560xf32, #tpu.memory_space<vmem>>, %arg4: memref<1x2560xf32, #tpu.memory_space<vmem>>, %arg5: memref<1024x1xf32, #tpu.memory_space<vmem>>, %arg6: memref<1024x1xf32, #tpu.memory_space<vmem>>, %arg7: memref<1x1xf32, #tpu.memory_space<vmem>>, %arg8: memref<1x1xf32, #tpu.memory_space<vmem>>, %arg9: memref<1x1xf32, #tpu.memory_space<vmem>>, %arg10: memref<1024x128xf32, #tpu.memory_space<vmem>>, %arg11: memref<1xf32, #tpu.memory_space<smem>>, %arg12: memref<1xf32, #tpu.memory_space<smem>>) attributes {dimension_semantics = [#tpu.dimension_semantics<arbitrary>, #tpu.dimension_semantics<arbitrary>], iteration_bounds = array<i64: 8, 4>, scalar_prefetch = 0 : i64, scratch_operands = 3 : i64, tpu.core_type = #tpu.core_type<tc>, window_params = [{transform_indices = @transform_0, window_bounds = array<i64: 8, 1024>}, {transform_indices = @transform_1, window_bounds = array<i64: 8, 2560>}, {transform_indices = @transform_2, window_bounds = array<i64: 1, 2560>}, {transform_indices = @transform_3, window_bounds = array<i64: 1024, 1>}, {transform_indices = @transform_4, window_bounds = array<i64: 1024, 1>}, {pipeline_mode = #tpu.pipeline_mode<synchronous>, transform_indices = @transform_5, window_bounds = array<i64: 1, 1>}, {pipeline_mode = #tpu.pipeline_mode<synchronous>, transform_indices = @transform_6, window_bounds = array<i64: 1, 1>}, {pipeline_mode = #tpu.pipeline_mode<synchronous>, transform_indices = @transform_7, window_bounds = array<i64: 1, 1>}]} {
    %get3A = arith.constant 0 : index
    %get3A_0 = arith.constant 0 : index
    %get3A_1 = vector.load %arg2[%get3A, %get3A_0] : memref<8x1024xf32, #tpu.memory_space<vmem>>, vector<8x1024xf32>
    %convert_element_type3A = arith.truncf %get3A_1 : vector<8x1024xf32> to vector<8x1024xbf16>
    %convert_element_type3A_2 = arith.extf %convert_element_type3A : vector<8x1024xbf16> to vector<8x1024xf32>
    %sub3A = arith.subf %get3A_1, %convert_element_type3A_2 : vector<8x1024xf32>
    %convert_element_type3A_3 = arith.truncf %sub3A : vector<8x1024xf32> to vector<8x1024xbf16>
    %get3A_4 = arith.constant 0 : index
    %get3A_5 = arith.constant 0 : index
    %get3A_6 = vector.load %arg3[%get3A_4, %get3A_5] : memref<8x2560xf32, #tpu.memory_space<vmem>>, vector<8x2560xf32>
    %convert_element_type3A_7 = arith.truncf %get3A_6 : vector<8x2560xf32> to vector<8x2560xbf16>
    %convert_element_type3A_8 = arith.extf %convert_element_type3A_7 : vector<8x2560xbf16> to vector<8x2560xf32>
    %sub3A_9 = arith.subf %get3A_6, %convert_element_type3A_8 : vector<8x2560xf32>
    %convert_element_type3A_10 = arith.truncf %sub3A_9 : vector<8x2560xf32> to vector<8x2560xbf16>
    %concatenate3A = tpu.concatenate %convert_element_type3A, %convert_element_type3A, %convert_element_type3A_3 in 0 : vector<8x1024xbf16>, vector<8x1024xbf16>, vector<8x1024xbf16> -> vector<24x1024xbf16>
    %concatenate3A_11 = tpu.concatenate %convert_element_type3A_7, %convert_element_type3A_10, %convert_element_type3A_7 in 0 : vector<8x2560xbf16>, vector<8x2560xbf16>, vector<8x2560xbf16> -> vector<24x2560xbf16>
    %dot_general3A = arith.constant dense<0.000000e+00> : vector<1024x2560xf32>
    %dot_general3A_12 = tpu.matmul %concatenate3A, %concatenate3A_11, %dot_general3A {dimension_numbers = #tpu.dot_dimension_numbers<[0], [0], [1], [1], [0, 1, 1, 1], [], []>, transpose_lhs_hint = false} : vector<24x1024xbf16>, vector<24x2560xbf16>, vector<1024x2560xf32> -> vector<1024x2560xf32>
    %get3A_13 = arith.constant 0 : index
    %get3A_14 = arith.constant 0 : index
    %get3A_15 = vector.load %arg4[%get3A_13, %get3A_14] : memref<1x2560xf32, #tpu.memory_space<vmem>>, vector<1x2560xf32>
    %slice3A = vector.extract_strided_slice %dot_general3A_12 {offsets = [0, 0], sizes = [1024, 128], strides = [1, 1]} : vector<1024x2560xf32> to vector<1024x128xf32>
    %slice3A_16 = vector.extract_strided_slice %get3A_15 {offsets = [0, 0], sizes = [1, 128], strides = [1, 1]} : vector<1x2560xf32> to vector<1x128xf32>
    %add3A = vector.broadcast %slice3A_16 : vector<1x128xf32> to vector<1024x128xf32>
    %add3A_17 = arith.addf %slice3A, %add3A : vector<1024x128xf32>
    %slice3A_18 = vector.extract_strided_slice %dot_general3A_12 {offsets = [0, 128], sizes = [1024, 128], strides = [1, 1]} : vector<1024x2560xf32> to vector<1024x128xf32>
    %slice3A_19 = vector.extract_strided_slice %get3A_15 {offsets = [0, 128], sizes = [1, 128], strides = [1, 1]} : vector<1x2560xf32> to vector<1x128xf32>
    %add3A_20 = vector.broadcast %slice3A_19 : vector<1x128xf32> to vector<1024x128xf32>
    %add3A_21 = arith.addf %slice3A_18, %add3A_20 : vector<1024x128xf32>
    %min3A = arith.minimumf %add3A_17, %add3A_21 : vector<1024x128xf32>
    %slice3A_22 = vector.extract_strided_slice %dot_general3A_12 {offsets = [0, 256], sizes = [1024, 128], strides = [1, 1]} : vector<1024x2560xf32> to vector<1024x128xf32>
    %slice3A_23 = vector.extract_strided_slice %get3A_15 {offsets = [0, 256], sizes = [1, 128], strides = [1, 1]} : vector<1x2560xf32> to vector<1x128xf32>
    %add3A_24 = vector.broadcast %slice3A_23 : vector<1x128xf32> to vector<1024x128xf32>
    %add3A_25 = arith.addf %slice3A_22, %add3A_24 : vector<1024x128xf32>
    %min3A_26 = arith.minimumf %min3A, %add3A_25 : vector<1024x128xf32>
    %slice3A_27 = vector.extract_strided_slice %dot_general3A_12 {offsets = [0, 384], sizes = [1024, 128], strides = [1, 1]} : vector<1024x2560xf32> to vector<1024x128xf32>
    %slice3A_28 = vector.extract_strided_slice %get3A_15 {offsets = [0, 384], sizes = [1, 128], strides = [1, 1]} : vector<1x2560xf32> to vector<1x128xf32>
    %add3A_29 = vector.broadcast %slice3A_28 : vector<1x128xf32> to vector<1024x128xf32>
    %add3A_30 = arith.addf %slice3A_27, %add3A_29 : vector<1024x128xf32>
    %min3A_31 = arith.minimumf %min3A_26, %add3A_30 : vector<1024x128xf32>
    %slice3A_32 = vector.extract_strided_slice %dot_general3A_12 {offsets = [0, 512], sizes = [1024, 128], strides = [1, 1]} : vector<1024x2560xf32> to vector<1024x128xf32>
    %slice3A_33 = vector.extract_strided_slice %get3A_15 {offsets = [0, 512], sizes = [1, 128], strides = [1, 1]} : vector<1x2560xf32> to vector<1x128xf32>
    %add3A_34 = vector.broadcast %slice3A_33 : vector<1x128xf32> to vector<1024x128xf32>
    %add3A_35 = arith.addf %slice3A_32, %add3A_34 : vector<1024x128xf32>
    %min3A_36 = arith.minimumf %min3A_31, %add3A_35 : vector<1024x128xf32>
    %slice3A_37 = vector.extract_strided_slice %dot_general3A_12 {offsets = [0, 640], sizes = [1024, 128], strides = [1, 1]} : vector<1024x2560xf32> to vector<1024x128xf32>
    %slice3A_38 = vector.extract_strided_slice %get3A_15 {offsets = [0, 640], sizes = [1, 128], strides = [1, 1]} : vector<1x2560xf32> to vector<1x128xf32>
    %add3A_39 = vector.broadcast %slice3A_38 : vector<1x128xf32> to vector<1024x128xf32>
    %add3A_40 = arith.addf %slice3A_37, %add3A_39 : vector<1024x128xf32>
    %min3A_41 = arith.minimumf %min3A_36, %add3A_40 : vector<1024x128xf32>
    %slice3A_42 = vector.extract_strided_slice %dot_general3A_12 {offsets = [0, 768], sizes = [1024, 128], strides = [1, 1]} : vector<1024x2560xf32> to vector<1024x128xf32>
    %slice3A_43 = vector.extract_strided_slice %get3A_15 {offsets = [0, 768], sizes = [1, 128], strides = [1, 1]} : vector<1x2560xf32> to vector<1x128xf32>
    %add3A_44 = vector.broadcast %slice3A_43 : vector<1x128xf32> to vector<1024x128xf32>
    %add3A_45 = arith.addf %slice3A_42, %add3A_44 : vector<1024x128xf32>
    %min3A_46 = arith.minimumf %min3A_41, %add3A_45 : vector<1024x128xf32>
    %slice3A_47 = vector.extract_strided_slice %dot_general3A_12 {offsets = [0, 896], sizes = [1024, 128], strides = [1, 1]} : vector<1024x2560xf32> to vector<1024x128xf32>
    %slice3A_48 = vector.extract_strided_slice %get3A_15 {offsets = [0, 896], sizes = [1, 128], strides = [1, 1]} : vector<1x2560xf32> to vector<1x128xf32>
    %add3A_49 = vector.broadcast %slice3A_48 : vector<1x128xf32> to vector<1024x128xf32>
    %add3A_50 = arith.addf %slice3A_47, %add3A_49 : vector<1024x128xf32>
    %min3A_51 = arith.minimumf %min3A_46, %add3A_50 : vector<1024x128xf32>
    %slice3A_52 = vector.extract_strided_slice %dot_general3A_12 {offsets = [0, 1024], sizes = [1024, 128], strides = [1, 1]} : vector<1024x2560xf32> to vector<1024x128xf32>
    %slice3A_53 = vector.extract_strided_slice %get3A_15 {offsets = [0, 1024], sizes = [1, 128], strides = [1, 1]} : vector<1x2560xf32> to vector<1x128xf32>
    %add3A_54 = vector.broadcast %slice3A_53 : vector<1x128xf32> to vector<1024x128xf32>
    %add3A_55 = arith.addf %slice3A_52, %add3A_54 : vector<1024x128xf32>
    %min3A_56 = arith.minimumf %min3A_51, %add3A_55 : vector<1024x128xf32>
    %slice3A_57 = vector.extract_strided_slice %dot_general3A_12 {offsets = [0, 1152], sizes = [1024, 128], strides = [1, 1]} : vector<1024x2560xf32> to vector<1024x128xf32>
    %slice3A_58 = vector.extract_strided_slice %get3A_15 {offsets = [0, 1152], sizes = [1, 128], strides = [1, 1]} : vector<1x2560xf32> to vector<1x128xf32>
    %add3A_59 = vector.broadcast %slice3A_58 : vector<1x128xf32> to vector<1024x128xf32>
    %add3A_60 = arith.addf %slice3A_57, %add3A_59 : vector<1024x128xf32>
    %min3A_61 = arith.minimumf %min3A_56, %add3A_60 : vector<1024x128xf32>
    %slice3A_62 = vector.extract_strided_slice %dot_general3A_12 {offsets = [0, 1280], sizes = [1024, 128], strides = [1, 1]} : vector<1024x2560xf32> to vector<1024x128xf32>
    %slice3A_63 = vector.extract_strided_slice %get3A_15 {offsets = [0, 1280], sizes = [1, 128], strides = [1, 1]} : vector<1x2560xf32> to vector<1x128xf32>
    %add3A_64 = vector.broadcast %slice3A_63 : vector<1x128xf32> to vector<1024x128xf32>
    %add3A_65 = arith.addf %slice3A_62, %add3A_64 : vector<1024x128xf32>
    %min3A_66 = arith.minimumf %min3A_61, %add3A_65 : vector<1024x128xf32>
    %slice3A_67 = vector.extract_strided_slice %dot_general3A_12 {offsets = [0, 1408], sizes = [1024, 128], strides = [1, 1]} : vector<1024x2560xf32> to vector<1024x128xf32>
    %slice3A_68 = vector.extract_strided_slice %get3A_15 {offsets = [0, 1408], sizes = [1, 128], strides = [1, 1]} : vector<1x2560xf32> to vector<1x128xf32>
    %add3A_69 = vector.broadcast %slice3A_68 : vector<1x128xf32> to vector<1024x128xf32>
    %add3A_70 = arith.addf %slice3A_67, %add3A_69 : vector<1024x128xf32>
    %min3A_71 = arith.minimumf %min3A_66, %add3A_70 : vector<1024x128xf32>
    %slice3A_72 = vector.extract_strided_slice %dot_general3A_12 {offsets = [0, 1536], sizes = [1024, 128], strides = [1, 1]} : vector<1024x2560xf32> to vector<1024x128xf32>
    %slice3A_73 = vector.extract_strided_slice %get3A_15 {offsets = [0, 1536], sizes = [1, 128], strides = [1, 1]} : vector<1x2560xf32> to vector<1x128xf32>
    %add3A_74 = vector.broadcast %slice3A_73 : vector<1x128xf32> to vector<1024x128xf32>
    %add3A_75 = arith.addf %slice3A_72, %add3A_74 : vector<1024x128xf32>
    %min3A_76 = arith.minimumf %min3A_71, %add3A_75 : vector<1024x128xf32>
    %slice3A_77 = vector.extract_strided_slice %dot_general3A_12 {offsets = [0, 1664], sizes = [1024, 128], strides = [1, 1]} : vector<1024x2560xf32> to vector<1024x128xf32>
    %slice3A_78 = vector.extract_strided_slice %get3A_15 {offsets = [0, 1664], sizes = [1, 128], strides = [1, 1]} : vector<1x2560xf32> to vector<1x128xf32>
    %add3A_79 = vector.broadcast %slice3A_78 : vector<1x128xf32> to vector<1024x128xf32>
    %add3A_80 = arith.addf %slice3A_77, %add3A_79 : vector<1024x128xf32>
    %min3A_81 = arith.minimumf %min3A_76, %add3A_80 : vector<1024x128xf32>
    %slice3A_82 = vector.extract_strided_slice %dot_general3A_12 {offsets = [0, 1792], sizes = [1024, 128], strides = [1, 1]} : vector<1024x2560xf32> to vector<1024x128xf32>
    %slice3A_83 = vector.extract_strided_slice %get3A_15 {offsets = [0, 1792], sizes = [1, 128], strides = [1, 1]} : vector<1x2560xf32> to vector<1x128xf32>
    %add3A_84 = vector.broadcast %slice3A_83 : vector<1x128xf32> to vector<1024x128xf32>
    %add3A_85 = arith.addf %slice3A_82, %add3A_84 : vector<1024x128xf32>
    %min3A_86 = arith.minimumf %min3A_81, %add3A_85 : vector<1024x128xf32>
    %slice3A_87 = vector.extract_strided_slice %dot_general3A_12 {offsets = [0, 1920], sizes = [1024, 128], strides = [1, 1]} : vector<1024x2560xf32> to vector<1024x128xf32>
    %slice3A_88 = vector.extract_strided_slice %get3A_15 {offsets = [0, 1920], sizes = [1, 128], strides = [1, 1]} : vector<1x2560xf32> to vector<1x128xf32>
    %add3A_89 = vector.broadcast %slice3A_88 : vector<1x128xf32> to vector<1024x128xf32>
    %add3A_90 = arith.addf %slice3A_87, %add3A_89 : vector<1024x128xf32>
    %min3A_91 = arith.minimumf %min3A_86, %add3A_90 : vector<1024x128xf32>
    %slice3A_92 = vector.extract_strided_slice %dot_general3A_12 {offsets = [0, 2048], sizes = [1024, 128], strides = [1, 1]} : vector<1024x2560xf32> to vector<1024x128xf32>
    %slice3A_93 = vector.extract_strided_slice %get3A_15 {offsets = [0, 2048], sizes = [1, 128], strides = [1, 1]} : vector<1x2560xf32> to vector<1x128xf32>
    %add3A_94 = vector.broadcast %slice3A_93 : vector<1x128xf32> to vector<1024x128xf32>
    %add3A_95 = arith.addf %slice3A_92, %add3A_94 : vector<1024x128xf32>
    %min3A_96 = arith.minimumf %min3A_91, %add3A_95 : vector<1024x128xf32>
    %slice3A_97 = vector.extract_strided_slice %dot_general3A_12 {offsets = [0, 2176], sizes = [1024, 128], strides = [1, 1]} : vector<1024x2560xf32> to vector<1024x128xf32>
    %slice3A_98 = vector.extract_strided_slice %get3A_15 {offsets = [0, 2176], sizes = [1, 128], strides = [1, 1]} : vector<1x2560xf32> to vector<1x128xf32>
    %add3A_99 = vector.broadcast %slice3A_98 : vector<1x128xf32> to vector<1024x128xf32>
    %add3A_100 = arith.addf %slice3A_97, %add3A_99 : vector<1024x128xf32>
    %min3A_101 = arith.minimumf %min3A_96, %add3A_100 : vector<1024x128xf32>
    %slice3A_102 = vector.extract_strided_slice %dot_general3A_12 {offsets = [0, 2304], sizes = [1024, 128], strides = [1, 1]} : vector<1024x2560xf32> to vector<1024x128xf32>
    %slice3A_103 = vector.extract_strided_slice %get3A_15 {offsets = [0, 2304], sizes = [1, 128], strides = [1, 1]} : vector<1x2560xf32> to vector<1x128xf32>
    %add3A_104 = vector.broadcast %slice3A_103 : vector<1x128xf32> to vector<1024x128xf32>
    %add3A_105 = arith.addf %slice3A_102, %add3A_104 : vector<1024x128xf32>
    %min3A_106 = arith.minimumf %min3A_101, %add3A_105 : vector<1024x128xf32>
    %slice3A_107 = vector.extract_strided_slice %dot_general3A_12 {offsets = [0, 2432], sizes = [1024, 128], strides = [1, 1]} : vector<1024x2560xf32> to vector<1024x128xf32>
    %slice3A_108 = vector.extract_strided_slice %get3A_15 {offsets = [0, 2432], sizes = [1, 128], strides = [1, 1]} : vector<1x2560xf32> to vector<1x128xf32>
    %add3A_109 = vector.broadcast %slice3A_108 : vector<1x128xf32> to vector<1024x128xf32>
    %add3A_110 = arith.addf %slice3A_107, %add3A_109 : vector<1024x128xf32>
    %min3A_111 = arith.minimumf %min3A_106, %add3A_110 : vector<1024x128xf32>
    %eq3A = arith.constant 0 : i32
    %eq3A_112 = arith.cmpi eq, %arg1, %eq3A : i32
    %get3A_113 = arith.constant 0 : index
    %get3A_114 = arith.constant 0 : index
    %get3A_115 = vector.load %arg10[%get3A_113, %get3A_114] : memref<1024x128xf32, #tpu.memory_space<vmem>>, vector<1024x128xf32>
    %min3A_116 = arith.minimumf %get3A_115, %min3A_111 : vector<1024x128xf32>
    %select_n3A = arith.select %eq3A_112, %min3A_111, %min3A_116 : vector<1024x128xf32>
    %swap3A = arith.constant 0 : index
    %swap3A_117 = arith.constant 0 : index
    %swap3A_118 = vector.load %arg10[%swap3A, %swap3A_117] : memref<1024x128xf32, #tpu.memory_space<vmem>>, vector<1024x128xf32>
    tpu.vector_store %arg10[%swap3A, %swap3A_117], %select_n3A {strides = array<i32>} : memref<1024x128xf32, #tpu.memory_space<vmem>>, vector<1024x128xf32>,
    %eq3A_119 = arith.constant 3 : i32
    %eq3A_120 = arith.cmpi eq, %arg1, %eq3A_119 : i32
    %convert_element_type3A_121 = arith.extui %eq3A_120 : i1 to i32
    %cond3A = arith.constant 0 : i32
    %cond3A_122 = arith.cmpi ne, %convert_element_type3A_121, %cond3A : i32
    scf.if %cond3A_122 {
      %get3A_123 = arith.constant 0 : index
      %get3A_124 = arith.constant 0 : index
      %get3A_125 = vector.load %arg10[%get3A_123, %get3A_124] : memref<1024x128xf32, #tpu.memory_space<vmem>>, vector<1024x128xf32>
      %reduce_min3A = arith.constant dense<0x7F800000> : vector<1024xf32>
      %reduce_min3A_126 = vector.multi_reduction <minimumf>, %get3A_125, %reduce_min3A [1] : vector<1024x128xf32> to vector<1024xf32>
      %broadcast_in_dim3A = vector.shape_cast %reduce_min3A_126 : vector<1024xf32> to vector<1024x1xf32>
      %get3A_127 = arith.constant 0 : index
      %get3A_128 = arith.constant 0 : index
      %get3A_129 = vector.load %arg5[%get3A_127, %get3A_128] : memref<1024x1xf32, #tpu.memory_space<vmem>>, vector<1024x1xf32>
      %add3A_130 = arith.addf %broadcast_in_dim3A, %get3A_129 : vector<1024x1xf32>
      %get3A_131 = arith.constant 0 : index
      %get3A_132 = arith.constant 0 : index
      %get3A_133 = vector.load %arg6[%get3A_131, %get3A_132] : memref<1024x1xf32, #tpu.memory_space<vmem>>, vector<1024x1xf32>
      %mul3A = arith.mulf %get3A_133, %add3A_130 : vector<1024x1xf32>
      %reduce_sum3A = vector.shape_cast %mul3A : vector<1024x1xf32> to vector<1x1024x1xf32>
      %reduce_sum3A_134 = arith.constant dense<0.000000e+00> : vector<1xf32>
      %reduce_sum3A_135 = vector.multi_reduction <add>, %reduce_sum3A, %reduce_sum3A_134 [1, 2] : vector<1x1024x1xf32> to vector<1xf32>
      %reduce_sum3A_136 = vector.shape_cast %reduce_sum3A_135 : vector<1xf32> to vector<1x1x1xf32>
      %reduce_sum3A_137 = vector.extract %reduce_sum3A_136[0, 0, 0] : f32 from vector<1x1x1xf32>
      %reduce_max3A = vector.shape_cast %mul3A : vector<1024x1xf32> to vector<1x1024x1xf32>
      %reduce_max3A_138 = arith.constant dense<0xFF800000> : vector<1xf32>
      %reduce_max3A_139 = vector.multi_reduction <maximumf>, %reduce_max3A, %reduce_max3A_138 [1, 2] : vector<1x1024x1xf32> to vector<1xf32>
      %reduce_max3A_140 = vector.shape_cast %reduce_max3A_139 : vector<1xf32> to vector<1x1x1xf32>
      %reduce_max3A_141 = vector.extract %reduce_max3A_140[0, 0, 0] : f32 from vector<1x1x1xf32>
      %eq3A_142 = arith.constant 0 : i32
      %eq3A_143 = arith.cmpi eq, %arg0, %eq3A_142 : i32
      %get3A_144 = arith.constant 0 : index
      %get3A_145 = memref.load %arg11[%get3A_144] : memref<1xf32, #tpu.memory_space<smem>>
      %add3A_146 = arith.addf %get3A_145, %reduce_sum3A_137 : f32
      %select_n3A_147 = arith.select %eq3A_143, %reduce_sum3A_137, %add3A_146 : f32
      %swap3A_148 = arith.constant 0 : index
      %swap3A_149 = memref.load %arg11[%swap3A_148] : memref<1xf32, #tpu.memory_space<smem>>
      memref.store %select_n3A_147, %arg11[%swap3A_148] : memref<1xf32, #tpu.memory_space<smem>>
      %eq3A_150 = arith.constant 0 : i32
      %eq3A_151 = arith.cmpi eq, %arg0, %eq3A_150 : i32
      %get3A_152 = arith.constant 0 : index
      %get3A_153 = memref.load %arg12[%get3A_152] : memref<1xf32, #tpu.memory_space<smem>>
      %max3A = arith.maximumf %get3A_153, %reduce_max3A_141 : f32
      %select_n3A_154 = arith.select %eq3A_151, %reduce_max3A_141, %max3A : f32
      %swap3A_155 = arith.constant 0 : index
      %swap3A_156 = memref.load %arg12[%swap3A_155] : memref<1xf32, #tpu.memory_space<smem>>
      memref.store %select_n3A_154, %arg12[%swap3A_155] : memref<1xf32, #tpu.memory_space<smem>>
      %eq3A_157 = arith.constant 7 : i32
      %eq3A_158 = arith.cmpi eq, %arg0, %eq3A_157 : i32
      %convert_element_type3A_159 = arith.extui %eq3A_158 : i1 to i32
      %cond3A_160 = arith.constant 0 : i32
      %cond3A_161 = arith.cmpi ne, %convert_element_type3A_159, %cond3A_160 : i32
      scf.if %cond3A_161 {
        %get3A_162 = arith.constant 0 : index
        %get3A_163 = arith.constant 0 : index
        %get3A_164 = vector.load %arg8[%get3A_162, %get3A_163] : memref<1x1xf32, #tpu.memory_space<vmem>>, vector<1x1xf32>
        %get3A_165 = vector.extract %get3A_164[0, 0] : f32 from vector<1x1xf32>
        %mul3A_166 = arith.constant 1.000000e-01 : f32
        %mul3A_167 = arith.mulf %mul3A_166, %get3A_165 : f32
        %get3A_168 = arith.constant 0 : index
        %get3A_169 = memref.load %arg11[%get3A_168] : memref<1xf32, #tpu.memory_space<smem>>
        %mul3A_170 = arith.mulf %mul3A_167, %get3A_169 : f32
        %get3A_171 = arith.constant 0 : index
        %get3A_172 = memref.load %arg12[%get3A_171] : memref<1xf32, #tpu.memory_space<smem>>
        %div3A = arith.divf %mul3A_170, %get3A_172 : f32
        %get3A_173 = arith.constant 0 : index
        %get3A_174 = arith.constant 0 : index
        %get3A_175 = vector.load %arg7[%get3A_173, %get3A_174] : memref<1x1xf32, #tpu.memory_space<vmem>>, vector<1x1xf32>
        %get3A_176 = vector.extract %get3A_175[0, 0] : f32 from vector<1x1xf32>
        %add3A_177 = arith.addf %get3A_176, %div3A : f32
        %broadcast_in_dim3A_178 = vector.broadcast %add3A_177 : f32 to vector<1x1xf32>
        %swap3A_179 = arith.constant 0 : index
        %swap3A_180 = arith.constant 0 : index
        %swap3A_181 = vector.load %arg9[%swap3A_179, %swap3A_180] : memref<1x1xf32, #tpu.memory_space<vmem>>, vector<1x1xf32>
        tpu.vector_store %arg9[%swap3A_179, %swap3A_180], %broadcast_in_dim3A_178 {strides = array<i32>} : memref<1x1xf32, #tpu.memory_space<vmem>>, vector<1x1xf32>,
      } else {
      }
    } else {
    }
    return
  }
  func.func @transform_0(%arg0: i32, %arg1: i32) -> (i32, i32) {
    %c0_i32 = arith.constant 0 : i32
    %c0_i32_0 = arith.constant 0 : i32
    return %c0_i32, %arg0 : i32, i32
  }
  func.func @transform_1(%arg0: i32, %arg1: i32) -> (i32, i32) {
    %c0_i32 = arith.constant 0 : i32
    %c0_i32_0 = arith.constant 0 : i32
    return %c0_i32, %arg1 : i32, i32
  }
  func.func @transform_2(%arg0: i32, %arg1: i32) -> (i32, i32) {
    %c0_i32 = arith.constant 0 : i32
    %c0_i32_0 = arith.constant 0 : i32
    return %c0_i32, %arg1 : i32, i32
  }
  func.func @transform_3(%arg0: i32, %arg1: i32) -> (i32, i32) {
    %c0_i32 = arith.constant 0 : i32
    %c0_i32_0 = arith.constant 0 : i32
    return %arg0, %c0_i32 : i32, i32
  }
  func.func @transform_4(%arg0: i32, %arg1: i32) -> (i32, i32) {
    %c0_i32 = arith.constant 0 : i32
    %c0_i32_0 = arith.constant 0 : i32
    return %arg0, %c0_i32 : i32, i32
  }
  func.func @transform_5(%arg0: i32, %arg1: i32) -> (i32, i32) {
    %c0_i32 = arith.constant 0 : i32
    %c0_i32_0 = arith.constant 0 : i32
    %c0_i32_1 = arith.constant 0 : i32
    return %c0_i32, %c0_i32_0 : i32, i32
  }
  func.func @transform_6(%arg0: i32, %arg1: i32) -> (i32, i32) {
    %c0_i32 = arith.constant 0 : i32
    %c0_i32_0 = arith.constant 0 : i32
    %c0_i32_1 = arith.constant 0 : i32
    return %c0_i32, %c0_i32_0 : i32, i32
  }
  func.func @transform_7(%arg0: i32, %arg1: i32) -> (i32, i32) {
    %c0_i32 = arith.constant 0 : i32
    %c0_i32_0 = arith.constant 0 : i32
    %c0_i32_1 = arith.constant 0 : i32
    return %c0_i32, %c0_i32_0 : i32, i32
  }
}

</mosaic_0001>

<sc_bundles>
// kernel: kernel.5.cloned.1.call-start
scs
__scs_entry_jumppad:
0x0: {  	(pc) =	sbr.rel $0x88, $3  }
0x1: {  	(tag) =	ssettag $0x0;
	lr =	simm.s32 $0x1  }
0x2: {  	[smem:$0x3F9C] =	sst lr;
	_ =	strace $0xD0000000  }
0x3: {  	_ = 	snop  }
0x4: {  	_ = 	snop  }
0x5: {  	_ = 	snop  }
0x6: {  	_ = 	snop  }
0x7: {  	_ = 	snop  }
__scs_overlays_trampoline_lowered:
0x8: {  	[smem:$0x3FAB] =	sst s0  }
0x9: {  	[smem:$0x3FAC] =	sst s1  }
0xa: {  	[smem:$0x3FAD] =	sst s2  }
0xb: {  	[smem:$0x3FAE] =	sst s3  }
0xc: {  	[smem:$0x3FAF] =	sst s4  }
0xd: {  	[smem:$0x3FB0] =	sst s5  }
0xe: {  	[smem:$0x3FB1] =	sst s6  }
0xf: {  	[smem:$0x3FB2] =	sst s7  }
0x10: {  	[smem:$0x3FB3] =	sst s8  }
0x11: {  	[smem:$0x3FB4] =	sst s9;
	s0 =	simm.s32 @!p0 $0x0  }
0x12: {  	s1 =	sld [smem:$0x3F9A];
	s0 =	simm.s32 @p0 $0x1  }
0x13: {  	[smem:$0x3FB5] =	sst s0;
	s0 =	simm.s32 @!p1 $0x0  }
0x14: {  	s2 =	sld [smem:$0x3F99];
	s0 =	simm.s32 @p1 $0x1  }
0x15: {  	[smem:$0x3FB6] =	sst s0;
	s0 =	simm.s32 @!p2 $0x0  }
0x16: {  	s3 =	sld [smem:$0x3FDB];
	s0 =	simm.s32 @p2 $0x1  }
0x17: {  	s4 =	simm.s32 $0x1BF5;
	[smem:$0x3FB8] =	sst s0  }
0x18: {  	s0 =	sld [smem:$0x3F9B];
	_ =	swait.ge [sflag:s4], $0x0  }
0x19: {  	s7 =	sld [smem:$0x3F9C]  }
0x1a: {  	s8 =	sadd.s32 $0xFFFFE003, lr  }
0x1b: {  	s9 =	sadd.s32 $0xFFFFFEF7, lr;
	s5 =	simm.s32 $0xFFFFFFFF;
	p2 =	slt.u32 s8, $0xFFFFF086  }
0x1c: {  	p1 =	slt.u32 s9, $0xF7A;
	s5 =	simm.s32 @!p2 $0x0  }
0x1d: {  	s5 =	simm.s32 @p1 $0x1;
	p0 =	seq.s32 s7, s2  }
0x1e: {  	s7 =	smul.u32 @!p0 $0xF7A, s2;
	p2 =	seq.s32 @!p0 s5, $0x0  }
0x1f: {  	s9 =	smul.u32 $0xF7A, s1;
	s8 =	simm.s32 @!p0 $0x1BF5;
	p2 =	por !p2, p0  }
0x20: {  	[sflag:s8] =	ssyncset.s32 @!p0 $0xFFFFF086;
	s6 =	sadd.s32 @!p0 s3, s7;
	s7 =	simm.s32 @!p0 $0x108  }
0x21: {  	s3 =	sadd.s32 s3, s9;
	s6 =	sadd.s32 @!p0 $0x88, s6;
	s7 =	simm.s32 @p2 $0x1082  }
0x22: {  	[simem:s7], [sflag:s8] =	dma.local @!p0 [hbm:s6], $0xF7A  }
0x23: {  	s9 =	sor.u32 $0xD0000000, s2;
	s6 =	simm.s32 $0x108;
	_ =	swait.ge @!p0 [sflag:s8], $0x0  }
0x24: {  	s3 =	sadd.s32 $0x88, s3;
	s6 =	simm.s32 @!p1 $0x1082;
	[sflag:s4] =	ssyncset.s32 $0xFFFFF086  }
0x25: {  	[simem:s6], [sflag:s4] =	dma.local [hbm:s3], $0xF7A  }
0x26: {  	[smem:$0x3F9C] =	sst s1;
	(tag) =	ssettag s2;
	_ =	strace s9  }
0x27: {  	s1 =	sld [smem:$0x3FAC]  }
0x28: {  	s2 =	sld [smem:$0x3FAD]  }
0x29: {  	s4 =	sld [smem:$0x3FAF]  }
0x2a: {  	p0 =	seq.s32 s5, $0x0;
	s5 =	sld [smem:$0x3FB0]  }
0x2b: {  	s6 =	sld [smem:$0x3FB1]  }
0x2c: {  	s7 =	sld [smem:$0x3FB2]  }
0x2d: {  	s3 =	simm.s32 $0x108;
	s8 =	sld [smem:$0x3FB3]  }
0x2e: {  	s3 =	simm.s32 @!p0 $0x1082;
	s9 =	sld [smem:$0x3FB4]  }
0x2f: {  	lr =	sadd.s32 s0, s3;
	s0 =	sld [smem:$0x3FAB]  }
0x30: {  	s3 =	sld [smem:$0x3FAE]  }
0x31: {  	[smem:$0x3FB7] =	sst s10  }
0x32: {  	s10 =	sld [smem:$0x3FB5];
	_ =	sdelay $0x3  }
0x33: {  	p0 =	seq.s32 s10, $0x1;
	s10 =	sld [smem:$0x3FB7];
	_ =	sdelay $0x3  }
0x34: {  	[smem:$0x3FB7] =	sst s10  }
0x35: {  	s10 =	sld [smem:$0x3FB6];
	_ =	sdelay $0x3  }
0x36: {  	p1 =	seq.s32 s10, $0x1;
	s10 =	sld [smem:$0x3FB7];
	_ =	sdelay $0x3  }
0x37: {  	[smem:$0x3FB7] =	sst s10  }
0x38: {  	s10 =	sld [smem:$0x3FB8]  }
0x39: {  	_ = 	snop;
	(pc) =	sbr.ind lr, $3  }
0x3a: {  	_ = 	snop  }
0x3b: {  	_ = 	snop  }
0x3c: {  	p2 =	seq.s32 s10, $0x1;
	s10 =	sld [smem:$0x3FB7]  }
0x3d: {  	_ =	shalt  }
0x3e: {  	_ =	shalt  }
0x3f: {  	_ =	shalt  }
0x40: {  	_ =	shalt  }
0x41: {  	_ =	shalt  }
0x42: {  	_ =	shalt  }
0x43: {  	_ =	shalt  }
0x44: {  	_ =	shalt  }
0x45: {  	_ =	shalt  }
0x46: {  	_ =	shalt  }
0x47: {  	_ =	shalt  }
0x48: {  	_ =	shalt  }
0x49: {  	_ =	shalt  }
0x4a: {  	_ =	shalt  }
0x4b: {  	_ =	shalt  }
0x4c: {  	_ =	shalt  }
0x4d: {  	_ =	shalt  }
0x4e: {  	_ =	shalt  }
0x4f: {  	_ =	shalt  }
0x50: {  	_ =	shalt  }
0x51: {  	_ =	shalt  }
0x52: {  	_ =	shalt  }
0x53: {  	_ =	shalt  }
0x54: {  	_ =	shalt  }
0x55: {  	_ =	shalt  }
0x56: {  	_ =	shalt  }
0x57: {  	_ =	shalt  }
0x58: {  	_ =	shalt  }
0x59: {  	_ =	shalt  }
0x5a: {  	_ =	shalt  }
0x5b: {  	_ =	shalt  }
0x5c: {  	_ =	shalt  }
0x5d: {  	_ =	shalt  }
0x5e: {  	_ =	shalt  }
0x5f: {  	_ =	shalt  }
0x60: {  	_ =	shalt  }
0x61: {  	_ =	shalt  }
0x62: {  	_ =	shalt  }
0x63: {  	_ =	shalt  }
0x64: {  	_ =	shalt  }
0x65: {  	_ =	shalt  }
0x66: {  	_ =	shalt  }
0x67: {  	_ =	shalt  }
0x68: {  	_ =	shalt  }
0x69: {  	_ =	shalt  }
0x6a: {  	_ =	shalt  }
0x6b: {  	_ =	shalt  }
0x6c: {  	_ =	shalt  }
0x6d: {  	_ =	shalt  }
0x6e: {  	_ =	shalt  }
0x6f: {  	_ =	shalt  }
0x70: {  	_ =	shalt  }
0x71: {  	_ =	shalt  }
0x72: {  	_ =	shalt  }
0x73: {  	_ =	shalt  }
0x74: {  	_ =	shalt  }
0x75: {  	_ =	shalt  }
0x76: {  	_ =	shalt  }
0x77: {  	_ =	shalt  }
0x78: {  	_ =	shalt  }
0x79: {  	_ =	shalt  }
0x7a: {  	_ =	shalt  }
0x7b: {  	_ =	shalt  }
0x7c: {  	_ =	shalt  }
0x7d: {  	_ =	shalt  }
0x7e: {  	_ =	shalt  }
0x7f: {  	_ =	shalt  }
0x80: {  	_ =	shalt  }
0x81: {  	_ =	shalt  }
0x82: {  	_ =	shalt  }
0x83: {  	_ =	shalt  }
0x84: {  	_ =	shalt  }
0x85: {  	_ =	shalt  }
0x86: {  	_ =	shalt  }
0x87: {  	_ =	shalt  }
.Lfunc_end0:
.L_simem_size_0:
called_computation_lowered:
.L_overlay_start_0:
0x88: {  	s2 =	sld [smem:$0x3FD9]  }
0x89: {  	s3 =	sld [smem:$0x3FFE];
	_ =	sdelay $0x1  }
0x8a: {  	s1 =	srdreg.scid  }
0x8b: {  	s0 =	sand.u32 $0x1, s1  }
0x8c: {  	s16 =	sshll.u32 s0, $0xA;
	s2 =	sadd.s32 s3, s2  }
0x8d: {  	s2 =	sadd.s32 s2, s16  }
0x8e: {  	[smem:$0x3FC3] =	sst s2  }
0x8f: {  	_ = 	snop  }
0x90: {  	(tm) =	ssettm $0x1  }
0x91: {  	s17 =	sld [smem:$0x3FFB];
	_ =	sdelay $0x3  }
0x92: {  	_ =	strace s17  }
0x93: {  	s2 =	sld [smem:$0x3FFC];
	_ =	sdelay $0x3  }
0x94: {  	_ =	strace s2  }
0x95: {  	s2 =	sld [smem:$0x3FFD];
	_ =	sdelay $0x3  }
0x96: {  	_ =	strace s2  }
0x97: {  	_ =	strace $0x8FFFFFFF  }
0x98: {  	s18 =	sld [smem:$0x3FDB];
	_ =	sdelay $0x1  }
0x99: {  	s19 =	simm.s32 $_scs_section_size  }
0x9a: {  	s4 =	simm.s32 $_size__tile_overlayer_lowered;
	s5 =	simm.s32 $_tile_overlayer_lowered  }
0x9b: {  	s22 =	simm.s32 $0x1BFF;
	s21 =	sshll.u32 s5, $0x1;
	s2 =	sadd.s32 s19, s18  }
0x9c: {  	s6 =	simm.s32 $0x0;
	s20 =	sshll.u32 s4, $0x1;
	s4 =	sadd.s32 s21, s2  }
0x9d: {  	[timem:s6], [sflag:s22] =	dma.local [hbm:s4], s20  }
0x9e: {  	_ =	swait.ge [sflag:s22], s20  }
0x9f: {  	s3 =	ssub.s32 $0x0, s20;
	[sflag:s22] =	ssyncset.done $0x0  }
0xa0: {  	[sflag:s22] =	ssyncadd.s32 s3;
	_ =	sdelay $0x1  }
0xa1: {  	s23 =	simm.s32 $0x1B8B  }
0xa2: {  	_ =	swait.ge [sflag:s23], $0x1  }
0xa3: {  	[sflag:s23] =	ssyncset.done $0x0  }
0xa4: {  	s25 =	simm.s32 $0x1B8E;
	s24 =	sld [smem:$0x3FFE];
	[sflag:s23] =	ssyncadd.s32 $0xFFFFFFFF  }
0xa5: {  	s26 =	simm.s32 $execute0_lowered;
	[smem:$0x3FD2] =	sst s25  }
0xa6: {  	s4 =	sshll.u32 s26, $0x1;
	_ =	strace $0x80000046;
	[dreg:$0x1] =	wrdreg $0xFFFFFFFF  }
0xa7: {  	s28 =	simm.s32 $_size_execute0_lowered;
	s2 =	sadd.s32 s2, s4;
	[dreg:$0x0] =	wrdreg $0x0  }
0xa8: {  	s4 =	sshll.u32 s28, $0x1;
	[dreg:$0x2] =	wrdreg s2  }
0xa9: {  	[dreg:$0x3] =	wrdreg s4  }
0xaa: {  	[dreg:$0x4] =	wrdreg $0xC0  }
0xab: {  	_ =	task [dreg:s6], $0x5FFFF  }
0xac: {  	[dreg:$0x1] =	wrdreg $0xFFFFFFFF  }
0xad: {  	[dreg:$0x0] =	wrdreg $0x60  }
0xae: {  	[dreg:$0x2] =	wrdreg s24  }
0xaf: {  	[dreg:$0x3] =	wrdreg $0x9  }
0xb0: {  	_ =	task.clear_ibuf [dreg:s6], $0x4FFFF;
	_ =	strace $0x90000046  }
0xb1: {  	s29 =	simm.s32 $0x9;
	_ =	strace $0x80000048  }
0xb2: {  	_ =	swait.ge [sflag:s29], $0x1  }
0xb3: {  	[sflag:s29] =	ssyncadd.s32 $0xFFFFFFFF  }
0xb4: {  	_ =	strace $0x90000048  }
0xb5: {  	_ =	sfence  }
0xb6: {  	s30 =	sld [smem:$0x0];
	_ =	sdelay $0x2  }
0xb7: {  	s31 =	sshll.u32 s1, $0xD;
	s1 =	sshrl.u32 s1, $0x2  }
0xb8: {  	s3 =	sand.u32 $0x4000, s31;
	s1 =	sadd.s32 s1, s30  }
0xb9: {  	s0 =	sor.u32 s3, s0;
	s1 =	sshll.u32 s1, $0x11  }
0xba: {  	s0 =	sor.u32 s1, s0  }
0xbb: {  	s0 =	sadd.s32 $0x8F2B, s0  }
0xbc: {  	[sflag:s0] =	ssyncadd.remote.s32 $0x1  }
0xbd: {  	_ =	sfence.sel $0xFFFF  }
0xbe: {  	[dreg:$0x0] =	wrdreg $0xFFFFFFFF;
	(pc) =	sbr.abs _section_cstart, $3  }
0xbf: {  	[dreg:$0x1] =	wrdreg $0xFFFFFFFF  }
0xc0: {  	_ =	task.clear_ibuf [dreg:s6], $0x2FFFF;
	_ =	strace $0x9FFFFFFF  }
0xc1: {  	(tm) =	ssettm $0x7FFFFFFF  }
tec
execute0_lowered:
.L_overlay_start_1:
0x0: {  	(tag) =	ssettag $0x1  }
0x1: {  	s0 =	srdreg.scid  }
0x2: {  	s18 =	stileid.u32;
	s3 =	rddreg [dreg:$0x0]  }
0x3: {  	s2 =	simm.s32 $0x0;
	s29 =	simm.s32 $0x1;
	s30 =	simm.s32 $0x7800  }
0x4: {  	s31 =	simm.s32 $0x7F80;
	s0 =	sand.u32 $0x1, s0;
	s1 =	sshll.u32 s18, $0x1  }
0x5: {  	[smem:$0x7FF] =	sst s2;
	s5 =	sadd.s32 $0x4600, s3;
	s22 =	sadd.s32 $0x5600, s3  }
0x6: {  	s23 =	sadd.s32 $0x4400, s3;
	s12 =	sadd.s32 $0xC800, s3;
	p0 =	sgt.u32 s18, $0x3  }
0x7: {  	s1 =	sor.u32 s0, s1;
	_ =	strace $0x80000047;
	[dreg:$0x2] =	wrdreg s5  }
0x8: {  	p1 =	sgt.u32 s18, $0x7;
	[dreg:$0x3] =	wrdreg s22;
	s4 =	smul.u32 $0xF0, s1  }
0x9: {  	[dreg:$0x4] =	wrdreg s23;
	s0 =	ssub.s32 $0x2, s0;
	s6 =	smul.u32 $0x280, s1  }
0xa: {  	s7 =	sshll.u32 s1, $0x7;
	s8 =	sshll.u32 s1, $0x8;
	s24 =	smul.u32 $0x50, s1  }
0xb: {  	s13 =	sshll.u32 s1, $0x4;
	s15 =	sshll.u32 s1, $0x5;
	s25 =	sshrl.u32 s0, $0x1  }
0xc: {  	s20 =	sor.u32 $0x20, s1;
	s1 =	sor.u32 $0x40, s1;
	s10 =	sadd.s32 s7, s3  }
0xd: {  	s11 =	sadd.s32 s8, s3;
	s14 =	sadd.s32 s13, s3;
	s16 =	sadd.s32 s15, s3  }
0xe: {  	s0 =	ssub.s32 s0, s25;
	s17 =	sadd.s32 s12, s7;
	s21 =	sshll.u32 s1, $0x4  }
0xf: {  	s4 =	sadd.s32 s4, s3;
	s9 =	sadd.s32 s6, s3;
	s5 =	sadd.s32 s24, s3  }
0x10: {  	s3 =	sadd.s32 $0x11000, s3;
	s26 =	sadd.s32 $0x5800, s16;
	[dreg:$0x9] =	wrdreg s17  }
0x11: {  	s10 =	sadd.s32 $0xC400, s10;
	s15 =	sadd.s32 $0x6400, s14;
	[dreg:$0x6] =	wrdreg s26  }
0x12: {  	s17 =	sshll.u32 s1, $0x7;
	s28 =	smax.u32 s0, $0x1;
	[dreg:$0x7] =	wrdreg s10  }
0x13: {  	s1 =	simm.s32 $0x8780;
	s4 =	sadd.s32 $0x2600, s4;
	[dreg:$0x8] =	wrdreg s15  }
0x14: {  	s0 =	simm.s32 $0xB680;
	s19 =	sadd.s32 s3, s13;
	[dreg:$0x5] =	wrdreg s4  }
0x15: {  	s15 =	sshll.u32 s20, $0x7;
	s22 =	sadd.s32 s3, s21;
	[dreg:$0xa] =	wrdreg s19  }
0x16: {  	s24 =	sadd.s32 s12, s17;
	s25 =	sadd.s32 $0x6A00, s9;
	[dreg:$0xc] =	wrdreg s22  }
.Ltmp0:
0x17: {  	s26 =	sadd.s32 $0xF000, s11;
	[dreg:$0xe] =	wrdreg s24;
	(pc) =	sbr.rel .LBB2_1-.Ltmp0, $4  }
0x18: {  	v0 =	vlaneseq.u32;
	s11 =	simm.s32 $0x0;
	s4 =	sshll.u32 s20, $0x4;
	[dreg:$0xf] =	wrdreg s25  }
0x19: {  	v1 =	vmul.u32 $0x3, v0;
	s23 =	sadd.s32 s12, s15;
	[dreg:$0x10] =	wrdreg s26;
	s24 =	sadd.s32 $0x5C00, s16  }
0x1a: {  	s25 =	sadd.s32 $0x6000, s16;
	s4 =	sadd.s32 s3, s4;
	[dreg:$0xd] =	wrdreg s23  }
0x1b: {  	v4 =	vimm.f32 $0.0e+00;
	v2 =	vadd.s32 $0x1, v1;
	v3 =	vadd.s32 $0x2, v1;
	s26 =	sadd.s32 $0x6600, s16;
	s23 =	sadd.s32 $0xBA00, s5;
	[dreg:$0xb] =	wrdreg s4  }
.LBB2_16:
0x1c: {  	v12 =	vmul.u32 $0x3, v6;
	[tilespmem:s4+$0x80] =	vst v4  }
0x1d: {  	v10 =	vadd.f32 v11, v10;
	v59 =	vmul.f32 v7, v7;
	v9 =	vmul.f32 $-2.000000000e+00, v9;
	[tilespmem:s4+$0x100] =	vst v4  }
0x1e: {  	v8 =	vmul.f32 $-2.000000000e+00, v8;
	[tilespmem:s4+$0x180] =	vst v4;
	v13 =	vadd.s32 v1, v12  }
0x1f: {  	v7 =	vmul.f32 $-2.000000000e+00, v7;
	v14 =	vadd.s32 v2, v12;
	v10 =	vadd.f32 v59, v10;
	[tilespmem:s4+$0xFFFFFE00] =	vst v9  }
0x20: {  	vm0 =	vlt.u32 v5, $0x2710;
	[tilespmem:s4+$0xFFFFFE80] =	vst v8  }
0x21: {  	s3 =	sadd.s32 $0x10, s3;
	v5 =	vadd.s32 v3, v12;
	[tilespmem:s4+$0xFFFFFF00] =	vst v7;
	v60 =	vnsel vm0, $0x7149F2CA, v10  }
0x22: {  	[tilespmem:s3+$0x0] =	vst v60  }
0x23: {  	v7 =	vld.idx.msk [tilespmem:v13+s2+$0x0], $0xffff  }
0x24: {  	v8 =	vld.idx.msk [tilespmem:v14+s2+$0x0], $0xffff;
	_ =	sdelay $0x1  }
0x25: {  	v5 =	vld.idx.msk [tilespmem:v5+s2+$0x0], $0xffff  }
0x26: {  	s19 =	sadd.s32 $0x10, s4  }
0x27: {  	[tilespmem:s19+$0xFFFFFF80] =	vst v4  }
0x28: {  	[tilespmem:s19+$0x0] =	vst v4;
	v61 =	vmul.f32 v7, v7;
	v62 =	vmul.f32 v8, v8  }
0x29: {  	[tilespmem:s19+$0x80] =	vst v4  }
0x2a: {  	[tilespmem:s19+$0x100] =	vst v4;
	v63 =	vmul.f32 v5, v5;
	v7 =	vmul.f32 $-2.000000000e+00, v7;
	v9 =	vadd.f32 v62, v61  }
0x2b: {  	[tilespmem:s19+$0x180] =	vst v4;
	v8 =	vmul.f32 $-2.000000000e+00, v8  }
0x2c: {  	v5 =	vmul.f32 $-2.000000000e+00, v5;
	[tilespmem:s19+$0xFFFFFE00] =	vst v7;
	v9 =	vadd.f32 v63, v9  }
0x2d: {  	vm15 =	vlt.u32 v6, $0x2710;
	[tilespmem:s19+$0xFFFFFE80] =	vst v8  }
0x2e: {  	s3 =	sadd.s32 $0x10, s3;
	[tilespmem:s19+$0xFFFFFF00] =	vst v5;
	v6 =	vnsel vm15, $0x7149F2CA, v9  }
0x2f: {  	s20 =	rddreg [dreg:$0xe];
	[tilespmem:s3+$0x0] =	vst v6  }
0x30: {  	[hbm4b:s20+s2] =	stream.linear.scatter [tilespmem:s0], [sflag:$0x1], $0x400, $0x38;
	[tilespmem:$0xBF00] =	vst v63  }
0x31: {  	_ =	swait.ge [sflag:s29], $0x400  }
0x32: {  	[sflag:s29] =	ssyncset.done $0x0  }
0x33: {  	s22 =	simm.s32 $0xBE80;
	s21 =	rddreg [dreg:$0xc];
	[sflag:s29] =	ssyncadd.s32 $0xFFFFFC00  }
0x34: {  	[hbm4b:s21+s2] =	stream.linear.scatter [tilespmem:s22], [sflag:$0x1], $0x80, $0x38;
	[tilespmem:$0xBF00] =	vst v63  }
0x35: {  	_ =	swait.ge [sflag:s29], $0x80  }
0x36: {  	[sflag:s29] =	ssyncset.done $0x0  }
0x37: {  	[sflag:s29] =	ssyncadd.s32 $0xFFFFFF80  }
.LBB2_17:
0x38: {  	s3 =	rddreg [dreg:$0xf];
	s4 =	simm.s32 $0x9680  }
0x39: {  	[hbm4b:s3+s2] =	stream.linear.scatter [tilespmem:s4], [sflag:$0x1], $0x1400, $0x38;
	[tilespmem:$0xBF00] =	vst v63  }
0x3a: {  	_ =	swait.ge [sflag:s29], $0x1400  }
0x3b: {  	[sflag:s29] =	ssyncset.done $0x0  }
0x3c: {  	s20 =	simm.s32 $0xAE80;
	s19 =	rddreg [dreg:$0x10];
	[sflag:s29] =	ssyncadd.s32 $0xFFFFEC00  }
0x3d: {  	[hbm4b:s19+s2] =	stream.linear.scatter [tilespmem:s20], [sflag:$0x1], $0x800, $0x38;
	[tilespmem:$0xBF00] =	vst v63  }
0x3e: {  	_ =	swait.ge [sflag:s29], $0x800  }
0x3f: {  	[sflag:s29] =	ssyncset.done $0x0  }
0x40: {  	s21 =	simm.s32 $0xBA80;
	[sflag:s29] =	ssyncadd.s32 $0xFFFFF800  }
0x41: {  	[hbm4b:s23+s2] =	stream.linear.scatter [tilespmem:s21], [sflag:$0x1], $0x280, $0x38;
	[tilespmem:$0xBF00] =	vst v63  }
0x42: {  	s11 =	sadd.s32 $0x1, s11;
	_ =	swait.ge [sflag:s29], $0x280  }
0x43: {  	p2 =	sne.s32 s11, s28;
	[sflag:s29] =	ssyncset.done $0x0  }
.Ltmp1:
0x44: {  	s22 =	simm.s32 $0xBD80;
	[sflag:s29] =	ssyncadd.s32 $0xFFFFFD80;
	(pc) =	sbr.rel @!p2 .LBB2_18-.Ltmp1, $4  }
0x45: {  	[hbm4b:s26+s2] =	stream.linear.scatter [tilespmem:s22], [sflag:$0x1], $0x100, $0x38;
	[tilespmem:$0xBF00] =	vst v63  }
0x46: {  	_ =	swait.ge [sflag:s29], $0x100  }
0x47: {  	[sflag:s29] =	ssyncset.done $0x0  }
0x48: {  	[sflag:s29] =	ssyncadd.s32 $0xFFFFFF00  }
.LBB2_1:
0x49: {  	s3 =	rddreg [dreg:$0x2]  }
0x4a: {  	[tilespmem:s2], [sflag:$0x1] =	stream.linear.gather [hbm4b:s3+s2], $0x7800, $0x38;
	[tilespmem:$0xBF00] =	vst v63  }
0x4b: {  	_ =	swait.ge [sflag:s29], $0x7800  }
0x4c: {  	[sflag:s29] =	ssyncset.done $0x0  }
0x4d: {  	s16 =	rddreg [dreg:$0x5];
	[sflag:s29] =	ssyncadd.s32 $0xFFFF8800  }
0x4e: {  	[tilespmem:s30], [sflag:$0x1] =	stream.linear.gather [hbm4b:s16+s2], $0x780, $0x38;
	[tilespmem:$0xBF00] =	vst v63  }
0x4f: {  	_ =	swait.ge [sflag:s29], $0x780  }
0x50: {  	[sflag:s29] =	ssyncset.done $0x0  }
0x51: {  	s18 =	rddreg [dreg:$0x3];
	[sflag:s29] =	ssyncadd.s32 $0xFFFFF880  }
0x52: {  	[tilespmem:s31], [sflag:$0x1] =	stream.linear.gather [hbm4b:s18+s2], $0x800, $0x38;
	[tilespmem:$0xBF00] =	vst v63  }
0x53: {  	_ =	swait.ge [sflag:s29], $0x800  }
0x54: {  	[sflag:s29] =	ssyncset.done $0x0  }
0x55: {  	s19 =	rddreg [dreg:$0x4];
	[sflag:s29] =	ssyncadd.s32 $0xFFFFF800  }
0x56: {  	[tilespmem:s1], [sflag:$0x1] =	stream.linear.gather [hbm4b:s19+s2], $0xC00, $0x38;
	[tilespmem:$0xBF00] =	vst v63  }
0x57: {  	_ =	swait.ge [sflag:s29], $0xC00  }
0x58: {  	[sflag:s29] =	ssyncset.done $0x0  }
0x59: {  	s4 =	simm.s32 $0x9380;
	s20 =	rddreg [dreg:$0x6];
	[sflag:s29] =	ssyncadd.s32 $0xFFFFF400  }
0x5a: {  	[tilespmem:s4], [sflag:$0x1] =	stream.linear.gather [hbm4b:s20+s2], $0x100, $0x38;
	[tilespmem:$0xBF00] =	vst v63  }
0x5b: {  	_ =	swait.ge [sflag:s29], $0x100  }
0x5c: {  	v5 =	vmov s2;
	[sflag:s29] =	ssyncset.done $0x0  }
0x5d: {  	s21 =	simm.s32 $0x9480;
	v5 =	vmul.u32 $0x3, v5;
	[sflag:s29] =	ssyncadd.s32 $0xFFFFFF00  }
0x5e: {  	[tilespmem:s21], [sflag:$0x1] =	stream.linear.gather [hbm4b:s24+s2], $0x100, $0x38;
	[tilespmem:$0xBF00] =	vst v63  }
0x5f: {  	v5 =	vbroadcast v5, $0x0;
	_ =	swait.ge [sflag:s29], $0x100  }
0x60: {  	[sflag:s29] =	ssyncset.done $0x0  }
0x61: {  	s22 =	simm.s32 $0x9580;
	v6 =	vadd.s32 v2, v5;
	[sflag:s29] =	ssyncadd.s32 $0xFFFFFF00  }
0x62: {  	v7 =	vadd.s32 v3, v5;
	v5 =	vadd.s32 v1, v5;
	[tilespmem:s22], [sflag:$0x1] =	stream.linear.gather [hbm4b:s25+s2], $0x100, $0x38;
	[tilespmem:$0xBF00] =	vst v63  }
0x63: {  	_ =	swait.ge [sflag:s29], $0x100  }
0x64: {  	[sflag:s29] =	ssyncset.done $0x0  }
0x65: {  	[sflag:s29] =	ssyncadd.s32 $0xFFFFFF00  }
0x66: {  	v6 =	vld.idx.msk [tilespmem:v6+s30+$0x0], $0xffff  }
0x67: {  	v5 =	vld.idx.msk [tilespmem:v5+s30+$0x0], $0xffff;
	_ =	sdelay $0x2  }
0x68: {  	v7 =	vld.idx.msk [tilespmem:v7+s30+$0x0], $0xffff  }
0x69: {  	v6 =	vmul.u32 $0x3, v6  }
0x6a: {  	v5 =	vmul.u32 $0x3, v5;
	_ =	sdelay $0x1  }
0x6b: {  	v8 =	vadd.s32 $0x1, v6  }
0x6c: {  	v10 =	vmul.u32 $0x3, v7;
	v9 =	vadd.s32 $0x2, v6  }
0x6d: {  	s12 =	simm.s32 $0x10  }
0x6e: {  	v11 =	vmov s12;
	v12 =	vadd.s32 $0x1, v5;
	v7 =	vld.idx.msk [tilespmem:v6+s2+$0x0], $0xffff  }
0x6f: {  	v15 =	vmul.u32 $0x3, v11;
	v13 =	vadd.s32 $0x1, v10;
	v11 =	vld.idx.msk [tilespmem:v5+s2+$0x0], $0xffff  }
0x70: {  	v8 =	vld.idx.msk [tilespmem:v8+s2+$0x0], $0xffff  }
0x71: {  	v14 =	vadd.s32 $0x2, v5;
	v6 =	vld.idx.msk [tilespmem:v9+s2+$0x0], $0xffff  }
0x72: {  	v9 =	vld.idx.msk [tilespmem:v10+s2+$0x0], $0xffff  }
0x73: {  	s13 =	simm.s32 $0x20;
	s5 =	simm.s32 $0x0;
	s9 =	simm.s32 $0x0;
	v12 =	vld.idx.msk [tilespmem:v12+s2+$0x0], $0xffff;
	v10 =	vadd.s32 $0x2, v10  }
0x74: {  	s3 =	simm.s32 $0x0;
	s18 =	simm.s32 $0xBA80;
	s4 =	simm.s32 $0xBA80;
	v5 =	vbroadcast v15, $0x0;
	v13 =	vld.idx.msk [tilespmem:v13+s2+$0x0], $0xffff  }
.LBB2_2:
0x75: {  	s3 =	sadd.s32 $0x80, s3  }
0x76: {  	v15 =	vadd.s32 v1, v5;
	v16 =	vadd.s32 v2, v5;
	v14 =	vld.idx.msk [tilespmem:v14+s2+$0x0], $0xffff;
	s18 =	sadd.s32 $0x10, s18;
	s14 =	smov.u32 s13;
	s10 =	sadd.s32 $0x10, s13  }
0x77: {  	p2 =	sne.s32 s13, $0x270;
	s13 =	sand.u32 $0x70, s5;
	s9 =	sand.u32 $0x1C00, s9  }
0x78: {  	s13 =	sor.u32 s13, s9;
	s9 =	smov.u32 s3;
	v10 =	vld.idx.msk [tilespmem:v10+s2+$0x0], $0xffff  }
0x79: {  	v5 =	vadd.s32 v3, v5;
	v7 =	vadd.f32 v7, v11;
	[tilespmem:s13+$0x9800] =	vst v4  }
0x7a: {  	v8 =	vadd.f32 v8, v12;
	[tilespmem:s13+$0x9880] =	vst v4  }
0x7b: {  	v7 =	vadd.f32 v9, v7;
	[tilespmem:s13+$0x9900] =	vst v4  }
0x7c: {  	v8 =	vadd.f32 v13, v8;
	v6 =	vadd.f32 v6, v14;
	[tilespmem:s13+$0x9980] =	vst v4  }
0x7d: {  	v7 =	vmul.f32 $3.333333430e-01, v7;
	[tilespmem:s13+$0x9A00] =	vst v4  }
0x7e: {  	v8 =	vmul.f32 $3.333333430e-01, v8;
	v6 =	vadd.f32 v10, v6  }
0x7f: {  	v9 =	vmul.f32 v7, v7;
	v7 =	vmul.f32 $-2.000000000e+00, v7  }
0x80: {  	v6 =	vmul.f32 $3.333333430e-01, v6;
	v10 =	vmul.f32 v8, v8  }
0x81: {  	[tilespmem:s13+$0x9680] =	vst v7;
	v7 =	vmul.f32 $-2.000000000e+00, v8  }
0x82: {  	v8 =	vadd.f32 v10, v9;
	v9 =	vmul.f32 v6, v6;
	v6 =	vmul.f32 $-2.000000000e+00, v6  }
0x83: {  	[tilespmem:s13+$0x9700] =	vst v7  }
0x84: {  	s16 =	sadd.s32 s6, s5;
	s5 =	smov.u32 s12;
	s12 =	smov.u32 s14;
	v7 =	vadd.f32 v9, v8;
	[tilespmem:s13+$0x9780] =	vst v6  }
0x85: {  	p3 =	slt.u32 s16, $0x4E20  }
0x86: {  	v6 =	vpsel !p3, $0x7149F2CA, v7  }
0x87: {  	[tilespmem:s4+$0x0] =	vst v6;
	s4 =	smov.u32 s18  }
0x88: {  	v6 =	vld.idx.msk [tilespmem:v16+s30+$0x0], $0xffff  }
0x89: {  	v7 =	vld.idx.msk [tilespmem:v15+s30+$0x0], $0xffff  }
0x8a: {  	v5 =	vld.idx.msk [tilespmem:v5+s30+$0x0], $0xffff;
	_ =	sdelay $0x3  }
0x8b: {  	v6 =	vmul.u32 $0x3, v6  }
0x8c: {  	v11 =	vmul.u32 $0x3, v7  }
0x8d: {  	v5 =	vmul.u32 $0x3, v5;
	v8 =	vadd.s32 $0x1, v6;
	v9 =	vadd.s32 $0x2, v6  }
0x8e: {  	v12 =	vadd.s32 $0x1, v11;
	v14 =	vadd.s32 $0x2, v11  }
0x8f: {  	v13 =	vadd.s32 $0x1, v5;
	v10 =	vadd.s32 $0x2, v5;
	_ =	sdelay $0x1  }
0x90: {  	v7 =	vld.idx.msk [tilespmem:v6+s2+$0x0], $0xffff  }
0x91: {  	v8 =	vld.idx.msk [tilespmem:v8+s2+$0x0], $0xffff  }
.Ltmp2:
0x92: {  	v15 =	vmov s12;
	v6 =	vld.idx.msk [tilespmem:v9+s2+$0x0], $0xffff;
	(pc) =	sbr.rel @p2 .LBB2_2-.Ltmp2, $4  }
0x93: {  	v15 =	vmul.u32 $0x3, v15;
	v9 =	vld.idx.msk [tilespmem:v5+s2+$0x0], $0xffff  }
0x94: {  	v11 =	vld.idx.msk [tilespmem:v11+s2+$0x0], $0xffff  }
0x95: {  	v5 =	vbroadcast v15, $0x0;
	v12 =	vld.idx.msk [tilespmem:v12+s2+$0x0], $0xffff  }
0x96: {  	s13 =	smov.u32 s10;
	v13 =	vld.idx.msk [tilespmem:v13+s2+$0x0], $0xffff  }
0x97: {  	_ =	sdelay $0x3  }
0x98: {  	v14 =	vld.idx.msk [tilespmem:v14+s2+$0x0], $0xffff;
	_ =	sdelay $0x1  }
0x99: {  	v10 =	vld.idx.msk [tilespmem:v10+s2+$0x0], $0xffff;
	v7 =	vadd.f32 v7, v11  }
0x9a: {  	v8 =	vadd.f32 v8, v12  }
0x9b: {  	v7 =	vadd.f32 v9, v7  }
0x9c: {  	v8 =	vadd.f32 v13, v8;
	v6 =	vadd.f32 v6, v14  }
0x9d: {  	s10 =	sand.u32 $0x70, s5;
	s9 =	sand.u32 $0x1C00, s9;
	v7 =	vmul.f32 $3.333333430e-01, v7  }
0x9e: {  	s9 =	sor.u32 s10, s9;
	v8 =	vmul.f32 $3.333333430e-01, v8;
	v6 =	vadd.f32 v10, v6  }
0x9f: {  	[tilespmem:s9+$0x9800] =	vst v4;
	v49 =	vmul.f32 v7, v7  }
0xa0: {  	[tilespmem:s9+$0x9880] =	vst v4;
	v6 =	vmul.f32 $3.333333430e-01, v6;
	v50 =	vmul.f32 v8, v8  }
0xa1: {  	[tilespmem:s9+$0x9900] =	vst v4  }
0xa2: {  	[tilespmem:s9+$0x9980] =	vst v4;
	v7 =	vmul.f32 $-2.000000000e+00, v7;
	v9 =	vadd.f32 v50, v49;
	v51 =	vmul.f32 v6, v6  }
0xa3: {  	v52 =	vadd.s32 v2, v5;
	[tilespmem:s9+$0x9A00] =	vst v4;
	v8 =	vmul.f32 $-2.000000000e+00, v8  }
0xa4: {  	s19 =	sadd.s32 s6, s5;
	v53 =	vadd.s32 v3, v5;
	[tilespmem:s9+$0x9680] =	vst v7;
	v6 =	vmul.f32 $-2.000000000e+00, v6;
	v7 =	vadd.f32 v51, v9  }
0xa5: {  	v5 =	vadd.s32 v1, v5;
	p2 =	slt.u32 s19, $0x4E20;
	[tilespmem:s9+$0x9700] =	vst v8  }
0xa6: {  	[tilespmem:s9+$0x9780] =	vst v6;
	v6 =	vpsel !p2, $0x7149F2CA, v7  }
0xa7: {  	[tilespmem:s4+$0x0] =	vst v6  }
0xa8: {  	v6 =	vld.idx.msk [tilespmem:v52+s30+$0x0], $0xffff  }
0xa9: {  	v7 =	vld.idx.msk [tilespmem:v53+s30+$0x0], $0xffff  }
0xaa: {  	v5 =	vld.idx.msk [tilespmem:v5+s30+$0x0], $0xffff;
	_ =	sdelay $0x2  }
0xab: {  	v6 =	vmul.u32 $0x3, v6  }
0xac: {  	v7 =	vmul.u32 $0x3, v7  }
0xad: {  	v5 =	vmul.u32 $0x3, v5;
	_ =	sdelay $0x1  }
0xae: {  	v54 =	vadd.s32 $0x1, v6  }
0xaf: {  	v55 =	vadd.s32 $0x2, v6  }
0xb0: {  	v56 =	vadd.s32 $0x1, v5;
	v6 =	vld.idx.msk [tilespmem:v6+s2+$0x0], $0xffff  }
0xb1: {  	v57 =	vadd.s32 $0x1, v7;
	v59 =	vld.idx.msk [tilespmem:v7+s2+$0x0], $0xffff  }
0xb2: {  	v58 =	vadd.s32 $0x2, v5;
	v5 =	vld.idx.msk [tilespmem:v5+s2+$0x0], $0xffff  }
0xb3: {  	v8 =	vld.idx.msk [tilespmem:v54+s2+$0x0], $0xffff  }
0xb4: {  	v7 =	vadd.s32 $0x2, v7;
	v9 =	vld.idx.msk [tilespmem:v55+s2+$0x0], $0xffff  }
0xb5: {  	v10 =	vld.idx.msk [tilespmem:v56+s2+$0x0], $0xffff  }
0xb6: {  	v11 =	vld.idx.msk [tilespmem:v57+s2+$0x0], $0xffff  }
0xb7: {  	v12 =	vld.idx.msk [tilespmem:v58+s2+$0x0], $0xffff;
	_ =	sdelay $0x1  }
0xb8: {  	v7 =	vld.idx.msk [tilespmem:v7+s2+$0x0], $0xffff;
	v5 =	vadd.f32 v6, v5  }
0xb9: {  	v6 =	vadd.f32 v8, v10  }
0xba: {  	v5 =	vadd.f32 v59, v5  }
0xbb: {  	s3 =	sadd.s32 $0x80, s3;
	v60 =	vadd.f32 v9, v12;
	v6 =	vadd.f32 v11, v6  }
0xbc: {  	s20 =	sand.u32 $0x70, s12;
	s3 =	sand.u32 $0x1C00, s3;
	v5 =	vmul.f32 $3.333333430e-01, v5  }
0xbd: {  	s3 =	sor.u32 s20, s3;
	v6 =	vmul.f32 $3.333333430e-01, v6;
	v7 =	vadd.f32 v7, v60  }
0xbe: {  	[tilespmem:s3+$0x9800] =	vst v4;
	v61 =	vmul.f32 v5, v5  }
0xbf: {  	[tilespmem:s3+$0x9880] =	vst v4;
	v7 =	vmul.f32 $3.333333430e-01, v7;
	v62 =	vmul.f32 v6, v6  }
0xc0: {  	[tilespmem:s3+$0x9900] =	vst v4  }
0xc1: {  	[tilespmem:s3+$0x9980] =	vst v4;
	v5 =	vmul.f32 $-2.000000000e+00, v5;
	v8 =	vadd.f32 v62, v61;
	v63 =	vmul.f32 v7, v7  }
.Ltmp3:
0xc2: {  	[tilespmem:s3+$0x9A00] =	vst v4;
	v6 =	vmul.f32 $-2.000000000e+00, v6;
	(pc) =	sbr.rel @p0 .LBB2_7-.Ltmp3, $4  }
0xc3: {  	s21 =	sadd.s32 s6, s12;
	[tilespmem:s3+$0x9680] =	vst v5;
	v5 =	vmul.f32 $-2.000000000e+00, v7;
	v7 =	vadd.f32 v63, v8  }
0xc4: {  	p6 =	slt.u32 s21, $0x4E20;
	[tilespmem:s3+$0x9700] =	vst v6  }
0xc5: {  	s22 =	sadd.s32 $0x10, s18;
	[tilespmem:s3+$0x9780] =	vst v5;
	v5 =	vpsel !p6, $0x7149F2CA, v7  }
0xc6: {  	[tilespmem:s22+$0x0] =	vst v5  }
0xc7: {  	s3 =	simm.s32 $0x0  }
0xc8: {  	s3 =	sor.u32 s7, s3  }
0xc9: {  	v5 =	vmov s3  }
0xca: {  	v5 =	vmul.u32 $0x3, v5;
	_ =	sdelay $0x1  }
0xcb: {  	v5 =	vbroadcast v5, $0x0;
	_ =	sdelay $0x1  }
0xcc: {  	v6 =	vadd.s32 v3, v5  }
0xcd: {  	v7 =	vadd.s32 v1, v5  }
0xce: {  	v5 =	vadd.s32 v2, v5;
	_ =	sdelay $0x2  }
0xcf: {  	v6 =	vld.idx.msk [tilespmem:v6+s1+$0x0], $0xffff  }
0xd0: {  	v7 =	vld.idx.msk [tilespmem:v7+s1+$0x0], $0xffff  }
0xd1: {  	v5 =	vld.idx.msk [tilespmem:v5+s1+$0x0], $0xffff;
	_ =	sdelay $0x2  }
0xd2: {  	v6 =	vmul.u32 $0x3, v6  }
0xd3: {  	v7 =	vmul.u32 $0x3, v7  }
0xd4: {  	v5 =	vmul.u32 $0x3, v5;
	_ =	sdelay $0x1  }
0xd5: {  	v8 =	vadd.s32 $0x2, v7  }
0xd6: {  	v9 =	vadd.s32 $0x1, v7  }
0xd7: {  	v11 =	vadd.s32 $0x1, v5;
	v10 =	vld.idx.msk [tilespmem:v6+s31+$0x0], $0xffff  }
0xd8: {  	v12 =	vadd.s32 $0x2, v5;
	v7 =	vld.idx.msk [tilespmem:v7+s31+$0x0], $0xffff  }
0xd9: {  	v13 =	vadd.s32 $0x1, v6;
	v5 =	vld.idx.msk [tilespmem:v5+s31+$0x0], $0xffff  }
0xda: {  	v8 =	vld.idx.msk [tilespmem:v8+s31+$0x0], $0xffff  }
0xdb: {  	v6 =	vadd.s32 $0x2, v6;
	v9 =	vld.idx.msk [tilespmem:v9+s31+$0x0], $0xffff  }
0xdc: {  	v11 =	vld.idx.msk [tilespmem:v11+s31+$0x0], $0xffff  }
0xdd: {  	v12 =	vld.idx.msk [tilespmem:v12+s31+$0x0], $0xffff  }
0xde: {  	v13 =	vld.idx.msk [tilespmem:v13+s31+$0x0], $0xffff;
	_ =	sdelay $0x1  }
0xdf: {  	v6 =	vld.idx.msk [tilespmem:v6+s31+$0x0], $0xffff;
	v5 =	vadd.f32 v5, v7  }
0xe0: {  	s21 =	simm.s32 $0x10;
	v7 =	vadd.f32 v11, v9  }
0xe1: {  	s3 =	sor.u32 s7, s21;
	v5 =	vadd.f32 v10, v5  }
0xe2: {  	v8 =	vadd.f32 v12, v8;
	v9 =	vmov s3;
	v7 =	vadd.f32 v13, v7  }
0xe3: {  	s22 =	simm.s32 $0xAC80;
	v9 =	vmul.u32 $0x3, v9;
	v5 =	vmul.f32 $3.333333430e-01, v5  }
0xe4: {  	[tilespmem:s22+$0x180] =	vst v4;
	v6 =	vadd.f32 v6, v8;
	v7 =	vmul.f32 $3.333333430e-01, v7  }
0xe5: {  	[tilespmem:s22+$0x100] =	vst v4;
	v8 =	vbroadcast v9, $0x0;
	v9 =	vmul.f32 v5, v5  }
0xe6: {  	[tilespmem:s22+$0x80] =	vst v4;
	v6 =	vmul.f32 $3.333333430e-01, v6;
	v10 =	vmul.f32 v7, v7  }
0xe7: {  	[tilespmem:s22+$0x0] =	vst v4  }
0xe8: {  	[tilespmem:s22+$0xFFFFFE00] =	vst v5;
	v11 =	vadd.s32 v3, v8;
	v9 =	vadd.f32 v10, v9;
	v10 =	vmul.f32 v6, v6  }
0xe9: {  	[tilespmem:s22+$0xFFFFFE80] =	vst v7;
	v7 =	vadd.s32 v1, v8  }
0xea: {  	v5 =	vadd.s32 v2, v8;
	[tilespmem:s22+$0xFFFFFF00] =	vst v6;
	v6 =	vadd.f32 v10, v9  }
0xeb: {  	s4 =	simm.s32 $0xBD00;
	[tilespmem:s22+$0xFFFFFF80] =	vst v4  }
0xec: {  	[tilespmem:s4+$0x0] =	vst v6  }
0xed: {  	v6 =	vld.idx.msk [tilespmem:v11+s1+$0x0], $0xffff  }
0xee: {  	v7 =	vld.idx.msk [tilespmem:v7+s1+$0x0], $0xffff  }
0xef: {  	v5 =	vld.idx.msk [tilespmem:v5+s1+$0x0], $0xffff;
	_ =	sdelay $0x2  }
0xf0: {  	v6 =	vmul.u32 $0x3, v6  }
0xf1: {  	v7 =	vmul.u32 $0x3, v7  }
0xf2: {  	v5 =	vmul.u32 $0x3, v5;
	_ =	sdelay $0x1  }
0xf3: {  	v8 =	vadd.s32 $0x2, v7  }
0xf4: {  	v9 =	vadd.s32 $0x1, v7  }
0xf5: {  	v11 =	vadd.s32 $0x1, v5;
	v10 =	vld.idx.msk [tilespmem:v6+s31+$0x0], $0xffff  }
0xf6: {  	v62 =	vadd.s32 $0x2, v5;
	v7 =	vld.idx.msk [tilespmem:v7+s31+$0x0], $0xffff  }
0xf7: {  	v63 =	vadd.s32 $0x1, v6;
	v5 =	vld.idx.msk [tilespmem:v5+s31+$0x0], $0xffff  }
0xf8: {  	v6 =	vadd.s32 $0x2, v6;
	v8 =	vld.idx.msk [tilespmem:v8+s31+$0x0], $0xffff  }
0xf9: {  	v9 =	vld.idx.msk [tilespmem:v9+s31+$0x0], $0xffff  }
0xfa: {  	v11 =	vld.idx.msk [tilespmem:v11+s31+$0x0], $0xffff  }
0xfb: {  	v12 =	vld.idx.msk [tilespmem:v62+s31+$0x0], $0xffff  }
0xfc: {  	v13 =	vld.idx.msk [tilespmem:v63+s31+$0x0], $0xffff  }
0xfd: {  	v6 =	vld.idx.msk [tilespmem:v6+s31+$0x0], $0xffff;
	_ =	sdelay $0x1  }
0xfe: {  	s5 =	simm.s32 $0x20;
	s3 =	simm.s32 $0xAC90;
	v5 =	vadd.f32 v5, v7;
	v7 =	vadd.f32 v11, v9  }
0xff: {  	s5 =	sor.u32 s7, s5;
	[tilespmem:s3+$0x180] =	vst v4;
	v8 =	vadd.f32 v12, v8  }
0x100: {  	[tilespmem:s3+$0x100] =	vst v4;
	v9 =	vmov s5;
	v5 =	vadd.f32 v10, v5;
	v7 =	vadd.f32 v13, v7  }
0x101: {  	[tilespmem:s3+$0x80] =	vst v4;
	v9 =	vmul.u32 $0x3, v9;
	v8 =	vadd.f32 v6, v8  }
0x102: {  	[tilespmem:s3+$0x0] =	vst v4;
	v6 =	vmul.f32 $3.333333430e-01, v5;
	v10 =	vmul.f32 $3.333333430e-01, v7  }
0x103: {  	[tilespmem:s3+$0xFFFFFF80] =	vst v4;
	v5 =	vbroadcast v9, $0x0;
	v7 =	vmul.f32 $3.333333430e-01, v8  }
0x104: {  	s5 =	simm.s32 $0x30;
	[tilespmem:s3+$0xFFFFFE80] =	vst v10;
	v8 =	vmul.f32 v6, v6;
	v9 =	vmul.f32 v10, v10  }
.LBB2_5:
0x105: {  	p2 =	sne.s32 s5, $0x70;
	[tilespmem:s3+$0xFFFFFF00] =	vst v7  }
0x106: {  	v10 =	vadd.s32 v3, v5;
	v7 =	vmul.f32 v7, v7;
	[tilespmem:s3+$0xFFFFFE00] =	vst v6;
	v6 =	vadd.f32 v9, v8  }
0x107: {  	v8 =	vadd.s32 v1, v5  }
0x108: {  	v6 =	vadd.f32 v7, v6  }
0x109: {  	s4 =	sadd.s32 $0x10, s4  }
0x10a: {  	v5 =	vadd.s32 v2, v5;
	[tilespmem:s4+$0x0] =	vst v6  }
0x10b: {  	v6 =	vld.idx.msk [tilespmem:v10+s1+$0x0], $0xffff  }
0x10c: {  	v7 =	vld.idx.msk [tilespmem:v8+s1+$0x0], $0xffff;
	_ =	sdelay $0x2  }
0x10d: {  	v5 =	vld.idx.msk [tilespmem:v5+s1+$0x0], $0xffff;
	_ =	sdelay $0x1  }
0x10e: {  	v6 =	vmul.u32 $0x3, v6  }
0x10f: {  	v7 =	vmul.u32 $0x3, v7;
	_ =	sdelay $0x1  }
0x110: {  	v8 =	vadd.s32 $0x2, v7  }
0x111: {  	v9 =	vadd.s32 $0x1, v7;
	v5 =	vmul.u32 $0x3, v5;
	_ =	sdelay $0x1  }
0x112: {  	v11 =	vadd.s32 $0x1, v5;
	v10 =	vld.idx.msk [tilespmem:v6+s31+$0x0], $0xffff  }
0x113: {  	v12 =	vadd.s32 $0x2, v5;
	v7 =	vld.idx.msk [tilespmem:v7+s31+$0x0], $0xffff  }
0x114: {  	v13 =	vadd.s32 $0x1, v6;
	v8 =	vld.idx.msk [tilespmem:v8+s31+$0x0], $0xffff  }
0x115: {  	v6 =	vadd.s32 $0x2, v6;
	v9 =	vld.idx.msk [tilespmem:v9+s31+$0x0], $0xffff  }
0x116: {  	v5 =	vld.idx.msk [tilespmem:v5+s31+$0x0], $0xffff  }
0x117: {  	v11 =	vld.idx.msk [tilespmem:v11+s31+$0x0], $0xffff  }
0x118: {  	v12 =	vld.idx.msk [tilespmem:v12+s31+$0x0], $0xffff  }
0x119: {  	s3 =	sadd.s32 $0x10, s3;
	v13 =	vld.idx.msk [tilespmem:v13+s31+$0x0], $0xffff  }
0x11a: {  	v6 =	vld.idx.msk [tilespmem:v6+s31+$0x0], $0xffff;
	[tilespmem:s3+$0x180] =	vst v4  }
0x11b: {  	[tilespmem:s3+$0x100] =	vst v4  }
0x11c: {  	[tilespmem:s3+$0x80] =	vst v4  }
0x11d: {  	v5 =	vadd.f32 v5, v7;
	v7 =	vadd.f32 v11, v9;
	[tilespmem:s3+$0x0] =	vst v4  }
0x11e: {  	s9 =	sor.u32 s7, s5;
	v8 =	vadd.f32 v12, v8;
	[tilespmem:s3+$0xFFFFFF80] =	vst v4  }
.Ltmp4:
0x11f: {  	v9 =	vmov s9;
	v5 =	vadd.f32 v10, v5;
	v7 =	vadd.f32 v13, v7;
	(pc) =	sbr.rel @p2 .LBB2_5-.Ltmp4, $4  }
0x120: {  	v9 =	vmul.u32 $0x3, v9;
	v8 =	vadd.f32 v6, v8  }
0x121: {  	v6 =	vmul.f32 $3.333333430e-01, v5;
	v10 =	vmul.f32 $3.333333430e-01, v7  }
0x122: {  	v5 =	vbroadcast v9, $0x0;
	v7 =	vmul.f32 $3.333333430e-01, v8  }
0x123: {  	s5 =	sadd.s32 $0x10, s5;
	v8 =	vmul.f32 v6, v6;
	v9 =	vmul.f32 v10, v10;
	[tilespmem:s3+$0xFFFFFE80] =	vst v10  }
0x124: {  	_ = 	snop  }
0x125: {  	v10 =	vadd.s32 v3, v5;
	v56 =	vmul.f32 v7, v7;
	v8 =	vadd.f32 v9, v8  }
0x126: {  	v11 =	vadd.s32 v1, v5  }
0x127: {  	[tilespmem:s3+$0xFFFFFF00] =	vst v7;
	v5 =	vadd.s32 v2, v5;
	v7 =	vadd.f32 v56, v8  }
0x128: {  	[tilespmem:s3+$0xFFFFFE00] =	vst v6;
	s4 =	sadd.s32 $0x10, s4  }
0x129: {  	[tilespmem:s4+$0x0] =	vst v7  }
0x12a: {  	v6 =	vld.idx.msk [tilespmem:v10+s1+$0x0], $0xffff  }
0x12b: {  	v7 =	vld.idx.msk [tilespmem:v11+s1+$0x0], $0xffff  }
0x12c: {  	v5 =	vld.idx.msk [tilespmem:v5+s1+$0x0], $0xffff;
	_ =	sdelay $0x2  }
0x12d: {  	v6 =	vmul.u32 $0x3, v6  }
0x12e: {  	v7 =	vmul.u32 $0x3, v7  }
0x12f: {  	v5 =	vmul.u32 $0x3, v5;
	_ =	sdelay $0x1  }
0x130: {  	v57 =	vadd.s32 $0x2, v7  }
0x131: {  	v58 =	vadd.s32 $0x1, v7  }
0x132: {  	v60 =	vadd.s32 $0x1, v5;
	v59 =	vld.idx.msk [tilespmem:v6+s31+$0x0], $0xffff  }
0x133: {  	v12 =	vadd.s32 $0x2, v5;
	v7 =	vld.idx.msk [tilespmem:v7+s31+$0x0], $0xffff  }
0x134: {  	v13 =	vadd.s32 $0x1, v6;
	v5 =	vld.idx.msk [tilespmem:v5+s31+$0x0], $0xffff  }
0x135: {  	v8 =	vld.idx.msk [tilespmem:v57+s31+$0x0], $0xffff  }
0x136: {  	v6 =	vadd.s32 $0x2, v6;
	v9 =	vld.idx.msk [tilespmem:v58+s31+$0x0], $0xffff  }
0x137: {  	v11 =	vld.idx.msk [tilespmem:v60+s31+$0x0], $0xffff  }
0x138: {  	v12 =	vld.idx.msk [tilespmem:v12+s31+$0x0], $0xffff  }
0x139: {  	v13 =	vld.idx.msk [tilespmem:v13+s31+$0x0], $0xffff;
	_ =	sdelay $0x1  }
0x13a: {  	v6 =	vld.idx.msk [tilespmem:v6+s31+$0x0], $0xffff;
	v5 =	vadd.f32 v5, v7  }
0x13b: {  	v7 =	vadd.f32 v11, v9  }
0x13c: {  	v5 =	vadd.f32 v59, v5  }
0x13d: {  	v8 =	vadd.f32 v12, v8;
	v7 =	vadd.f32 v13, v7  }
0x13e: {  	s16 =	sadd.s32 $0x10, s3;
	v5 =	vmul.f32 $3.333333430e-01, v5  }
0x13f: {  	[tilespmem:s16+$0x180] =	vst v4;
	v6 =	vadd.f32 v6, v8;
	v7 =	vmul.f32 $3.333333430e-01, v7  }
0x140: {  	[tilespmem:s16+$0x100] =	vst v4;
	v61 =	vmul.f32 v5, v5  }
0x141: {  	[tilespmem:s16+$0x80] =	vst v4;
	v6 =	vmul.f32 $3.333333430e-01, v6;
	v62 =	vmul.f32 v7, v7  }
0x142: {  	[tilespmem:s16+$0x0] =	vst v4  }
0x143: {  	[tilespmem:s16+$0xFFFFFF80] =	vst v4;
	v8 =	vadd.f32 v62, v61;
	v63 =	vmul.f32 v6, v6  }
0x144: {  	[tilespmem:s16+$0xFFFFFE00] =	vst v5  }
0x145: {  	[tilespmem:s16+$0xFFFFFF00] =	vst v6;
	v6 =	vadd.f32 v63, v8  }
0x146: {  	s18 =	sadd.s32 $0x10, s4;
	[tilespmem:s16+$0xFFFFFE80] =	vst v7  }
0x147: {  	s19 =	rddreg [dreg:$0x7];
	s20 =	simm.s32 $0xAA80;
	[tilespmem:s18+$0x0] =	vst v6  }
0x148: {  	[hbm4b:s19+s2] =	stream.linear.scatter [tilespmem:s20], [sflag:$0x1], $0x400, $0x38;
	[tilespmem:$0xBF00] =	vst v63  }
0x149: {  	_ =	swait.ge [sflag:s29], $0x400  }
0x14a: {  	[sflag:s29] =	ssyncset.done $0x0  }
0x14b: {  	s22 =	simm.s32 $0xBD00;
	s21 =	rddreg [dreg:$0x8];
	[sflag:s29] =	ssyncadd.s32 $0xFFFFFC00  }
0x14c: {  	[hbm4b:s21+s2] =	stream.linear.scatter [tilespmem:s22], [sflag:$0x1], $0x80, $0x38;
	[tilespmem:$0xBF00] =	vst v63  }
0x14d: {  	_ =	swait.ge [sflag:s29], $0x80  }
0x14e: {  	[sflag:s29] =	ssyncset.done $0x0  }
0x14f: {  	[sflag:s29] =	ssyncadd.s32 $0xFFFFFF80  }
.LBB2_7:
0x150: {  	s12 =	simm.s32 $0x0  }
0x151: {  	s3 =	sor.u32 s8, s12  }
0x152: {  	v5 =	vor.u32 s3, v0  }
0x153: {  	v5 =	vshrl.u32 v5, $0x3  }
0x154: {  	v5 =	vmul.u32 $0x3, v5;
	_ =	sdelay $0x1  }
0x155: {  	v6 =	vadd.s32 $0x1, v5;
	_ =	sdelay $0x1  }
0x156: {  	v7 =	vadd.s32 $0x2, v5;
	_ =	sdelay $0x1  }
0x157: {  	v5 =	vld.idx.msk [tilespmem:v5+s1+$0x0], $0xffff  }
0x158: {  	v6 =	vld.idx.msk [tilespmem:v6+s1+$0x0], $0xffff;
	_ =	sdelay $0x1  }
0x159: {  	v7 =	vld.idx.msk [tilespmem:v7+s1+$0x0], $0xffff;
	_ =	sdelay $0x1  }
0x15a: {  	v5 =	vmul.u32 $0x3, v5  }
0x15b: {  	v6 =	vmul.u32 $0x3, v6  }
0x15c: {  	s18 =	simm.s32 $0x9580  }
0x15d: {  	s4 =	simm.s32 $0x9480;
	v9 =	vld [tilespmem:s18+$0x0];
	v7 =	vmul.u32 $0x3, v7;
	v11 =	vadd.s32 $0x1, v5  }
0x15e: {  	s19 =	simm.s32 $0x9380;
	v10 =	vld [tilespmem:s4+$0x0]  }
0x15f: {  	v12 =	vld [tilespmem:s19+$0x0];
	v8 =	vadd.s32 $0x1, v6  }
0x160: {  	v15 =	vadd.s32 $0x2, v5;
	v5 =	vld.idx.msk [tilespmem:v5+s31+$0x0], $0xffff  }
0x161: {  	v13 =	vadd.s32 $0x1, v7;
	v14 =	vld.idx.msk [tilespmem:v6+s31+$0x0], $0xffff  }
0x162: {  	v6 =	vadd.s32 $0x2, v6;
	v11 =	vld.idx.msk [tilespmem:v11+s31+$0x0], $0xffff  }
0x163: {  	v16 =	vadd.s32 $0x2, v7;
	v7 =	vld.idx.msk [tilespmem:v7+s31+$0x0], $0xffff  }
0x164: {  	v8 =	vld.idx.msk [tilespmem:v8+s31+$0x0], $0xffff  }
0x165: {  	v15 =	vld.idx.msk [tilespmem:v15+s31+$0x0], $0xffff  }
0x166: {  	v13 =	vld.idx.msk [tilespmem:v13+s31+$0x0], $0xffff  }
0x167: {  	v6 =	vld.idx.msk [tilespmem:v6+s31+$0x0], $0xffff  }
0x168: {  	v16 =	vld.idx.msk [tilespmem:v16+s31+$0x0], $0xffff;
	v5 =	vmul.f32 v5, v12;
	v14 =	vmul.f32 v14, v10  }
0x169: {  	s20 =	sand.u32 $0x70, s12;
	s21 =	sand.u32 $0x400, s12;
	v11 =	vmul.f32 v11, v12;
	v8 =	vmul.f32 v8, v10  }
0x16a: {  	s19 =	sor.u32 s20, s21;
	v7 =	vmul.f32 v7, v9  }
0x16b: {  	[tilespmem:s19+$0xB000] =	vst v4;
	v5 =	vadd.f32 v14, v5;
	v8 =	vadd.f32 v8, v11;
	v11 =	vmul.f32 v13, v9  }
0x16c: {  	s18 =	simm.s32 $0x10;
	[tilespmem:s19+$0xB080] =	vst v4;
	v6 =	vmul.f32 v6, v10;
	v10 =	vmul.f32 v15, v12  }
0x16d: {  	s22 =	sor.u32 s8, s18;
	[tilespmem:s19+$0xB100] =	vst v4;
	v9 =	vmul.f32 v16, v9;
	v7 =	vadd.f32 v7, v5  }
0x16e: {  	s9 =	simm.s32 $0xBD80;
	s16 =	simm.s32 $0x20;
	s5 =	simm.s32 $0x9390;
	[tilespmem:s19+$0xB180] =	vst v4;
	v8 =	vadd.f32 v11, v8;
	v11 =	vor.u32 s22, v0;
	v6 =	vadd.f32 v6, v10  }
0x16f: {  	s10 =	simm.s32 $0x9490;
	s13 =	simm.s32 $0x9590;
	s14 =	simm.s32 $0x0;
	v5 =	vshrl.u32 v11, $0x3;
	[tilespmem:s19+$0xAE80] =	vst v7;
	v7 =	vmul.f32 v7, v7  }
0x170: {  	s4 =	simm.s32 $0x0;
	s20 =	simm.s32 $0xBD90;
	s3 =	simm.s32 $0x10;
	[tilespmem:s19+$0xAF00] =	vst v8;
	v5 =	vmul.u32 $0x3, v5;
	v8 =	vmul.f32 v8, v8;
	v6 =	vadd.f32 v9, v6  }
.LBB2_8:
0x171: {  	s22 =	sor.u32 s4, s14;
	s4 =	sadd.s32 $0x80, s4  }
0x172: {  	v9 =	vadd.s32 $0x1, v5;
	v7 =	vadd.f32 v8, v7;
	s14 =	smov.u32 s3;
	s3 =	smov.u32 s16;
	s21 =	sadd.s32 $0x10, s16  }
0x173: {  	p2 =	sne.s32 s16, $0xF0;
	[tilespmem:s19+$0xAF80] =	vst v6;
	s16 =	sor.u32 $0x380, s22;
	v6 =	vmul.f32 v6, v6  }
0x174: {  	v8 =	vadd.s32 $0x2, v5;
	[tilespmem:s16+$0xAE80] =	vst v4  }
0x175: {  	v6 =	vadd.f32 v6, v7;
	_ =	sdelay $0x1  }
0x176: {  	[tilespmem:s9+$0x0] =	vst v6;
	s9 =	smov.u32 s20  }
0x177: {  	v6 =	vld.idx.msk [tilespmem:v9+s1+$0x0], $0xffff;
	_ =	sdelay $0x1  }
0x178: {  	v5 =	vld.idx.msk [tilespmem:v5+s1+$0x0], $0xffff  }
0x179: {  	v7 =	vld.idx.msk [tilespmem:v8+s1+$0x0], $0xffff;
	_ =	sdelay $0x2  }
0x17a: {  	v6 =	vmul.u32 $0x3, v6;
	_ =	sdelay $0x1  }
0x17b: {  	v5 =	vmul.u32 $0x3, v5;
	v8 =	vadd.s32 $0x1, v6  }
0x17c: {  	v7 =	vmul.u32 $0x3, v7;
	v9 =	vld [tilespmem:s13+$0x0]  }
0x17d: {  	v11 =	vadd.s32 $0x1, v5;
	v12 =	vadd.s32 $0x2, v5;
	v10 =	vld [tilespmem:s10+$0x0]  }
0x17e: {  	v14 =	vadd.s32 $0x1, v7;
	v15 =	vadd.s32 $0x2, v7;
	v13 =	vld [tilespmem:s5+$0x0]  }
0x17f: {  	v16 =	vld.idx.msk [tilespmem:v6+s31+$0x0], $0xffff;
	v6 =	vadd.s32 $0x2, v6  }
0x180: {  	v8 =	vld.idx.msk [tilespmem:v8+s31+$0x0], $0xffff  }
0x181: {  	v5 =	vld.idx.msk [tilespmem:v5+s31+$0x0], $0xffff  }
0x182: {  	v11 =	vld.idx.msk [tilespmem:v11+s31+$0x0], $0xffff  }
0x183: {  	v14 =	vld.idx.msk [tilespmem:v14+s31+$0x0], $0xffff  }
0x184: {  	v6 =	vld.idx.msk [tilespmem:v6+s31+$0x0], $0xffff  }
0x185: {  	v7 =	vld.idx.msk [tilespmem:v7+s31+$0x0], $0xffff  }
0x186: {  	s19 =	sand.u32 $0x400, s4;
	s16 =	sand.u32 $0x70, s14;
	v12 =	vld.idx.msk [tilespmem:v12+s31+$0x0], $0xffff  }
0x187: {  	s19 =	sor.u32 s16, s19;
	v16 =	vmul.f32 v16, v10;
	v5 =	vmul.f32 v5, v13;
	v15 =	vld.idx.msk [tilespmem:v15+s31+$0x0], $0xffff  }
0x188: {  	v8 =	vmul.f32 v8, v10;
	v11 =	vmul.f32 v11, v13;
	[tilespmem:s19+$0xB000] =	vst v4  }
0x189: {  	v5 =	vadd.f32 v16, v5;
	[tilespmem:s19+$0xB080] =	vst v4  }
0x18a: {  	v8 =	vadd.f32 v8, v11;
	v11 =	vmul.f32 v14, v9;
	[tilespmem:s19+$0xB100] =	vst v4  }
0x18b: {  	v6 =	vmul.f32 v6, v10;
	v7 =	vmul.f32 v7, v9;
	[tilespmem:s19+$0xB180] =	vst v4  }
.Ltmp5:
0x18c: {  	s16 =	sor.u32 s8, s3;
	v8 =	vadd.f32 v11, v8;
	v10 =	vmul.f32 v12, v13;
	(pc) =	sbr.rel @p2 .LBB2_8-.Ltmp5, $4  }
0x18d: {  	v11 =	vor.u32 s16, v0;
	v7 =	vadd.f32 v7, v5;
	v9 =	vmul.f32 v15, v9  }
0x18e: {  	v5 =	vshrl.u32 v11, $0x3;
	v6 =	vadd.f32 v6, v10;
	[tilespmem:s19+$0xAF00] =	vst v8  }
0x18f: {  	s20 =	sadd.s32 $0x10, s20;
	s13 =	sadd.s32 $0x10, s13;
	v5 =	vmul.u32 $0x3, v5;
	v8 =	vmul.f32 v8, v8;
	[tilespmem:s19+$0xAE80] =	vst v7;
	v7 =	vmul.f32 v7, v7  }
0x190: {  	s10 =	sadd.s32 $0x10, s10;
	s5 =	sadd.s32 $0x10, s5;
	s16 =	smov.u32 s21;
	v6 =	vadd.f32 v9, v6  }
0x191: {  	_ = 	snop  }
0x192: {  	v9 =	vadd.s32 $0x1, v5;
	v7 =	vadd.f32 v8, v7;
	v8 =	vmul.f32 v6, v6  }
0x193: {  	s14 =	sor.u32 s4, s14  }
0x194: {  	[tilespmem:s19+$0xAF80] =	vst v6;
	s14 =	sor.u32 $0x380, s14;
	v6 =	vadd.f32 v8, v7  }
0x195: {  	[tilespmem:s14+$0xAE80] =	vst v4  }
0x196: {  	[tilespmem:s9+$0x0] =	vst v6  }
0x197: {  	v7 =	vadd.s32 $0x2, v5;
	v6 =	vld.idx.msk [tilespmem:v9+s1+$0x0], $0xffff  }
0x198: {  	v5 =	vld.idx.msk [tilespmem:v5+s1+$0x0], $0xffff;
	_ =	sdelay $0x3  }
0x199: {  	v7 =	vld.idx.msk [tilespmem:v7+s1+$0x0], $0xffff;
	v6 =	vmul.u32 $0x3, v6  }
0x19a: {  	v5 =	vmul.u32 $0x3, v5;
	_ =	sdelay $0x1  }
0x19b: {  	v9 =	vld [tilespmem:s13+$0x0];
	v8 =	vadd.s32 $0x1, v6  }
0x19c: {  	v10 =	vld [tilespmem:s10+$0x0];
	v11 =	vadd.s32 $0x1, v5  }
0x19d: {  	v12 =	vld [tilespmem:s5+$0x0];
	v7 =	vmul.u32 $0x3, v7;
	v15 =	vadd.s32 $0x2, v5  }
0x19e: {  	v14 =	vld.idx.msk [tilespmem:v6+s31+$0x0], $0xffff  }
0x19f: {  	v13 =	vadd.s32 $0x1, v7;
	v5 =	vld.idx.msk [tilespmem:v5+s31+$0x0], $0xffff  }
0x1a0: {  	v6 =	vadd.s32 $0x2, v6;
	v8 =	vld.idx.msk [tilespmem:v8+s31+$0x0], $0xffff  }
0x1a1: {  	v11 =	vld.idx.msk [tilespmem:v11+s31+$0x0], $0xffff  }
0x1a2: {  	v16 =	vadd.s32 $0x2, v7;
	v15 =	vld.idx.msk [tilespmem:v15+s31+$0x0], $0xffff  }
0x1a3: {  	v7 =	vld.idx.msk [tilespmem:v7+s31+$0x0], $0xffff  }
0x1a4: {  	v13 =	vld.idx.msk [tilespmem:v13+s31+$0x0], $0xffff  }
0x1a5: {  	v6 =	vld.idx.msk [tilespmem:v6+s31+$0x0], $0xffff;
	_ =	sdelay $0x1  }
0x1a6: {  	v16 =	vld.idx.msk [tilespmem:v16+s31+$0x0], $0xffff;
	v5 =	vmul.f32 v5, v12;
	v14 =	vmul.f32 v14, v10  }
0x1a7: {  	v11 =	vmul.f32 v11, v12;
	v8 =	vmul.f32 v8, v10  }
0x1a8: {  	s10 =	sadd.s32 $0x80, s4;
	v5 =	vadd.f32 v14, v5;
	v7 =	vmul.f32 v7, v9;
	v13 =	vmul.f32 v13, v9  }
0x1a9: {  	s13 =	sand.u32 $0x70, s3;
	s14 =	sand.u32 $0x400, s10;
	v8 =	vadd.f32 v8, v11;
	v6 =	vmul.f32 v6, v10;
	v10 =	vmul.f32 v15, v12  }
0x1aa: {  	s5 =	sor.u32 s13, s14;
	v5 =	vadd.f32 v7, v5  }
0x1ab: {  	s16 =	sor.u32 s7, s12;
	[tilespmem:s5+$0xB000] =	vst v4;
	v7 =	vadd.f32 v13, v8;
	v8 =	vmul.f32 v16, v9;
	v6 =	vadd.f32 v6, v10  }
0x1ac: {  	[tilespmem:s5+$0xB080] =	vst v4;
	v9 =	vmul.f32 v5, v5;
	v10 =	vmov s16  }
0x1ad: {  	[tilespmem:s5+$0xB100] =	vst v4;
	v11 =	vmul.f32 v7, v7;
	v6 =	vadd.f32 v8, v6;
	v8 =	vmul.u32 $0x3, v10  }
0x1ae: {  	[tilespmem:s5+$0xB180] =	vst v4  }
0x1af: {  	[tilespmem:s5+$0xAF00] =	vst v7;
	v7 =	vadd.f32 v11, v9;
	v9 =	vmul.f32 v6, v6;
	v11 =	vadd.s32 v1, v8  }
0x1b0: {  	s19 =	sor.u32 s10, s3;
	[tilespmem:s5+$0xAE80] =	vst v5;
	v5 =	vadd.s32 v2, v8  }
0x1b1: {  	s3 =	sor.u32 $0x380, s19;
	[tilespmem:s5+$0xAF80] =	vst v6;
	v6 =	vadd.f32 v9, v7  }
0x1b2: {  	[tilespmem:s3+$0xAE80] =	vst v4;
	v7 =	vadd.s32 v3, v8  }
0x1b3: {  	[tilespmem:s20+$0x0] =	vst v6  }
0x1b4: {  	v6 =	vld.idx.msk [tilespmem:v11+s2+$0x0], $0xffff  }
0x1b5: {  	v8 =	vld.idx.msk [tilespmem:v5+s2+$0x0], $0xffff;
	_ =	sdelay $0x1  }
0x1b6: {  	v7 =	vld.idx.msk [tilespmem:v7+s2+$0x0], $0xffff  }
0x1b7: {  	s20 =	simm.s32 $0xB880  }
0x1b8: {  	s21 =	sor.u32 s7, s18;
	[tilespmem:s20+$0xFFFFFF80] =	vst v4  }
0x1b9: {  	v5 =	vmov s21;
	[tilespmem:s20+$0x0] =	vst v4;
	v9 =	vmul.f32 v6, v6;
	v11 =	vmul.f32 v8, v8  }
0x1ba: {  	v61 =	vmul.u32 $0x3, v5;
	[tilespmem:s20+$0x80] =	vst v4  }
0x1bb: {  	[tilespmem:s20+$0x100] =	vst v4;
	v6 =	vmul.f32 $-2.000000000e+00, v6;
	v9 =	vadd.f32 v11, v9;
	v11 =	vmul.f32 v7, v7  }
0x1bc: {  	[tilespmem:s20+$0x180] =	vst v4;
	v62 =	vadd.s32 v1, v61;
	v8 =	vmul.f32 $-2.000000000e+00, v8  }
0x1bd: {  	v63 =	vadd.s32 v2, v61;
	[tilespmem:s20+$0xFFFFFE00] =	vst v6;
	v6 =	vmul.f32 $-2.000000000e+00, v7;
	v9 =	vadd.f32 v11, v9  }
0x1be: {  	vm0 =	vlt.u32 v10, $0x2710;
	[tilespmem:s20+$0xFFFFFE80] =	vst v8  }
0x1bf: {  	s3 =	simm.s32 $0xBE80;
	[tilespmem:s20+$0xFFFFFF00] =	vst v6;
	v6 =	vadd.s32 v3, v61;
	v7 =	vnsel vm0, $0x7149F2CA, v9  }
0x1c0: {  	[tilespmem:s3+$0x0] =	vst v7  }
0x1c1: {  	v9 =	vld.idx.msk [tilespmem:v62+s2+$0x0], $0xffff  }
0x1c2: {  	v8 =	vld.idx.msk [tilespmem:v63+s2+$0x0], $0xffff;
	_ =	sdelay $0x1  }
0x1c3: {  	v7 =	vld.idx.msk [tilespmem:v6+s2+$0x0], $0xffff  }
0x1c4: {  	s22 =	simm.s32 $0x20;
	s4 =	simm.s32 $0xB890  }
0x1c5: {  	s5 =	sor.u32 s7, s22;
	[tilespmem:s4+$0xFFFFFF80] =	vst v4  }
0x1c6: {  	v6 =	vmov s5;
	s5 =	simm.s32 $0x30;
	[tilespmem:s4+$0x0] =	vst v4;
	v10 =	vmul.f32 v9, v9;
	v11 =	vmul.f32 v8, v8  }
.LBB2_10:
0x1c7: {  	p2 =	sne.s32 s5, $0x70;
	v12 =	vmul.u32 $0x3, v6;
	[tilespmem:s4+$0x80] =	vst v4  }
0x1c8: {  	v9 =	vmul.f32 $-2.000000000e+00, v9;
	v10 =	vadd.f32 v11, v10;
	v11 =	vmul.f32 v7, v7;
	[tilespmem:s4+$0x100] =	vst v4  }
0x1c9: {  	v8 =	vmul.f32 $-2.000000000e+00, v8;
	v13 =	vadd.s32 v1, v12;
	[tilespmem:s4+$0x180] =	vst v4  }
0x1ca: {  	v7 =	vmul.f32 $-2.000000000e+00, v7;
	v14 =	vadd.s32 v2, v12;
	v10 =	vadd.f32 v11, v10;
	[tilespmem:s4+$0xFFFFFE00] =	vst v9  }
0x1cb: {  	vm0 =	vlt.u32 v5, $0x2710;
	v5 =	vmov v6;
	[tilespmem:s4+$0xFFFFFE80] =	vst v8  }
0x1cc: {  	s3 =	sadd.s32 $0x10, s3;
	v6 =	vadd.s32 v3, v12;
	v8 =	vnsel vm0, $0x7149F2CA, v10;
	[tilespmem:s4+$0xFFFFFF00] =	vst v7  }
0x1cd: {  	[tilespmem:s3+$0x0] =	vst v8  }
0x1ce: {  	v9 =	vld.idx.msk [tilespmem:v13+s2+$0x0], $0xffff  }
0x1cf: {  	v8 =	vld.idx.msk [tilespmem:v14+s2+$0x0], $0xffff;
	_ =	sdelay $0x1  }
.Ltmp6:
0x1d0: {  	v7 =	vld.idx.msk [tilespmem:v6+s2+$0x0], $0xffff;
	(pc) =	sbr.rel @p2 .LBB2_10-.Ltmp6, $4  }
0x1d1: {  	_ = 	snop  }
0x1d2: {  	s4 =	sadd.s32 $0x10, s4  }
0x1d3: {  	s9 =	sor.u32 s7, s5;
	[tilespmem:s4+$0xFFFFFF80] =	vst v4  }
0x1d4: {  	s5 =	sadd.s32 $0x10, s5;
	v6 =	vmov s9;
	v10 =	vmul.f32 v9, v9;
	v11 =	vmul.f32 v8, v8;
	[tilespmem:s4+$0x0] =	vst v4  }
0x1d5: {  	v12 =	vmul.u32 $0x3, v6;
	[tilespmem:s4+$0x80] =	vst v4  }
0x1d6: {  	v9 =	vmul.f32 $-2.000000000e+00, v9;
	[tilespmem:s4+$0x100] =	vst v4;
	v10 =	vadd.f32 v11, v10;
	v11 =	vmul.f32 v7, v7  }
0x1d7: {  	v8 =	vmul.f32 $-2.000000000e+00, v8;
	[tilespmem:s4+$0x180] =	vst v4;
	v13 =	vadd.s32 v1, v12  }
0x1d8: {  	v7 =	vmul.f32 $-2.000000000e+00, v7;
	v14 =	vadd.s32 v2, v12;
	[tilespmem:s4+$0xFFFFFE00] =	vst v9;
	v10 =	vadd.f32 v11, v10  }
0x1d9: {  	vm0 =	vlt.u32 v5, $0x2710;
	[tilespmem:s4+$0xFFFFFE80] =	vst v8  }
0x1da: {  	s3 =	sadd.s32 $0x10, s3;
	v5 =	vadd.s32 v3, v12;
	[tilespmem:s4+$0xFFFFFF00] =	vst v7;
	v8 =	vnsel vm0, $0x7149F2CA, v10  }
0x1db: {  	[tilespmem:s3+$0x0] =	vst v8  }
0x1dc: {  	v7 =	vld.idx.msk [tilespmem:v13+s2+$0x0], $0xffff  }
0x1dd: {  	v8 =	vld.idx.msk [tilespmem:v14+s2+$0x0], $0xffff;
	_ =	sdelay $0x1  }
0x1de: {  	v5 =	vld.idx.msk [tilespmem:v5+s2+$0x0], $0xffff  }
0x1df: {  	s14 =	sadd.s32 $0x10, s4  }
0x1e0: {  	[tilespmem:s14+$0xFFFFFF80] =	vst v4  }
0x1e1: {  	[tilespmem:s14+$0x0] =	vst v4;
	v9 =	vmul.f32 v7, v7;
	v10 =	vmul.f32 v8, v8  }
0x1e2: {  	[tilespmem:s14+$0x80] =	vst v4  }
0x1e3: {  	[tilespmem:s14+$0x100] =	vst v4;
	v7 =	vmul.f32 $-2.000000000e+00, v7;
	v9 =	vadd.f32 v10, v9;
	v10 =	vmul.f32 v5, v5  }
0x1e4: {  	[tilespmem:s14+$0x180] =	vst v4;
	v8 =	vmul.f32 $-2.000000000e+00, v8  }
0x1e5: {  	[tilespmem:s14+$0xFFFFFE00] =	vst v7;
	v5 =	vmul.f32 $-2.000000000e+00, v5;
	v9 =	vadd.f32 v10, v9  }
0x1e6: {  	vm14 =	vlt.u32 v6, $0x2710;
	[tilespmem:s14+$0xFFFFFE80] =	vst v8  }
0x1e7: {  	s16 =	simm.s32 $0x0;
	s3 =	sadd.s32 $0x10, s3;
	[tilespmem:s14+$0xFFFFFF00] =	vst v5;
	v6 =	vnsel vm14, $0x7149F2CA, v9  }
0x1e8: {  	s5 =	rddreg [dreg:$0x9];
	s18 =	sor.u32 s15, s16;
	[tilespmem:s3+$0x0] =	vst v6  }
0x1e9: {  	v6 =	vmov s18;
	[hbm4b:s5+s16] =	stream.linear.scatter [tilespmem:s0], [sflag:$0x1], $0x400, $0x38;
	[tilespmem:$0xBF00] =	vst v63  }
0x1ea: {  	v5 =	vmul.u32 $0x3, v6;
	_ =	swait.ge [sflag:s29], $0x400  }
0x1eb: {  	[sflag:s29] =	ssyncset.done $0x0  }
0x1ec: {  	s3 =	simm.s32 $0xBE80;
	v7 =	vadd.s32 v1, v5;
	s19 =	rddreg [dreg:$0xa];
	[sflag:s29] =	ssyncadd.s32 $0xFFFFFC00  }
0x1ed: {  	v8 =	vadd.s32 v2, v5;
	[hbm4b:s19+s16] =	stream.linear.scatter [tilespmem:s3], [sflag:$0x1], $0x80, $0x38;
	[tilespmem:$0xBF00] =	vst v63  }
0x1ee: {  	_ =	swait.ge [sflag:s29], $0x80  }
0x1ef: {  	v5 =	vadd.s32 v3, v5;
	[sflag:s29] =	ssyncset.done $0x0  }
0x1f0: {  	[sflag:s29] =	ssyncadd.s32 $0xFFFFFF80  }
0x1f1: {  	v7 =	vld.idx.msk [tilespmem:v7+s2+$0x0], $0xffff  }
0x1f2: {  	v8 =	vld.idx.msk [tilespmem:v8+s2+$0x0], $0xffff;
	_ =	sdelay $0x1  }
0x1f3: {  	v9 =	vld.idx.msk [tilespmem:v5+s2+$0x0], $0xffff  }
0x1f4: {  	s20 =	simm.s32 $0xB880;
	s21 =	simm.s32 $0x10  }
0x1f5: {  	s5 =	sor.u32 s15, s21;
	[tilespmem:s20+$0xFFFFFF80] =	vst v4  }
0x1f6: {  	v5 =	vmov s5;
	[tilespmem:s20+$0x0] =	vst v4;
	v10 =	vmul.f32 v7, v7;
	v11 =	vmul.f32 v8, v8  }
0x1f7: {  	[tilespmem:s20+$0x80] =	vst v4;
	v61 =	vmul.u32 $0x3, v5  }
0x1f8: {  	[tilespmem:s20+$0x100] =	vst v4;
	v7 =	vmul.f32 $-2.000000000e+00, v7;
	v10 =	vadd.f32 v11, v10;
	v11 =	vmul.f32 v9, v9  }
0x1f9: {  	[tilespmem:s20+$0x180] =	vst v4;
	v62 =	vadd.s32 v1, v61;
	v8 =	vmul.f32 $-2.000000000e+00, v8  }
0x1fa: {  	v63 =	vadd.s32 v2, v61;
	[tilespmem:s20+$0xFFFFFE00] =	vst v7;
	v7 =	vmul.f32 $-2.000000000e+00, v9;
	v10 =	vadd.f32 v11, v10  }
0x1fb: {  	vm15 =	vlt.u32 v6, $0x2710;
	[tilespmem:s20+$0xFFFFFE80] =	vst v8  }
0x1fc: {  	[tilespmem:s20+$0xFFFFFF00] =	vst v7;
	v7 =	vadd.s32 v3, v61;
	v6 =	vnsel vm15, $0x7149F2CA, v10  }
0x1fd: {  	[tilespmem:s3+$0x0] =	vst v6  }
0x1fe: {  	v9 =	vld.idx.msk [tilespmem:v62+s2+$0x0], $0xffff  }
0x1ff: {  	v8 =	vld.idx.msk [tilespmem:v63+s2+$0x0], $0xffff;
	_ =	sdelay $0x1  }
0x200: {  	v7 =	vld.idx.msk [tilespmem:v7+s2+$0x0], $0xffff  }
0x201: {  	s22 =	simm.s32 $0x20;
	s4 =	simm.s32 $0xB890  }
0x202: {  	s5 =	sor.u32 s15, s22;
	[tilespmem:s4+$0xFFFFFF80] =	vst v4  }
0x203: {  	v6 =	vmov s5;
	s5 =	simm.s32 $0x30;
	[tilespmem:s4+$0x0] =	vst v4;
	v10 =	vmul.f32 v9, v9;
	v11 =	vmul.f32 v8, v8  }
.LBB2_12:
0x204: {  	p2 =	sne.s32 s5, $0x70;
	v12 =	vmul.u32 $0x3, v6;
	[tilespmem:s4+$0x80] =	vst v4  }
0x205: {  	v9 =	vmul.f32 $-2.000000000e+00, v9;
	v10 =	vadd.f32 v11, v10;
	v11 =	vmul.f32 v7, v7;
	[tilespmem:s4+$0x100] =	vst v4  }
0x206: {  	v8 =	vmul.f32 $-2.000000000e+00, v8;
	v13 =	vadd.s32 v1, v12;
	[tilespmem:s4+$0x180] =	vst v4  }
0x207: {  	v7 =	vmul.f32 $-2.000000000e+00, v7;
	v14 =	vadd.s32 v2, v12;
	v10 =	vadd.f32 v11, v10;
	[tilespmem:s4+$0xFFFFFE00] =	vst v9  }
0x208: {  	vm0 =	vlt.u32 v5, $0x2710;
	v5 =	vmov v6;
	[tilespmem:s4+$0xFFFFFE80] =	vst v8  }
0x209: {  	s3 =	sadd.s32 $0x10, s3;
	v6 =	vadd.s32 v3, v12;
	v8 =	vnsel vm0, $0x7149F2CA, v10;
	[tilespmem:s4+$0xFFFFFF00] =	vst v7  }
0x20a: {  	[tilespmem:s3+$0x0] =	vst v8  }
0x20b: {  	v9 =	vld.idx.msk [tilespmem:v13+s2+$0x0], $0xffff  }
0x20c: {  	v8 =	vld.idx.msk [tilespmem:v14+s2+$0x0], $0xffff;
	_ =	sdelay $0x1  }
.Ltmp7:
0x20d: {  	v7 =	vld.idx.msk [tilespmem:v6+s2+$0x0], $0xffff;
	(pc) =	sbr.rel @p2 .LBB2_12-.Ltmp7, $4  }
0x20e: {  	_ = 	snop  }
0x20f: {  	s4 =	sadd.s32 $0x10, s4  }
0x210: {  	s9 =	sor.u32 s15, s5;
	[tilespmem:s4+$0xFFFFFF80] =	vst v4  }
0x211: {  	s5 =	sadd.s32 $0x10, s5;
	v6 =	vmov s9;
	v10 =	vmul.f32 v9, v9;
	v11 =	vmul.f32 v8, v8;
	[tilespmem:s4+$0x0] =	vst v4  }
0x212: {  	v12 =	vmul.u32 $0x3, v6;
	[tilespmem:s4+$0x80] =	vst v4  }
0x213: {  	v59 =	vmul.f32 v7, v7;
	v9 =	vmul.f32 $-2.000000000e+00, v9;
	[tilespmem:s4+$0x100] =	vst v4;
	v10 =	vadd.f32 v11, v10  }
0x214: {  	v8 =	vmul.f32 $-2.000000000e+00, v8;
	[tilespmem:s4+$0x180] =	vst v4;
	v13 =	vadd.s32 v1, v12  }
0x215: {  	v7 =	vmul.f32 $-2.000000000e+00, v7;
	v14 =	vadd.s32 v2, v12;
	[tilespmem:s4+$0xFFFFFE00] =	vst v9;
	v10 =	vadd.f32 v59, v10  }
0x216: {  	vm0 =	vlt.u32 v5, $0x2710;
	[tilespmem:s4+$0xFFFFFE80] =	vst v8  }
0x217: {  	s3 =	sadd.s32 $0x10, s3;
	v5 =	vadd.s32 v3, v12;
	[tilespmem:s4+$0xFFFFFF00] =	vst v7;
	v60 =	vnsel vm0, $0x7149F2CA, v10  }
0x218: {  	[tilespmem:s3+$0x0] =	vst v60  }
0x219: {  	v7 =	vld.idx.msk [tilespmem:v13+s2+$0x0], $0xffff  }
0x21a: {  	v8 =	vld.idx.msk [tilespmem:v14+s2+$0x0], $0xffff;
	_ =	sdelay $0x1  }
0x21b: {  	v5 =	vld.idx.msk [tilespmem:v5+s2+$0x0], $0xffff  }
0x21c: {  	s20 =	sadd.s32 $0x10, s4  }
0x21d: {  	[tilespmem:s20+$0xFFFFFF80] =	vst v4  }
0x21e: {  	[tilespmem:s20+$0x0] =	vst v4;
	v61 =	vmul.f32 v7, v7;
	v62 =	vmul.f32 v8, v8  }
0x21f: {  	[tilespmem:s20+$0x80] =	vst v4  }
0x220: {  	[tilespmem:s20+$0x100] =	vst v4;
	v63 =	vmul.f32 v5, v5;
	v7 =	vmul.f32 $-2.000000000e+00, v7;
	v9 =	vadd.f32 v62, v61  }
0x221: {  	[tilespmem:s20+$0x180] =	vst v4;
	v8 =	vmul.f32 $-2.000000000e+00, v8  }
0x222: {  	v5 =	vmul.f32 $-2.000000000e+00, v5;
	[tilespmem:s20+$0xFFFFFE00] =	vst v7;
	v9 =	vadd.f32 v63, v9  }
0x223: {  	vm15 =	vlt.u32 v6, $0x2710;
	[tilespmem:s20+$0xFFFFFE80] =	vst v8  }
0x224: {  	s3 =	sadd.s32 $0x10, s3;
	[tilespmem:s20+$0xFFFFFF00] =	vst v5;
	v6 =	vnsel vm15, $0x7149F2CA, v9  }
0x225: {  	s5 =	simm.s32 $0x0;
	s21 =	rddreg [dreg:$0xd];
	[tilespmem:s3+$0x0] =	vst v6  }
0x226: {  	[hbm4b:s21+s5] =	stream.linear.scatter [tilespmem:s0], [sflag:$0x1], $0x400, $0x38;
	[tilespmem:$0xBF00] =	vst v63  }
0x227: {  	_ =	swait.ge [sflag:s29], $0x400  }
0x228: {  	s3 =	simm.s32 $0xBE80;
	[sflag:s29] =	ssyncset.done $0x0  }
.Ltmp8:
0x229: {  	s22 =	rddreg [dreg:$0xb];
	[sflag:s29] =	ssyncadd.s32 $0xFFFFFC00;
	(pc) =	sbr.rel @p1 .LBB2_17-.Ltmp8, $4  }
0x22a: {  	[hbm4b:s22+s5] =	stream.linear.scatter [tilespmem:s3], [sflag:$0x1], $0x80, $0x38;
	[tilespmem:$0xBF00] =	vst v63  }
0x22b: {  	_ =	swait.ge [sflag:s29], $0x80  }
0x22c: {  	[sflag:s29] =	ssyncset.done $0x0  }
0x22d: {  	s4 =	simm.s32 $0xB880;
	[sflag:s29] =	ssyncadd.s32 $0xFFFFFF80  }
0x22e: {  	s5 =	sor.u32 s17, s5  }
0x22f: {  	v6 =	vmov s5  }
0x230: {  	v5 =	vmul.u32 $0x3, v6;
	_ =	sdelay $0x1  }
0x231: {  	v7 =	vadd.s32 v1, v5  }
0x232: {  	v8 =	vadd.s32 v2, v5;
	_ =	sdelay $0x1  }
0x233: {  	v5 =	vadd.s32 v3, v5;
	_ =	sdelay $0x1  }
0x234: {  	v7 =	vld.idx.msk [tilespmem:v7+s2+$0x0], $0xffff  }
0x235: {  	v8 =	vld.idx.msk [tilespmem:v8+s2+$0x0], $0xffff;
	_ =	sdelay $0x1  }
0x236: {  	v9 =	vld.idx.msk [tilespmem:v5+s2+$0x0], $0xffff  }
0x237: {  	s21 =	simm.s32 $0x10  }
0x238: {  	s5 =	sor.u32 s17, s21;
	[tilespmem:s4+$0xFFFFFF80] =	vst v4  }
0x239: {  	v5 =	vmov s5;
	[tilespmem:s4+$0x0] =	vst v4;
	v10 =	vmul.f32 v7, v7;
	v11 =	vmul.f32 v8, v8  }
0x23a: {  	[tilespmem:s4+$0x80] =	vst v4;
	v12 =	vmul.u32 $0x3, v5  }
0x23b: {  	[tilespmem:s4+$0x100] =	vst v4;
	v7 =	vmul.f32 $-2.000000000e+00, v7;
	v10 =	vadd.f32 v11, v10;
	v11 =	vmul.f32 v9, v9  }
0x23c: {  	[tilespmem:s4+$0x180] =	vst v4;
	v13 =	vadd.s32 v1, v12;
	v8 =	vmul.f32 $-2.000000000e+00, v8  }
0x23d: {  	v14 =	vadd.s32 v2, v12;
	[tilespmem:s4+$0xFFFFFE00] =	vst v7;
	v7 =	vmul.f32 $-2.000000000e+00, v9;
	v10 =	vadd.f32 v11, v10  }
0x23e: {  	vm0 =	vlt.u32 v6, $0x2710;
	[tilespmem:s4+$0xFFFFFE80] =	vst v8  }
0x23f: {  	[tilespmem:s4+$0xFFFFFF00] =	vst v7;
	v7 =	vadd.s32 v3, v12;
	v6 =	vnsel vm0, $0x7149F2CA, v10  }
0x240: {  	[tilespmem:s3+$0x0] =	vst v6  }
0x241: {  	v9 =	vld.idx.msk [tilespmem:v13+s2+$0x0], $0xffff  }
0x242: {  	v8 =	vld.idx.msk [tilespmem:v14+s2+$0x0], $0xffff;
	_ =	sdelay $0x1  }
0x243: {  	v7 =	vld.idx.msk [tilespmem:v7+s2+$0x0], $0xffff  }
0x244: {  	s22 =	simm.s32 $0x20;
	s4 =	simm.s32 $0xB890  }
0x245: {  	s5 =	sor.u32 s17, s22;
	[tilespmem:s4+$0xFFFFFF80] =	vst v4  }
0x246: {  	v6 =	vmov s5;
	s5 =	simm.s32 $0x30;
	[tilespmem:s4+$0x0] =	vst v4;
	v10 =	vmul.f32 v9, v9;
	v11 =	vmul.f32 v8, v8  }
.LBB2_15:
0x247: {  	p2 =	sne.s32 s5, $0x70;
	v12 =	vmul.u32 $0x3, v6;
	[tilespmem:s4+$0x80] =	vst v4  }
0x248: {  	v10 =	vadd.f32 v11, v10;
	v11 =	vmul.f32 v7, v7;
	v9 =	vmul.f32 $-2.000000000e+00, v9;
	[tilespmem:s4+$0x100] =	vst v4  }
0x249: {  	v8 =	vmul.f32 $-2.000000000e+00, v8;
	v13 =	vadd.s32 v1, v12;
	[tilespmem:s4+$0x180] =	vst v4  }
0x24a: {  	v7 =	vmul.f32 $-2.000000000e+00, v7;
	v14 =	vadd.s32 v2, v12;
	v10 =	vadd.f32 v11, v10;
	[tilespmem:s4+$0xFFFFFE00] =	vst v9  }
0x24b: {  	vm0 =	vlt.u32 v5, $0x2710;
	v5 =	vmov v6;
	[tilespmem:s4+$0xFFFFFE80] =	vst v8  }
0x24c: {  	s3 =	sadd.s32 $0x10, s3;
	v6 =	vadd.s32 v3, v12;
	v8 =	vnsel vm0, $0x7149F2CA, v10;
	[tilespmem:s4+$0xFFFFFF00] =	vst v7  }
0x24d: {  	[tilespmem:s3+$0x0] =	vst v8  }
0x24e: {  	v9 =	vld.idx.msk [tilespmem:v13+s2+$0x0], $0xffff  }
0x24f: {  	v8 =	vld.idx.msk [tilespmem:v14+s2+$0x0], $0xffff;
	_ =	sdelay $0x1  }
.Ltmp9:
0x250: {  	v7 =	vld.idx.msk [tilespmem:v6+s2+$0x0], $0xffff;
	(pc) =	sbr.rel @p2 .LBB2_15-.Ltmp9, $4  }
0x251: {  	_ = 	snop  }
0x252: {  	s4 =	sadd.s32 $0x10, s4  }
0x253: {  	s9 =	sor.u32 s17, s5;
	[tilespmem:s4+$0xFFFFFF80] =	vst v4  }
0x254: {  	s5 =	sadd.s32 $0x10, s5;
	v6 =	vmov s9;
	v10 =	vmul.f32 v9, v9;
	v11 =	vmul.f32 v8, v8;
	[tilespmem:s4+$0x0] =	vst v4  }
.Ltmp10:
0x255: {  	_ = 	snop;
	(pc) =	sbr.rel .LBB2_16-.Ltmp10, $1  }
0x256: {  	_ =	sdelay $0x3  }
.LBB2_18:
0x257: {  	_ =	sfence.sel $0x180000  }
0x258: {  	[bflag:$0x0] =	sbarrier.arrive $0xFFFF  }
0x259: {  	_ =	strace $0x90000047  }
0x25a: {  	s0 =	stileid.u32;
	[bflag:$0x2] =	sbarrier.arrive $0xFFFF  }
0x25b: {  	p0 =	sne.s32 s0, $0x0;
	s0 =	rddreg [dreg:$0x1]  }
0x25c: {  	s0 =	sadd.s32 @!p0 $0x100000, s0  }
0x25d: {  	[sflag:s0] =	ssyncadd.tile.s32 @!p0 $0x1;
	_ =	shalt  }
.Lfunc_end2:
_tile_overlayer_lowered:
.L_overlay_start_2:
0x25e: {  	(tag) =	ssettag $0x2  }
0x25f: {  	s0 =	rddreg [dreg:$0x0];
	s2 =	stileid.u32  }
0x260: {  	s1 =	rddreg [dreg:$0x1];
	p0 =	sne.s32 s2, $0x0  }
0x261: {  	s3 =	rddreg [dreg:$0x2];
	[bflag:$0x3] =	sbarrier.arrive $0xFFFF;
	s2 =	simm.s32 @!p0 $0x1C01  }
0x262: {  	[timem:s3], [sflag:s2] =	dma.local @!p0 [hbm:s0], s1  }
0x263: {  	s0 =	simm.s32 @!p0 $0x1  }
0x264: {  	_ =	swait.ge @!p0 [sflag:s0], s1  }
0x265: {  	s1 =	ssub.s32 @!p0 $0x0, s1;
	[sflag:s0] =	ssyncset.done @!p0 $0x0  }
0x266: {  	[sflag:s0] =	ssyncadd.s32 @!p0 s1  }
0x267: {  	[bflag:$0x3] =	sbarrier.arrive $0xFFFF  }
0x268: {  	_ =	shalt  }

</sc_bundles>
